<compile_context>
chip_gen: v7x
topology: tpu7x:2x2x1
jax: 0.10.2.dev20260603
libtpu: 0.0.44.dev20260713+nightly
codegen_flags: <defaults>
</compile_context>

<pallas_src>
import jax
import jax.numpy as jnp
from jax import lax
from jax.experimental import pallas as pl
from jax.experimental.pallas import tpu as pltpu
from jax.experimental.pallas import tpu_sc as plsc

KK = 256
N = 32768
ROWS = 1024
L = 16
NC = 2
NS = 16
NW = NC * NS
RPW = ROWS // NW
NBINS = 8192
NCOARSE = 512
CAP = 512
NVR = CAP // L


def _shrl(x, s):
    return lax.shift_right_logical(x, jnp.full((L,), s, jnp.int32))


def _body(x_hbm, out_hbm, row_v, hist_v, csuf_v, cand_v, outb_v, sem, sem2):
    wid = lax.axis_index("s") * NC + lax.axis_index("c")
    base_row = wid * RPW

    iota = lax.iota(jnp.int32, L)
    zeros_i = jnp.zeros((L,), jnp.int32)
    ones_i = jnp.ones((L,), jnp.int32)
    kvec = jnp.full((L,), KK, jnp.int32)
    neg_inf = jnp.full((L,), -jnp.inf, jnp.float32)
    sh31 = jnp.full((L,), 31, jnp.int32)
    min_i32 = jnp.full((L,), -2147483648, jnp.int32)
    capm1 = jnp.full((L,), CAP - 1, jnp.int32)

    def fkey(v):
        bi = lax.bitcast_convert_type(v, jnp.int32)
        return bi ^ (lax.shift_right_arithmetic(bi, sh31) | min_i32)

    def bin_to_threshold(b):
        tk = lax.shift_left(b, jnp.full((L,), 19, jnp.int32))
        tb = tk ^ (
            jnp.bitwise_not(lax.shift_right_arithmetic(tk, sh31)) | min_i32
        )
        return lax.bitcast_convert_type(tb, jnp.float32)

    csuf_v[pl.ds(NCOARSE, L)] = zeros_i

    pltpu.async_copy(x_hbm.at[base_row], row_v.at[pl.ds(0, N)], sem)

    def do_row(r, bstar_prev):
        pltpu.make_async_copy(x_hbm.at[base_row], row_v.at[pl.ds(0, N)], sem).wait()

        @pl.when(r + 1 < RPW)
        def _():
            nxt = (r + 1) & 1
            pltpu.async_copy(
                x_hbm.at[base_row + r + 1], row_v.at[pl.ds(nxt * N, N)], sem
            )

        off = (r & 1) * N
        tf_pred = bin_to_threshold(bstar_prev)

        @plsc.parallel_loop(0, NBINS // L, unroll=8)
        def z_hist(i):
            hist_v[pl.ds(i * L, L)] = zeros_i

        @plsc.parallel_loop(0, NVR, unroll=8)
        def z_cand(i):
            cand_v[pl.ds(i * L, L)] = neg_inf

        @plsc.parallel_loop(0, N // L, unroll=8, carry=zeros_i - 1)
        def fused(i, cnt):
            v = row_v[pl.ds(off + i * L, L)]
            fb = _shrl(fkey(v), 19)
            plsc.addupdate_scatter(hist_v, [fb], ones_i)
            m = v >= tf_pred
            pos = plsc.cumsum(ones_i, mask=m)
            dest = jnp.minimum(cnt + pos, capm1)
            plsc.store_scatter(cand_v, [dest], v, mask=m)
            return cnt + plsc.all_reduce_population_count(m)

        cntm1 = fused

        def not_crossed(carry):
            j, csum = carry
            return (csum < KK) & (j >= 0)

        def scan_chunk(carry):
            j, csum = carry
            base = j * (L * L) + iota * L
            s = plsc.load_gather(hist_v, [base])
            for m in range(1, L):
                s = s + plsc.load_gather(hist_v, [base + m])
            c = plsc.cumsum(lax.rev(s, (0,))) + csum
            csuf_v[pl.ds(j * L, L)] = lax.rev(c, (0,))
            return j - 1, jnp.max(c)

        jm1, _ = lax.while_loop(
            not_crossed, scan_chunk, (jnp.int32(NCOARSE // L - 1), jnp.int32(0))
        )
        jlast = jm1 + 1
        s = csuf_v[pl.ds(jlast * L, L)]
        pcm = plsc.all_reduce_population_count(s >= kvec)
        cbin = jlast * L + pcm - 1
        above = plsc.load_gather(csuf_v, [cbin + 1])
        cb = jnp.max(cbin)

        hh = hist_v[pl.ds(cb * L, L)]
        c2 = plsc.cumsum(lax.rev(hh, (0,))) + above
        nm = plsc.all_reduce_population_count(jnp.logical_not(c2 >= kvec))
        bstar = (cb * L + (L - 1)) - nm

        good = (jnp.max(bstar_prev) <= jnp.max(bstar)) & (
            jnp.max(cntm1) < CAP
        )

        @pl.when(jnp.logical_not(good))
        def _():
            tf = bin_to_threshold(bstar)

            @plsc.parallel_loop(0, NVR, unroll=8)
            def z_cand2(i):
                cand_v[pl.ds(i * L, L)] = neg_inf

            @plsc.parallel_loop(0, N // L, unroll=8, carry=zeros_i - 1)
            def collect(i, cnt):
                v = row_v[pl.ds(off + i * L, L)]
                m = v >= tf
                pos = plsc.cumsum(ones_i, mask=m)
                dest = jnp.minimum(cnt + pos, capm1)
                plsc.store_scatter(cand_v, [dest], v, mask=m)
                return cnt + plsc.all_reduce_population_count(m)

        V = [cand_v[pl.ds(v * L, L)] for v in range(NVR)]
        for v in range(NVR):
            V[v] = plsc.sort_key_val(V[v], V[v], descending=(v & 1) == 0)[0]
        for kv in (2, 4, 8, 16, 32):
            jv = kv // 2
            while jv >= 1:
                for v in range(NVR):
                    p = v ^ jv
                    if p > v:
                        hi = jnp.maximum(V[v], V[p])
                        lo = jnp.minimum(V[v], V[p])
                        if (v & kv) == 0:
                            V[v], V[p] = hi, lo
                        else:
                            V[v], V[p] = lo, hi
                jv //= 2
            for v in range(NVR):
                V[v] = plsc.sort_key_val(V[v], V[v], descending=(v & kv) == 0)[0]

        @pl.when(r >= 2)
        def _():
            pltpu.make_async_copy(
                out_hbm.at[base_row], outb_v.at[pl.ds(0, KK)], sem2
            ).wait()

        ob = (r & 1) * KK
        for v in range(KK // L):
            outb_v[pl.ds(ob + v * L, L)] = V[v]
        pltpu.async_copy(
            outb_v.at[pl.ds(ob, KK)], out_hbm.at[base_row + r], sem2
        )
        return bstar

    lax.fori_loop(0, RPW, do_row, jnp.full((L,), NBINS - 1, jnp.int32))
    for _ in range(2):
        pltpu.make_async_copy(
            out_hbm.at[base_row], outb_v.at[pl.ds(0, KK)], sem2
        ).wait()


def kernel(x):
    xf = x.reshape(ROWS, N)
    mesh = plsc.VectorSubcoreMesh(core_axis_name="c", subcore_axis_name="s")
    out = pl.kernel(
        _body,
        out_type=jax.ShapeDtypeStruct((ROWS, KK), jnp.float32),
        mesh=mesh,
        compiler_params=pltpu.CompilerParams(needs_layout_passes=False),
        scratch_types=[
            pltpu.VMEM((2 * N,), jnp.float32),
            pltpu.VMEM((NBINS,), jnp.int32),
            pltpu.VMEM((NCOARSE + L,), jnp.int32),
            pltpu.VMEM((CAP,), jnp.float32),
            pltpu.VMEM((2 * KK,), jnp.float32),
            pltpu.SemaphoreType.DMA,
            pltpu.SemaphoreType.DMA,
        ],
    )(xf)
    return out.reshape(64, 16, KK)

# --- scband reference (transcript-rebuilt; emitter-appended) ---
"""Pipeline reference for scband-kmax-pool-16200616640958 (READ-ONLY COPY).

The authoritative reference and input builder live on the scoring server;
editing this copy changes nothing except your own understanding.
"""

import jax, jax.numpy as jnp
import numpy as np

K = 256

def setup_inputs(seed: int = 0) -> dict:
    key = jax.random.key(seed)
    x = jax.random.normal(key, (64, 16, 32768), dtype=jnp.float32)
    return {"x": x}

def reference(x):
    # KMaxPool.forward: kmax, kargmax = x.topk(k, dim=2); return kmax
    # dim=2 is the last axis of the 3D input, matching lax.top_k semantics.
    kmax, kargmax = jax.lax.top_k(x, K)
    return kmax

if __name__ == "__main__":
    import jax
    _d = setup_inputs()
    print(jax.jit(kernel)(*tuple(_d.values())))

</pallas_src>

<mosaic_0001>
#map = affine_map<(d0, d1) -> (0, 0)>
module attributes {stable_mosaic.version = 14 : i64} {
  func.func @_body(%arg0: i32, %arg1: i32, %arg2: memref<1024x32768xf32, #tpu.memory_space<hbm>>, %arg3: memref<1024x256xf32, #tpu.memory_space<hbm>>, %arg4: memref<65536xf32, #tpu.memory_space<vmem>>, %arg5: memref<8192xi32, #tpu.memory_space<vmem>>, %arg6: memref<528xi32, #tpu.memory_space<vmem>>, %arg7: memref<512xf32, #tpu.memory_space<vmem>>, %arg8: memref<512xf32, #tpu.memory_space<vmem>>, %arg9: memref<!tpu.dma_semaphore, #tpu.memory_space<semaphore_mem>>, %arg10: memref<!tpu.dma_semaphore, #tpu.memory_space<semaphore_mem>>) attributes {dimension_semantics = [#tpu.dimension_semantics<core_parallel>, #tpu.dimension_semantics<subcore_parallel>], iteration_bounds = array<i64: 2, 16>, scalar_prefetch = 0 : i64, scratch_operands = 7 : i64, tpu.core_type = #tpu.core_type<sc_vector_subcore>, window_params = [{transform_indices = #map}, {transform_indices = #map}]} {
    %mul3A = arith.constant 2 : i32
    %mul3A_0 = arith.muli %arg1, %mul3A : i32
    %add3A = arith.addi %mul3A_0, %arg0 : i32
    %mul3A_1 = arith.constant 32 : i32
    %mul3A_2 = arith.muli %add3A, %mul3A_1 : i32
    %iota3A = tpu.iota {dimensions = array<i32: 0>} : vector<16xi32>
    %broadcast_in_dim3A = arith.constant 0 : i32
    %broadcast_in_dim3A_3 = vector.broadcast %broadcast_in_dim3A : i32 to vector<16xi32>
    %broadcast_in_dim3A_4 = arith.constant 1 : i32
    %broadcast_in_dim3A_5 = vector.broadcast %broadcast_in_dim3A_4 : i32 to vector<16xi32>
    %broadcast_in_dim3A_6 = arith.constant 256 : i32
    %broadcast_in_dim3A_7 = vector.broadcast %broadcast_in_dim3A_6 : i32 to vector<16xi32>
    %broadcast_in_dim3A_8 = arith.constant 0xFF800000 : f32
    %broadcast_in_dim3A_9 = vector.broadcast %broadcast_in_dim3A_8 : f32 to vector<16xf32>
    %broadcast_in_dim3A_10 = arith.constant 31 : i32
    %broadcast_in_dim3A_11 = vector.broadcast %broadcast_in_dim3A_10 : i32 to vector<16xi32>
    %broadcast_in_dim3A_12 = arith.constant -2147483648 : i32
    %broadcast_in_dim3A_13 = vector.broadcast %broadcast_in_dim3A_12 : i32 to vector<16xi32>
    %broadcast_in_dim3A_14 = arith.constant 511 : i32
    %broadcast_in_dim3A_15 = vector.broadcast %broadcast_in_dim3A_14 : i32 to vector<16xi32>
    %swap3A = arith.constant 512 : index
    %swap3A_16 = tpu.vector_load %arg6[%swap3A] {strides = array<i32>} : memref<528xi32, #tpu.memory_space<vmem>>, vector<16xi32>,
    tpu.vector_store %arg6[%swap3A], %broadcast_in_dim3A_3 {strides = array<i32>} : memref<528xi32, #tpu.memory_space<vmem>>, vector<16xi32>,
    %dma_start3A = arith.constant 0 : i32
    %dma_start3A_17 = tpu.memref_slice %arg4[%dma_start3A] : memref<65536xf32, #tpu.memory_space<vmem>> -> memref<32768xf32, #tpu.memory_space<vmem>>
    %dma_start3A_18 = arith.constant 0 : i32
    %dma_start3A_19 = tpu.memref_slice %arg2[%mul3A_2, %dma_start3A_18] : memref<1024x32768xf32, #tpu.memory_space<hbm>> -> memref<1x32768xf32, #tpu.memory_space<hbm>>
    %dma_start3A_20 = tpu.memref_squeeze %dma_start3A_19 : memref<1x32768xf32, #tpu.memory_space<hbm>> -> memref<32768xf32, #tpu.memory_space<hbm>>
    %dma_start3A_21 = arith.constant 0 : i32
    %dma_start3A_22 = tpu.memref_slice %arg4[%dma_start3A_21] : memref<65536xf32, #tpu.memory_space<vmem>> -> memref<32768xf32, #tpu.memory_space<vmem>>
    %dma_start3A_23 = arith.constant 0 : i32
    %dma_start3A_24 = tpu.memref_slice %arg2[%mul3A_2, %dma_start3A_23] : memref<1024x32768xf32, #tpu.memory_space<hbm>> -> memref<1x32768xf32, #tpu.memory_space<hbm>>
    %dma_start3A_25 = tpu.memref_squeeze %dma_start3A_24 : memref<1x32768xf32, #tpu.memory_space<hbm>> -> memref<32768xf32, #tpu.memory_space<hbm>>
    tpu.enqueue_dma source(%dma_start3A_25 : memref<32768xf32, #tpu.memory_space<hbm>>) target(%dma_start3A_22 : memref<32768xf32, #tpu.memory_space<vmem>>) target_semaphore(%arg9 : memref<!tpu.dma_semaphore, #tpu.memory_space<semaphore_mem>>)
    %broadcast_in_dim3A_26 = arith.constant 8191 : i32
    %broadcast_in_dim3A_27 = vector.broadcast %broadcast_in_dim3A_26 : i32 to vector<16xi32>
    %scan3A = arith.constant 0 : i32
    %scan3A_28 = arith.constant 32 : i32
    %scan3A_29 = arith.addi %scan3A, %scan3A_28 : i32
    %scan3A_30 = arith.constant 1 : i32
    %scan3A_31 = scf.for %scan3A_52 = %scan3A to %scan3A_29 step %scan3A_30 iter_args(%scan3A_53 = %broadcast_in_dim3A_27) -> (vector<16xi32>)  : i32 {
      %dma_wait3A_54 = arith.constant 0 : i32
      %dma_wait3A_55 = tpu.memref_slice %arg4[%dma_wait3A_54] : memref<65536xf32, #tpu.memory_space<vmem>> -> memref<32768xf32, #tpu.memory_space<vmem>>
      %dma_wait3A_56 = arith.constant 0 : i32
      %dma_wait3A_57 = tpu.memref_slice %arg2[%mul3A_2, %dma_wait3A_56] : memref<1024x32768xf32, #tpu.memory_space<hbm>> -> memref<1x32768xf32, #tpu.memory_space<hbm>>
      %dma_wait3A_58 = tpu.memref_squeeze %dma_wait3A_57 : memref<1x32768xf32, #tpu.memory_space<hbm>> -> memref<32768xf32, #tpu.memory_space<hbm>>
      %dma_wait3A_59 = arith.constant 0 : i32
      %dma_wait3A_60 = tpu.memref_slice %arg4[%dma_wait3A_59] : memref<65536xf32, #tpu.memory_space<vmem>> -> memref<32768xf32, #tpu.memory_space<vmem>>
      %dma_wait3A_61 = arith.constant 0 : i32
      %dma_wait3A_62 = tpu.memref_slice %arg2[%mul3A_2, %dma_wait3A_61] : memref<1024x32768xf32, #tpu.memory_space<hbm>> -> memref<1x32768xf32, #tpu.memory_space<hbm>>
      %dma_wait3A_63 = tpu.memref_squeeze %dma_wait3A_62 : memref<1x32768xf32, #tpu.memory_space<hbm>> -> memref<32768xf32, #tpu.memory_space<hbm>>
      tpu.wait_dma2 semaphore(%arg9 : memref<!tpu.dma_semaphore, #tpu.memory_space<semaphore_mem>>) src(%dma_wait3A_63 : memref<32768xf32, #tpu.memory_space<hbm>>) dst(%dma_wait3A_60 : memref<32768xf32, #tpu.memory_space<vmem>>)
      %add3A_64 = arith.constant 1 : i32
      %add3A_65 = arith.addi %scan3A_52, %add3A_64 : i32
      %lt3A = arith.constant 32 : i32
      %lt3A_66 = arith.cmpi slt, %add3A_65, %lt3A : i32
      %convert_element_type3A = arith.extui %lt3A_66 : i1 to i32
      %cond3A = arith.constant 0 : i32
      %cond3A_67 = arith.cmpi ne, %convert_element_type3A, %cond3A : i32
      scf.if %cond3A_67 {
        %add3A_1553 = arith.constant 1 : i32
        %add3A_1554 = arith.addi %scan3A_52, %add3A_1553 : i32
        %and3A_1555 = arith.constant 1 : i32
        %and3A_1556 = arith.andi %add3A_1554, %and3A_1555 : i32
        %add3A_1557 = arith.addi %mul3A_2, %scan3A_52 : i32
        %add3A_1558 = arith.constant 1 : i32
        %add3A_1559 = arith.addi %add3A_1557, %add3A_1558 : i32
        %mul3A_1560 = arith.constant 32768 : i32
        %mul3A_1561 = arith.muli %and3A_1556, %mul3A_1560 : i32
        %dma_start3A_1562 = tpu.memref_slice %arg4[%mul3A_1561] : memref<65536xf32, #tpu.memory_space<vmem>> -> memref<32768xf32, #tpu.memory_space<vmem>>
        %dma_start3A_1563 = arith.constant 0 : i32
        %dma_start3A_1564 = tpu.memref_slice %arg2[%add3A_1559, %dma_start3A_1563] : memref<1024x32768xf32, #tpu.memory_space<hbm>> -> memref<1x32768xf32, #tpu.memory_space<hbm>>
        %dma_start3A_1565 = tpu.memref_squeeze %dma_start3A_1564 : memref<1x32768xf32, #tpu.memory_space<hbm>> -> memref<32768xf32, #tpu.memory_space<hbm>>
        %dma_start3A_1566 = tpu.memref_slice %arg4[%mul3A_1561] : memref<65536xf32, #tpu.memory_space<vmem>> -> memref<32768xf32, #tpu.memory_space<vmem>>
        %dma_start3A_1567 = arith.constant 0 : i32
        %dma_start3A_1568 = tpu.memref_slice %arg2[%add3A_1559, %dma_start3A_1567] : memref<1024x32768xf32, #tpu.memory_space<hbm>> -> memref<1x32768xf32, #tpu.memory_space<hbm>>
        %dma_start3A_1569 = tpu.memref_squeeze %dma_start3A_1568 : memref<1x32768xf32, #tpu.memory_space<hbm>> -> memref<32768xf32, #tpu.memory_space<hbm>>
        tpu.enqueue_dma source(%dma_start3A_1569 : memref<32768xf32, #tpu.memory_space<hbm>>) target(%dma_start3A_1566 : memref<32768xf32, #tpu.memory_space<vmem>>) target_semaphore(%arg9 : memref<!tpu.dma_semaphore, #tpu.memory_space<semaphore_mem>>)
      } else {
      }
      %and3A = arith.constant 1 : i32
      %and3A_68 = arith.andi %scan3A_52, %and3A : i32
      %mul3A_69 = arith.constant 32768 : i32
      %mul3A_70 = arith.muli %and3A_68, %mul3A_69 : i32
      %broadcast_in_dim3A_71 = arith.constant 19 : i32
      %broadcast_in_dim3A_72 = vector.broadcast %broadcast_in_dim3A_71 : i32 to vector<16xi32>
      %shift_left3A = arith.shli %scan3A_53, %broadcast_in_dim3A_72 : vector<16xi32>
      %shift_right_arithmetic3A = arith.shrsi %shift_left3A, %broadcast_in_dim3A_11 : vector<16xi32>
      %not3A = arith.constant dense<-1> : vector<16xi32>
      %not3A_73 = arith.xori %shift_right_arithmetic3A, %not3A : vector<16xi32>
      %or3A = arith.ori %not3A_73, %broadcast_in_dim3A_13 : vector<16xi32>
      %xor3A = arith.xori %shift_left3A, %or3A : vector<16xi32>
      %bitcast_convert_type3A = tpu.bitcast %xor3A : vector<16xi32> -> vector<16xf32>
      %parallel_loop3A = arith.constant 0 : i32
      %parallel_loop3A_74 = arith.constant 512 : i32
      %parallel_loop3A_75 = arith.constant 1 : i32
      scf.for %parallel_loop3A_1553 = %parallel_loop3A to %parallel_loop3A_74 step %parallel_loop3A_75  : i32 {
        %parallel_loop3A_1554 = arith.constant 16 : i32
        %parallel_loop3A_1555 = arith.muli %parallel_loop3A_1553, %parallel_loop3A_1554 : i32
        %parallel_loop3A_1556 = arith.index_cast %parallel_loop3A_1555 : i32 to index
        %parallel_loop3A_1557 = tpu.vector_load %arg5[%parallel_loop3A_1556] {strides = array<i32>} : memref<8192xi32, #tpu.memory_space<vmem>>, vector<16xi32>,
        tpu.vector_store %arg5[%parallel_loop3A_1556], %broadcast_in_dim3A_3 {strides = array<i32>} : memref<8192xi32, #tpu.memory_space<vmem>>, vector<16xi32>,
      } {sc.loop_unroll_factor = 8 : i64, sc.parallel_access}
      %parallel_loop3A_76 = arith.constant 0 : i32
      %parallel_loop3A_77 = arith.constant 32 : i32
      %parallel_loop3A_78 = arith.constant 1 : i32
      scf.for %parallel_loop3A_1553 = %parallel_loop3A_76 to %parallel_loop3A_77 step %parallel_loop3A_78  : i32 {
        %parallel_loop3A_1554 = arith.constant 16 : i32
        %parallel_loop3A_1555 = arith.muli %parallel_loop3A_1553, %parallel_loop3A_1554 : i32
        %parallel_loop3A_1556 = arith.index_cast %parallel_loop3A_1555 : i32 to index
        %parallel_loop3A_1557 = tpu.vector_load %arg7[%parallel_loop3A_1556] {strides = array<i32>} : memref<512xf32, #tpu.memory_space<vmem>>, vector<16xf32>,
        tpu.vector_store %arg7[%parallel_loop3A_1556], %broadcast_in_dim3A_9 {strides = array<i32>} : memref<512xf32, #tpu.memory_space<vmem>>, vector<16xf32>,
      } {sc.loop_unroll_factor = 8 : i64, sc.parallel_access}
      %sub3A = arith.constant 1 : i32
      %sub3A_79 = vector.broadcast %sub3A : i32 to vector<16xi32>
      %sub3A_80 = arith.subi %broadcast_in_dim3A_3, %sub3A_79 : vector<16xi32>
      %parallel_loop3A_81 = arith.constant 0 : i32
      %parallel_loop3A_82 = arith.constant 2048 : i32
      %parallel_loop3A_83 = arith.constant 1 : i32
      %parallel_loop3A_84 = scf.for %parallel_loop3A_1553 = %parallel_loop3A_81 to %parallel_loop3A_82 step %parallel_loop3A_83 iter_args(%parallel_loop3A_1554 = %sub3A_80) -> (vector<16xi32>)  : i32 {
        %parallel_loop3A_1555 = arith.constant 16 : i32
        %parallel_loop3A_1556 = arith.muli %parallel_loop3A_1553, %parallel_loop3A_1555 : i32
        %parallel_loop3A_1557 = arith.addi %mul3A_70, %parallel_loop3A_1556 : i32
        %parallel_loop3A_1558 = arith.index_cast %parallel_loop3A_1557 : i32 to index
        %parallel_loop3A_1559 = tpu.vector_load %arg4[%parallel_loop3A_1558] {strides = array<i32>} : memref<65536xf32, #tpu.memory_space<vmem>>, vector<16xf32>,
        %parallel_loop3A_1560 = tpu.bitcast %parallel_loop3A_1559 : vector<16xf32> -> vector<16xi32>
        %parallel_loop3A_1561 = arith.shrsi %parallel_loop3A_1560, %broadcast_in_dim3A_11 : vector<16xi32>
        %parallel_loop3A_1562 = arith.ori %parallel_loop3A_1561, %broadcast_in_dim3A_13 : vector<16xi32>
        %parallel_loop3A_1563 = arith.xori %parallel_loop3A_1560, %parallel_loop3A_1562 : vector<16xi32>
        %parallel_loop3A_1564 = arith.constant 19 : i32
        %parallel_loop3A_1565 = vector.broadcast %parallel_loop3A_1564 : i32 to vector<16xi32>
        %parallel_loop3A_1566 = arith.shrui %parallel_loop3A_1563, %parallel_loop3A_1565 : vector<16xi32>
        tpu.vector_store_idx %arg5[%parallel_loop3A_1566], %broadcast_in_dim3A_5 {add = true} : memref<8192xi32, #tpu.memory_space<vmem>>[vector<16xi32>], vector<16xi32>,
        %parallel_loop3A_1567 = arith.cmpf oge, %parallel_loop3A_1559, %bitcast_convert_type3A : vector<16xf32>
        %parallel_loop3A_1568 = tpu.scan <sum>, %broadcast_in_dim3A_5 masked %parallel_loop3A_1567 : vector<16xi32>, vector<16xi1> -> vector<16xi32>
        %parallel_loop3A_1569 = arith.addi %parallel_loop3A_1554, %parallel_loop3A_1568 : vector<16xi32>
        %parallel_loop3A_1570 = arith.minsi %parallel_loop3A_1569, %broadcast_in_dim3A_15 : vector<16xi32>
        tpu.vector_store_idx %arg7[%parallel_loop3A_1570], %parallel_loop3A_1559 masked %parallel_loop3A_1567 : memref<512xf32, #tpu.memory_space<vmem>>[vector<16xi32>], vector<16xf32>, vector<16xi1>
        %parallel_loop3A_1571 = tpu.all_reduce %parallel_loop3A_1567 {dim = 0 : i64, kind = #tpu.reduction_kind<sum>} : vector<16xi1> -> vector<16xi32>
        %parallel_loop3A_1572 = arith.addi %parallel_loop3A_1554, %parallel_loop3A_1571 : vector<16xi32>
        scf.yield %parallel_loop3A_1572 : vector<16xi32>
      } {sc.loop_unroll_factor = 8 : i64, sc.parallel_access}
      %while3A = arith.constant 31 : i32
      %while3A_85 = arith.constant 0 : i32
      %while3A_86:2 = scf.while (%while3A_1553 = %while3A, %while3A_1554 = %while3A_85) : (i32, i32) -> (i32, i32) {
        %lt3A_1555 = arith.constant 256 : i32
        %lt3A_1556 = arith.cmpi slt, %while3A_1554, %lt3A_1555 : i32
        %ge3A_1557 = arith.constant 0 : i32
        %ge3A_1558 = arith.cmpi sge, %while3A_1553, %ge3A_1557 : i32
        %and3A_1559 = arith.andi %lt3A_1556, %ge3A_1558 : i1
        scf.condition(%and3A_1559) %while3A_1553, %while3A_1554 : i32, i32
      } do {
      ^bb0(%while3A_1553: i32, %while3A_1554: i32):
        %mul3A_1555 = arith.constant 256 : i32
        %mul3A_1556 = arith.muli %while3A_1553, %mul3A_1555 : i32
        %mul3A_1557 = arith.constant 16 : i32
        %mul3A_1558 = vector.broadcast %mul3A_1557 : i32 to vector<16xi32>
        %mul3A_1559 = arith.muli %iota3A, %mul3A_1558 : vector<16xi32>
        %add3A_1560 = vector.broadcast %mul3A_1556 : i32 to vector<16xi32>
        %add3A_1561 = arith.addi %add3A_1560, %mul3A_1559 : vector<16xi32>
        %gather3A_1562 = tpu.vector_load_idx %arg5[%add3A_1561] : memref<8192xi32, #tpu.memory_space<vmem>>[vector<16xi32>], vector<16xi32>,
        %add3A_1563 = arith.constant 1 : i32
        %add3A_1564 = vector.broadcast %add3A_1563 : i32 to vector<16xi32>
        %add3A_1565 = arith.addi %add3A_1561, %add3A_1564 : vector<16xi32>
        %gather3A_1566 = tpu.vector_load_idx %arg5[%add3A_1565] : memref<8192xi32, #tpu.memory_space<vmem>>[vector<16xi32>], vector<16xi32>,
        %add3A_1567 = arith.addi %gather3A_1562, %gather3A_1566 : vector<16xi32>
        %add3A_1568 = arith.constant 2 : i32
        %add3A_1569 = vector.broadcast %add3A_1568 : i32 to vector<16xi32>
        %add3A_1570 = arith.addi %add3A_1561, %add3A_1569 : vector<16xi32>
        %gather3A_1571 = tpu.vector_load_idx %arg5[%add3A_1570] : memref<8192xi32, #tpu.memory_space<vmem>>[vector<16xi32>], vector<16xi32>,
        %add3A_1572 = arith.addi %add3A_1567, %gather3A_1571 : vector<16xi32>
        %add3A_1573 = arith.constant 3 : i32
        %add3A_1574 = vector.broadcast %add3A_1573 : i32 to vector<16xi32>
        %add3A_1575 = arith.addi %add3A_1561, %add3A_1574 : vector<16xi32>
        %gather3A_1576 = tpu.vector_load_idx %arg5[%add3A_1575] : memref<8192xi32, #tpu.memory_space<vmem>>[vector<16xi32>], vector<16xi32>,
        %add3A_1577 = arith.addi %add3A_1572, %gather3A_1576 : vector<16xi32>
        %add3A_1578 = arith.constant 4 : i32
        %add3A_1579 = vector.broadcast %add3A_1578 : i32 to vector<16xi32>
        %add3A_1580 = arith.addi %add3A_1561, %add3A_1579 : vector<16xi32>
        %gather3A_1581 = tpu.vector_load_idx %arg5[%add3A_1580] : memref<8192xi32, #tpu.memory_space<vmem>>[vector<16xi32>], vector<16xi32>,
        %add3A_1582 = arith.addi %add3A_1577, %gather3A_1581 : vector<16xi32>
        %add3A_1583 = arith.constant 5 : i32
        %add3A_1584 = vector.broadcast %add3A_1583 : i32 to vector<16xi32>
        %add3A_1585 = arith.addi %add3A_1561, %add3A_1584 : vector<16xi32>
        %gather3A_1586 = tpu.vector_load_idx %arg5[%add3A_1585] : memref<8192xi32, #tpu.memory_space<vmem>>[vector<16xi32>], vector<16xi32>,
        %add3A_1587 = arith.addi %add3A_1582, %gather3A_1586 : vector<16xi32>
        %add3A_1588 = arith.constant 6 : i32
        %add3A_1589 = vector.broadcast %add3A_1588 : i32 to vector<16xi32>
        %add3A_1590 = arith.addi %add3A_1561, %add3A_1589 : vector<16xi32>
        %gather3A_1591 = tpu.vector_load_idx %arg5[%add3A_1590] : memref<8192xi32, #tpu.memory_space<vmem>>[vector<16xi32>], vector<16xi32>,
        %add3A_1592 = arith.addi %add3A_1587, %gather3A_1591 : vector<16xi32>
        %add3A_1593 = arith.constant 7 : i32
        %add3A_1594 = vector.broadcast %add3A_1593 : i32 to vector<16xi32>
        %add3A_1595 = arith.addi %add3A_1561, %add3A_1594 : vector<16xi32>
        %gather3A_1596 = tpu.vector_load_idx %arg5[%add3A_1595] : memref<8192xi32, #tpu.memory_space<vmem>>[vector<16xi32>], vector<16xi32>,
        %add3A_1597 = arith.addi %add3A_1592, %gather3A_1596 : vector<16xi32>
        %add3A_1598 = arith.constant 8 : i32
        %add3A_1599 = vector.broadcast %add3A_1598 : i32 to vector<16xi32>
        %add3A_1600 = arith.addi %add3A_1561, %add3A_1599 : vector<16xi32>
        %gather3A_1601 = tpu.vector_load_idx %arg5[%add3A_1600] : memref<8192xi32, #tpu.memory_space<vmem>>[vector<16xi32>], vector<16xi32>,
        %add3A_1602 = arith.addi %add3A_1597, %gather3A_1601 : vector<16xi32>
        %add3A_1603 = arith.constant 9 : i32
        %add3A_1604 = vector.broadcast %add3A_1603 : i32 to vector<16xi32>
        %add3A_1605 = arith.addi %add3A_1561, %add3A_1604 : vector<16xi32>
        %gather3A_1606 = tpu.vector_load_idx %arg5[%add3A_1605] : memref<8192xi32, #tpu.memory_space<vmem>>[vector<16xi32>], vector<16xi32>,
        %add3A_1607 = arith.addi %add3A_1602, %gather3A_1606 : vector<16xi32>
        %add3A_1608 = arith.constant 10 : i32
        %add3A_1609 = vector.broadcast %add3A_1608 : i32 to vector<16xi32>
        %add3A_1610 = arith.addi %add3A_1561, %add3A_1609 : vector<16xi32>
        %gather3A_1611 = tpu.vector_load_idx %arg5[%add3A_1610] : memref<8192xi32, #tpu.memory_space<vmem>>[vector<16xi32>], vector<16xi32>,
        %add3A_1612 = arith.addi %add3A_1607, %gather3A_1611 : vector<16xi32>
        %add3A_1613 = arith.constant 11 : i32
        %add3A_1614 = vector.broadcast %add3A_1613 : i32 to vector<16xi32>
        %add3A_1615 = arith.addi %add3A_1561, %add3A_1614 : vector<16xi32>
        %gather3A_1616 = tpu.vector_load_idx %arg5[%add3A_1615] : memref<8192xi32, #tpu.memory_space<vmem>>[vector<16xi32>], vector<16xi32>,
        %add3A_1617 = arith.addi %add3A_1612, %gather3A_1616 : vector<16xi32>
        %add3A_1618 = arith.constant 12 : i32
        %add3A_1619 = vector.broadcast %add3A_1618 : i32 to vector<16xi32>
        %add3A_1620 = arith.addi %add3A_1561, %add3A_1619 : vector<16xi32>
        %gather3A_1621 = tpu.vector_load_idx %arg5[%add3A_1620] : memref<8192xi32, #tpu.memory_space<vmem>>[vector<16xi32>], vector<16xi32>,
        %add3A_1622 = arith.addi %add3A_1617, %gather3A_1621 : vector<16xi32>
        %add3A_1623 = arith.constant 13 : i32
        %add3A_1624 = vector.broadcast %add3A_1623 : i32 to vector<16xi32>
        %add3A_1625 = arith.addi %add3A_1561, %add3A_1624 : vector<16xi32>
        %gather3A_1626 = tpu.vector_load_idx %arg5[%add3A_1625] : memref<8192xi32, #tpu.memory_space<vmem>>[vector<16xi32>], vector<16xi32>,
        %add3A_1627 = arith.addi %add3A_1622, %gather3A_1626 : vector<16xi32>
        %add3A_1628 = arith.constant 14 : i32
        %add3A_1629 = vector.broadcast %add3A_1628 : i32 to vector<16xi32>
        %add3A_1630 = arith.addi %add3A_1561, %add3A_1629 : vector<16xi32>
        %gather3A_1631 = tpu.vector_load_idx %arg5[%add3A_1630] : memref<8192xi32, #tpu.memory_space<vmem>>[vector<16xi32>], vector<16xi32>,
        %add3A_1632 = arith.addi %add3A_1627, %gather3A_1631 : vector<16xi32>
        %add3A_1633 = arith.constant 15 : i32
        %add3A_1634 = vector.broadcast %add3A_1633 : i32 to vector<16xi32>
        %add3A_1635 = arith.addi %add3A_1561, %add3A_1634 : vector<16xi32>
        %gather3A_1636 = tpu.vector_load_idx %arg5[%add3A_1635] : memref<8192xi32, #tpu.memory_space<vmem>>[vector<16xi32>], vector<16xi32>,
        %add3A_1637 = arith.addi %add3A_1632, %gather3A_1636 : vector<16xi32>
        %rev3A_1638 = arith.constant 15 : i32
        %rev3A_1639 = vector.broadcast %rev3A_1638 : i32 to vector<16xi32>
        %rev3A_1640 = tpu.iota {dimensions = array<i32: 0>} : vector<16xi32>
        %rev3A_1641 = arith.subi %rev3A_1639, %rev3A_1640 : vector<16xi32>
        %rev3A_1642 = tpu.dynamic_gather %add3A_1637[%rev3A_1641] in [0] : vector<16xi32>, vector<16xi32> -> vector<16xi32>
        %broadcast_in_dim3A_1643 = arith.constant true
        %broadcast_in_dim3A_1644 = vector.broadcast %broadcast_in_dim3A_1643 : i1 to vector<16xi1>
        %masked_cumsum3A_1645 = tpu.scan <sum>, %rev3A_1642 masked %broadcast_in_dim3A_1644 : vector<16xi32>, vector<16xi1> -> vector<16xi32>
        %add3A_1646 = vector.broadcast %while3A_1554 : i32 to vector<16xi32>
        %add3A_1647 = arith.addi %masked_cumsum3A_1645, %add3A_1646 : vector<16xi32>
        %rev3A_1648 = arith.constant 15 : i32
        %rev3A_1649 = vector.broadcast %rev3A_1648 : i32 to vector<16xi32>
        %rev3A_1650 = tpu.iota {dimensions = array<i32: 0>} : vector<16xi32>
        %rev3A_1651 = arith.subi %rev3A_1649, %rev3A_1650 : vector<16xi32>
        %rev3A_1652 = tpu.dynamic_gather %add3A_1647[%rev3A_1651] in [0] : vector<16xi32>, vector<16xi32> -> vector<16xi32>
        %mul3A_1653 = arith.constant 16 : i32
        %mul3A_1654 = arith.muli %while3A_1553, %mul3A_1653 : i32
        %swap3A_1655 = arith.index_cast %mul3A_1654 : i32 to index
        %swap3A_1656 = tpu.vector_load %arg6[%swap3A_1655] {strides = array<i32>} : memref<528xi32, #tpu.memory_space<vmem>>, vector<16xi32>,
        tpu.vector_store %arg6[%swap3A_1655], %rev3A_1652 {strides = array<i32>} : memref<528xi32, #tpu.memory_space<vmem>>, vector<16xi32>,
        %sub3A_1657 = arith.constant 1 : i32
        %sub3A_1658 = arith.subi %while3A_1553, %sub3A_1657 : i32
        %reduce_max3A_1659 = arith.constant true
        %reduce_max3A_1660 = vector.broadcast %reduce_max3A_1659 : i1 to vector<16xi1>
        %reduce_max3A_1661 = arith.constant -2147483648 : i32
        %reduce_max3A_1662 = vector.broadcast %reduce_max3A_1661 : i32 to vector<16xi32>
        %reduce_max3A_1663 = arith.xori %add3A_1647, %reduce_max3A_1662 : vector<16xi32>
        %reduce_max3A_1664 = tpu.scan <max>, %reduce_max3A_1663 masked %reduce_max3A_1660 : vector<16xi32>, vector<16xi1> -> vector<16xi32>
        %reduce_max3A_1665 = arith.xori %reduce_max3A_1664, %reduce_max3A_1662 : vector<16xi32>
        %reduce_max3A_1666 = vector.extract %reduce_max3A_1665[15] : i32 from vector<16xi32>
        scf.yield %sub3A_1658, %reduce_max3A_1666 : i32, i32
      }
      %add3A_87 = arith.constant 1 : i32
      %add3A_88 = arith.addi %while3A_86#0, %add3A_87 : i32
      %mul3A_89 = arith.constant 16 : i32
      %mul3A_90 = arith.muli %add3A_88, %mul3A_89 : i32
      %get3A = arith.index_cast %mul3A_90 : i32 to index
      %get3A_91 = tpu.vector_load %arg6[%get3A] {strides = array<i32>} : memref<528xi32, #tpu.memory_space<vmem>>, vector<16xi32>,
      %ge3A = arith.cmpi sge, %get3A_91, %broadcast_in_dim3A_7 : vector<16xi32>
      %all_reduce_population_count3A = tpu.all_reduce %ge3A {dim = 0 : i64, kind = #tpu.reduction_kind<sum>} : vector<16xi1> -> vector<16xi32>
      %mul3A_92 = arith.constant 16 : i32
      %mul3A_93 = arith.muli %add3A_88, %mul3A_92 : i32
      %add3A_94 = vector.broadcast %mul3A_93 : i32 to vector<16xi32>
      %add3A_95 = arith.addi %add3A_94, %all_reduce_population_count3A : vector<16xi32>
      %sub3A_96 = arith.constant 1 : i32
      %sub3A_97 = vector.broadcast %sub3A_96 : i32 to vector<16xi32>
      %sub3A_98 = arith.subi %add3A_95, %sub3A_97 : vector<16xi32>
      %add3A_99 = arith.constant 1 : i32
      %add3A_100 = vector.broadcast %add3A_99 : i32 to vector<16xi32>
      %add3A_101 = arith.addi %sub3A_98, %add3A_100 : vector<16xi32>
      %gather3A = tpu.vector_load_idx %arg6[%add3A_101] : memref<528xi32, #tpu.memory_space<vmem>>[vector<16xi32>], vector<16xi32>,
      %reduce_max3A = arith.constant true
      %reduce_max3A_102 = vector.broadcast %reduce_max3A : i1 to vector<16xi1>
      %reduce_max3A_103 = arith.constant -2147483648 : i32
      %reduce_max3A_104 = vector.broadcast %reduce_max3A_103 : i32 to vector<16xi32>
      %reduce_max3A_105 = arith.xori %sub3A_98, %reduce_max3A_104 : vector<16xi32>
      %reduce_max3A_106 = tpu.scan <max>, %reduce_max3A_105 masked %reduce_max3A_102 : vector<16xi32>, vector<16xi1> -> vector<16xi32>
      %reduce_max3A_107 = arith.xori %reduce_max3A_106, %reduce_max3A_104 : vector<16xi32>
      %reduce_max3A_108 = vector.extract %reduce_max3A_107[15] : i32 from vector<16xi32>
      %mul3A_109 = arith.constant 16 : i32
      %mul3A_110 = arith.muli %reduce_max3A_108, %mul3A_109 : i32
      %get3A_111 = arith.index_cast %mul3A_110 : i32 to index
      %get3A_112 = tpu.vector_load %arg5[%get3A_111] {strides = array<i32>} : memref<8192xi32, #tpu.memory_space<vmem>>, vector<16xi32>,
      %rev3A = arith.constant 15 : i32
      %rev3A_113 = vector.broadcast %rev3A : i32 to vector<16xi32>
      %rev3A_114 = tpu.iota {dimensions = array<i32: 0>} : vector<16xi32>
      %rev3A_115 = arith.subi %rev3A_113, %rev3A_114 : vector<16xi32>
      %rev3A_116 = tpu.dynamic_gather %get3A_112[%rev3A_115] in [0] : vector<16xi32>, vector<16xi32> -> vector<16xi32>
      %broadcast_in_dim3A_117 = arith.constant true
      %broadcast_in_dim3A_118 = vector.broadcast %broadcast_in_dim3A_117 : i1 to vector<16xi1>
      %masked_cumsum3A = tpu.scan <sum>, %rev3A_116 masked %broadcast_in_dim3A_118 : vector<16xi32>, vector<16xi1> -> vector<16xi32>
      %add3A_119 = arith.addi %masked_cumsum3A, %gather3A : vector<16xi32>
      %ge3A_120 = arith.cmpi sge, %add3A_119, %broadcast_in_dim3A_7 : vector<16xi32>
      %not3A_121 = arith.constant dense<true> : vector<16xi1>
      %not3A_122 = arith.xori %ge3A_120, %not3A_121 : vector<16xi1>
      %all_reduce_population_count3A_123 = tpu.all_reduce %not3A_122 {dim = 0 : i64, kind = #tpu.reduction_kind<sum>} : vector<16xi1> -> vector<16xi32>
      %mul3A_124 = arith.constant 16 : i32
      %mul3A_125 = arith.muli %reduce_max3A_108, %mul3A_124 : i32
      %add3A_126 = arith.constant 15 : i32
      %add3A_127 = arith.addi %mul3A_125, %add3A_126 : i32
      %sub3A_128 = vector.broadcast %add3A_127 : i32 to vector<16xi32>
      %sub3A_129 = arith.subi %sub3A_128, %all_reduce_population_count3A_123 : vector<16xi32>
      %reduce_max3A_130 = arith.constant true
      %reduce_max3A_131 = vector.broadcast %reduce_max3A_130 : i1 to vector<16xi1>
      %reduce_max3A_132 = arith.constant -2147483648 : i32
      %reduce_max3A_133 = vector.broadcast %reduce_max3A_132 : i32 to vector<16xi32>
      %reduce_max3A_134 = arith.xori %scan3A_53, %reduce_max3A_133 : vector<16xi32>
      %reduce_max3A_135 = tpu.scan <max>, %reduce_max3A_134 masked %reduce_max3A_131 : vector<16xi32>, vector<16xi1> -> vector<16xi32>
      %reduce_max3A_136 = arith.xori %reduce_max3A_135, %reduce_max3A_133 : vector<16xi32>
      %reduce_max3A_137 = vector.extract %reduce_max3A_136[15] : i32 from vector<16xi32>
      %reduce_max3A_138 = arith.constant true
      %reduce_max3A_139 = vector.broadcast %reduce_max3A_138 : i1 to vector<16xi1>
      %reduce_max3A_140 = arith.constant -2147483648 : i32
      %reduce_max3A_141 = vector.broadcast %reduce_max3A_140 : i32 to vector<16xi32>
      %reduce_max3A_142 = arith.xori %sub3A_129, %reduce_max3A_141 : vector<16xi32>
      %reduce_max3A_143 = tpu.scan <max>, %reduce_max3A_142 masked %reduce_max3A_139 : vector<16xi32>, vector<16xi1> -> vector<16xi32>
      %reduce_max3A_144 = arith.xori %reduce_max3A_143, %reduce_max3A_141 : vector<16xi32>
      %reduce_max3A_145 = vector.extract %reduce_max3A_144[15] : i32 from vector<16xi32>
      %le3A = arith.cmpi sle, %reduce_max3A_137, %reduce_max3A_145 : i32
      %reduce_max3A_146 = arith.constant true
      %reduce_max3A_147 = vector.broadcast %reduce_max3A_146 : i1 to vector<16xi1>
      %reduce_max3A_148 = arith.constant -2147483648 : i32
      %reduce_max3A_149 = vector.broadcast %reduce_max3A_148 : i32 to vector<16xi32>
      %reduce_max3A_150 = arith.xori %parallel_loop3A_84, %reduce_max3A_149 : vector<16xi32>
      %reduce_max3A_151 = tpu.scan <max>, %reduce_max3A_150 masked %reduce_max3A_147 : vector<16xi32>, vector<16xi1> -> vector<16xi32>
      %reduce_max3A_152 = arith.xori %reduce_max3A_151, %reduce_max3A_149 : vector<16xi32>
      %reduce_max3A_153 = vector.extract %reduce_max3A_152[15] : i32 from vector<16xi32>
      %lt3A_154 = arith.constant 512 : i32
      %lt3A_155 = arith.cmpi slt, %reduce_max3A_153, %lt3A_154 : i32
      %and3A_156 = arith.andi %le3A, %lt3A_155 : i1
      %not3A_157 = arith.constant true
      %not3A_158 = arith.xori %and3A_156, %not3A_157 : i1
      %convert_element_type3A_159 = arith.extui %not3A_158 : i1 to i32
      %cond3A_160 = arith.constant 0 : i32
      %cond3A_161 = arith.cmpi ne, %convert_element_type3A_159, %cond3A_160 : i32
      scf.if %cond3A_161 {
        %broadcast_in_dim3A_1553 = arith.constant 19 : i32
        %broadcast_in_dim3A_1554 = vector.broadcast %broadcast_in_dim3A_1553 : i32 to vector<16xi32>
        %shift_left3A_1555 = arith.shli %sub3A_129, %broadcast_in_dim3A_1554 : vector<16xi32>
        %shift_right_arithmetic3A_1556 = arith.shrsi %shift_left3A_1555, %broadcast_in_dim3A_11 : vector<16xi32>
        %not3A_1557 = arith.constant dense<-1> : vector<16xi32>
        %not3A_1558 = arith.xori %shift_right_arithmetic3A_1556, %not3A_1557 : vector<16xi32>
        %or3A_1559 = arith.ori %not3A_1558, %broadcast_in_dim3A_13 : vector<16xi32>
        %xor3A_1560 = arith.xori %shift_left3A_1555, %or3A_1559 : vector<16xi32>
        %bitcast_convert_type3A_1561 = tpu.bitcast %xor3A_1560 : vector<16xi32> -> vector<16xf32>
        %parallel_loop3A_1562 = arith.constant 0 : i32
        %parallel_loop3A_1563 = arith.constant 32 : i32
        %parallel_loop3A_1564 = arith.constant 1 : i32
        scf.for %parallel_loop3A_1572 = %parallel_loop3A_1562 to %parallel_loop3A_1563 step %parallel_loop3A_1564  : i32 {
          %parallel_loop3A_1573 = arith.constant 16 : i32
          %parallel_loop3A_1574 = arith.muli %parallel_loop3A_1572, %parallel_loop3A_1573 : i32
          %parallel_loop3A_1575 = arith.index_cast %parallel_loop3A_1574 : i32 to index
          %parallel_loop3A_1576 = tpu.vector_load %arg7[%parallel_loop3A_1575] {strides = array<i32>} : memref<512xf32, #tpu.memory_space<vmem>>, vector<16xf32>,
          tpu.vector_store %arg7[%parallel_loop3A_1575], %broadcast_in_dim3A_9 {strides = array<i32>} : memref<512xf32, #tpu.memory_space<vmem>>, vector<16xf32>,
        } {sc.loop_unroll_factor = 8 : i64, sc.parallel_access}
        %sub3A_1565 = arith.constant 1 : i32
        %sub3A_1566 = vector.broadcast %sub3A_1565 : i32 to vector<16xi32>
        %sub3A_1567 = arith.subi %broadcast_in_dim3A_3, %sub3A_1566 : vector<16xi32>
        %parallel_loop3A_1568 = arith.constant 0 : i32
        %parallel_loop3A_1569 = arith.constant 2048 : i32
        %parallel_loop3A_1570 = arith.constant 1 : i32
        %parallel_loop3A_1571 = scf.for %parallel_loop3A_1572 = %parallel_loop3A_1568 to %parallel_loop3A_1569 step %parallel_loop3A_1570 iter_args(%parallel_loop3A_1573 = %sub3A_1567) -> (vector<16xi32>)  : i32 {
          %parallel_loop3A_1574 = arith.constant 16 : i32
          %parallel_loop3A_1575 = arith.muli %parallel_loop3A_1572, %parallel_loop3A_1574 : i32
          %parallel_loop3A_1576 = arith.addi %mul3A_70, %parallel_loop3A_1575 : i32
          %parallel_loop3A_1577 = arith.index_cast %parallel_loop3A_1576 : i32 to index
          %parallel_loop3A_1578 = tpu.vector_load %arg4[%parallel_loop3A_1577] {strides = array<i32>} : memref<65536xf32, #tpu.memory_space<vmem>>, vector<16xf32>,
          %parallel_loop3A_1579 = arith.cmpf oge, %parallel_loop3A_1578, %bitcast_convert_type3A_1561 : vector<16xf32>
          %parallel_loop3A_1580 = tpu.scan <sum>, %broadcast_in_dim3A_5 masked %parallel_loop3A_1579 : vector<16xi32>, vector<16xi1> -> vector<16xi32>
          %parallel_loop3A_1581 = arith.addi %parallel_loop3A_1573, %parallel_loop3A_1580 : vector<16xi32>
          %parallel_loop3A_1582 = arith.minsi %parallel_loop3A_1581, %broadcast_in_dim3A_15 : vector<16xi32>
          tpu.vector_store_idx %arg7[%parallel_loop3A_1582], %parallel_loop3A_1578 masked %parallel_loop3A_1579 : memref<512xf32, #tpu.memory_space<vmem>>[vector<16xi32>], vector<16xf32>, vector<16xi1>
          %parallel_loop3A_1583 = tpu.all_reduce %parallel_loop3A_1579 {dim = 0 : i64, kind = #tpu.reduction_kind<sum>} : vector<16xi1> -> vector<16xi32>
          %parallel_loop3A_1584 = arith.addi %parallel_loop3A_1573, %parallel_loop3A_1583 : vector<16xi32>
          scf.yield %parallel_loop3A_1584 : vector<16xi32>
        } {sc.loop_unroll_factor = 8 : i64, sc.parallel_access}
      } else {
      }
      %get3A_162 = arith.constant 0 : index
      %get3A_163 = tpu.vector_load %arg7[%get3A_162] {strides = array<i32>} : memref<512xf32, #tpu.memory_space<vmem>>, vector<16xf32>,
      %get3A_164 = arith.constant 16 : index
      %get3A_165 = tpu.vector_load %arg7[%get3A_164] {strides = array<i32>} : memref<512xf32, #tpu.memory_space<vmem>>, vector<16xf32>,
      %get3A_166 = arith.constant 32 : index
      %get3A_167 = tpu.vector_load %arg7[%get3A_166] {strides = array<i32>} : memref<512xf32, #tpu.memory_space<vmem>>, vector<16xf32>,
      %get3A_168 = arith.constant 48 : index
      %get3A_169 = tpu.vector_load %arg7[%get3A_168] {strides = array<i32>} : memref<512xf32, #tpu.memory_space<vmem>>, vector<16xf32>,
      %get3A_170 = arith.constant 64 : index
      %get3A_171 = tpu.vector_load %arg7[%get3A_170] {strides = array<i32>} : memref<512xf32, #tpu.memory_space<vmem>>, vector<16xf32>,
      %get3A_172 = arith.constant 80 : index
      %get3A_173 = tpu.vector_load %arg7[%get3A_172] {strides = array<i32>} : memref<512xf32, #tpu.memory_space<vmem>>, vector<16xf32>,
      %get3A_174 = arith.constant 96 : index
      %get3A_175 = tpu.vector_load %arg7[%get3A_174] {strides = array<i32>} : memref<512xf32, #tpu.memory_space<vmem>>, vector<16xf32>,
      %get3A_176 = arith.constant 112 : index
      %get3A_177 = tpu.vector_load %arg7[%get3A_176] {strides = array<i32>} : memref<512xf32, #tpu.memory_space<vmem>>, vector<16xf32>,
      %get3A_178 = arith.constant 128 : index
      %get3A_179 = tpu.vector_load %arg7[%get3A_178] {strides = array<i32>} : memref<512xf32, #tpu.memory_space<vmem>>, vector<16xf32>,
      %get3A_180 = arith.constant 144 : index
      %get3A_181 = tpu.vector_load %arg7[%get3A_180] {strides = array<i32>} : memref<512xf32, #tpu.memory_space<vmem>>, vector<16xf32>,
      %get3A_182 = arith.constant 160 : index
      %get3A_183 = tpu.vector_load %arg7[%get3A_182] {strides = array<i32>} : memref<512xf32, #tpu.memory_space<vmem>>, vector<16xf32>,
      %get3A_184 = arith.constant 176 : index
      %get3A_185 = tpu.vector_load %arg7[%get3A_184] {strides = array<i32>} : memref<512xf32, #tpu.memory_space<vmem>>, vector<16xf32>,
      %get3A_186 = arith.constant 192 : index
      %get3A_187 = tpu.vector_load %arg7[%get3A_186] {strides = array<i32>} : memref<512xf32, #tpu.memory_space<vmem>>, vector<16xf32>,
      %get3A_188 = arith.constant 208 : index
      %get3A_189 = tpu.vector_load %arg7[%get3A_188] {strides = array<i32>} : memref<512xf32, #tpu.memory_space<vmem>>, vector<16xf32>,
      %get3A_190 = arith.constant 224 : index
      %get3A_191 = tpu.vector_load %arg7[%get3A_190] {strides = array<i32>} : memref<512xf32, #tpu.memory_space<vmem>>, vector<16xf32>,
      %get3A_192 = arith.constant 240 : index
      %get3A_193 = tpu.vector_load %arg7[%get3A_192] {strides = array<i32>} : memref<512xf32, #tpu.memory_space<vmem>>, vector<16xf32>,
      %get3A_194 = arith.constant 256 : index
      %get3A_195 = tpu.vector_load %arg7[%get3A_194] {strides = array<i32>} : memref<512xf32, #tpu.memory_space<vmem>>, vector<16xf32>,
      %get3A_196 = arith.constant 272 : index
      %get3A_197 = tpu.vector_load %arg7[%get3A_196] {strides = array<i32>} : memref<512xf32, #tpu.memory_space<vmem>>, vector<16xf32>,
      %get3A_198 = arith.constant 288 : index
      %get3A_199 = tpu.vector_load %arg7[%get3A_198] {strides = array<i32>} : memref<512xf32, #tpu.memory_space<vmem>>, vector<16xf32>,
      %get3A_200 = arith.constant 304 : index
      %get3A_201 = tpu.vector_load %arg7[%get3A_200] {strides = array<i32>} : memref<512xf32, #tpu.memory_space<vmem>>, vector<16xf32>,
      %get3A_202 = arith.constant 320 : index
      %get3A_203 = tpu.vector_load %arg7[%get3A_202] {strides = array<i32>} : memref<512xf32, #tpu.memory_space<vmem>>, vector<16xf32>,
      %get3A_204 = arith.constant 336 : index
      %get3A_205 = tpu.vector_load %arg7[%get3A_204] {strides = array<i32>} : memref<512xf32, #tpu.memory_space<vmem>>, vector<16xf32>,
      %get3A_206 = arith.constant 352 : index
      %get3A_207 = tpu.vector_load %arg7[%get3A_206] {strides = array<i32>} : memref<512xf32, #tpu.memory_space<vmem>>, vector<16xf32>,
      %get3A_208 = arith.constant 368 : index
      %get3A_209 = tpu.vector_load %arg7[%get3A_208] {strides = array<i32>} : memref<512xf32, #tpu.memory_space<vmem>>, vector<16xf32>,
      %get3A_210 = arith.constant 384 : index
      %get3A_211 = tpu.vector_load %arg7[%get3A_210] {strides = array<i32>} : memref<512xf32, #tpu.memory_space<vmem>>, vector<16xf32>,
      %get3A_212 = arith.constant 400 : index
      %get3A_213 = tpu.vector_load %arg7[%get3A_212] {strides = array<i32>} : memref<512xf32, #tpu.memory_space<vmem>>, vector<16xf32>,
      %get3A_214 = arith.constant 416 : index
      %get3A_215 = tpu.vector_load %arg7[%get3A_214] {strides = array<i32>} : memref<512xf32, #tpu.memory_space<vmem>>, vector<16xf32>,
      %get3A_216 = arith.constant 432 : index
      %get3A_217 = tpu.vector_load %arg7[%get3A_216] {strides = array<i32>} : memref<512xf32, #tpu.memory_space<vmem>>, vector<16xf32>,
      %get3A_218 = arith.constant 448 : index
      %get3A_219 = tpu.vector_load %arg7[%get3A_218] {strides = array<i32>} : memref<512xf32, #tpu.memory_space<vmem>>, vector<16xf32>,
      %get3A_220 = arith.constant 464 : index
      %get3A_221 = tpu.vector_load %arg7[%get3A_220] {strides = array<i32>} : memref<512xf32, #tpu.memory_space<vmem>>, vector<16xf32>,
      %get3A_222 = arith.constant 480 : index
      %get3A_223 = tpu.vector_load %arg7[%get3A_222] {strides = array<i32>} : memref<512xf32, #tpu.memory_space<vmem>>, vector<16xf32>,
      %get3A_224 = arith.constant 496 : index
      %get3A_225 = tpu.vector_load %arg7[%get3A_224] {strides = array<i32>} : memref<512xf32, #tpu.memory_space<vmem>>, vector<16xf32>,
      %masked_sort3A = arith.constant dense<true> : vector<16xi1>
      %masked_sort3A_226, %masked_sort3A_227, %masked_sort3A_228 = tpu.sort %get3A_163, %get3A_163 masked %masked_sort3A {descending = true} : (vector<16xf32>, vector<16xf32>, vector<16xi1>) -> (vector<16xi1>, vector<16xf32>, vector<16xf32>)
      %masked_sort3A_229 = arith.constant dense<true> : vector<16xi1>
      %masked_sort3A_230, %masked_sort3A_231, %masked_sort3A_232 = tpu.sort %get3A_165, %get3A_165 masked %masked_sort3A_229 : (vector<16xf32>, vector<16xf32>, vector<16xi1>) -> (vector<16xi1>, vector<16xf32>, vector<16xf32>)
      %masked_sort3A_233 = arith.constant dense<true> : vector<16xi1>
      %masked_sort3A_234, %masked_sort3A_235, %masked_sort3A_236 = tpu.sort %get3A_167, %get3A_167 masked %masked_sort3A_233 {descending = true} : (vector<16xf32>, vector<16xf32>, vector<16xi1>) -> (vector<16xi1>, vector<16xf32>, vector<16xf32>)
      %masked_sort3A_237 = arith.constant dense<true> : vector<16xi1>
      %masked_sort3A_238, %masked_sort3A_239, %masked_sort3A_240 = tpu.sort %get3A_169, %get3A_169 masked %masked_sort3A_237 : (vector<16xf32>, vector<16xf32>, vector<16xi1>) -> (vector<16xi1>, vector<16xf32>, vector<16xf32>)
      %masked_sort3A_241 = arith.constant dense<true> : vector<16xi1>
      %masked_sort3A_242, %masked_sort3A_243, %masked_sort3A_244 = tpu.sort %get3A_171, %get3A_171 masked %masked_sort3A_241 {descending = true} : (vector<16xf32>, vector<16xf32>, vector<16xi1>) -> (vector<16xi1>, vector<16xf32>, vector<16xf32>)
      %masked_sort3A_245 = arith.constant dense<true> : vector<16xi1>
      %masked_sort3A_246, %masked_sort3A_247, %masked_sort3A_248 = tpu.sort %get3A_173, %get3A_173 masked %masked_sort3A_245 : (vector<16xf32>, vector<16xf32>, vector<16xi1>) -> (vector<16xi1>, vector<16xf32>, vector<16xf32>)
      %masked_sort3A_249 = arith.constant dense<true> : vector<16xi1>
      %masked_sort3A_250, %masked_sort3A_251, %masked_sort3A_252 = tpu.sort %get3A_175, %get3A_175 masked %masked_sort3A_249 {descending = true} : (vector<16xf32>, vector<16xf32>, vector<16xi1>) -> (vector<16xi1>, vector<16xf32>, vector<16xf32>)
      %masked_sort3A_253 = arith.constant dense<true> : vector<16xi1>
      %masked_sort3A_254, %masked_sort3A_255, %masked_sort3A_256 = tpu.sort %get3A_177, %get3A_177 masked %masked_sort3A_253 : (vector<16xf32>, vector<16xf32>, vector<16xi1>) -> (vector<16xi1>, vector<16xf32>, vector<16xf32>)
      %masked_sort3A_257 = arith.constant dense<true> : vector<16xi1>
      %masked_sort3A_258, %masked_sort3A_259, %masked_sort3A_260 = tpu.sort %get3A_179, %get3A_179 masked %masked_sort3A_257 {descending = true} : (vector<16xf32>, vector<16xf32>, vector<16xi1>) -> (vector<16xi1>, vector<16xf32>, vector<16xf32>)
      %masked_sort3A_261 = arith.constant dense<true> : vector<16xi1>
      %masked_sort3A_262, %masked_sort3A_263, %masked_sort3A_264 = tpu.sort %get3A_181, %get3A_181 masked %masked_sort3A_261 : (vector<16xf32>, vector<16xf32>, vector<16xi1>) -> (vector<16xi1>, vector<16xf32>, vector<16xf32>)
      %masked_sort3A_265 = arith.constant dense<true> : vector<16xi1>
      %masked_sort3A_266, %masked_sort3A_267, %masked_sort3A_268 = tpu.sort %get3A_183, %get3A_183 masked %masked_sort3A_265 {descending = true} : (vector<16xf32>, vector<16xf32>, vector<16xi1>) -> (vector<16xi1>, vector<16xf32>, vector<16xf32>)
      %masked_sort3A_269 = arith.constant dense<true> : vector<16xi1>
      %masked_sort3A_270, %masked_sort3A_271, %masked_sort3A_272 = tpu.sort %get3A_185, %get3A_185 masked %masked_sort3A_269 : (vector<16xf32>, vector<16xf32>, vector<16xi1>) -> (vector<16xi1>, vector<16xf32>, vector<16xf32>)
      %masked_sort3A_273 = arith.constant dense<true> : vector<16xi1>
      %masked_sort3A_274, %masked_sort3A_275, %masked_sort3A_276 = tpu.sort %get3A_187, %get3A_187 masked %masked_sort3A_273 {descending = true} : (vector<16xf32>, vector<16xf32>, vector<16xi1>) -> (vector<16xi1>, vector<16xf32>, vector<16xf32>)
      %masked_sort3A_277 = arith.constant dense<true> : vector<16xi1>
      %masked_sort3A_278, %masked_sort3A_279, %masked_sort3A_280 = tpu.sort %get3A_189, %get3A_189 masked %masked_sort3A_277 : (vector<16xf32>, vector<16xf32>, vector<16xi1>) -> (vector<16xi1>, vector<16xf32>, vector<16xf32>)
      %masked_sort3A_281 = arith.constant dense<true> : vector<16xi1>
      %masked_sort3A_282, %masked_sort3A_283, %masked_sort3A_284 = tpu.sort %get3A_191, %get3A_191 masked %masked_sort3A_281 {descending = true} : (vector<16xf32>, vector<16xf32>, vector<16xi1>) -> (vector<16xi1>, vector<16xf32>, vector<16xf32>)
      %masked_sort3A_285 = arith.constant dense<true> : vector<16xi1>
      %masked_sort3A_286, %masked_sort3A_287, %masked_sort3A_288 = tpu.sort %get3A_193, %get3A_193 masked %masked_sort3A_285 : (vector<16xf32>, vector<16xf32>, vector<16xi1>) -> (vector<16xi1>, vector<16xf32>, vector<16xf32>)
      %masked_sort3A_289 = arith.constant dense<true> : vector<16xi1>
      %masked_sort3A_290, %masked_sort3A_291, %masked_sort3A_292 = tpu.sort %get3A_195, %get3A_195 masked %masked_sort3A_289 {descending = true} : (vector<16xf32>, vector<16xf32>, vector<16xi1>) -> (vector<16xi1>, vector<16xf32>, vector<16xf32>)
      %masked_sort3A_293 = arith.constant dense<true> : vector<16xi1>
      %masked_sort3A_294, %masked_sort3A_295, %masked_sort3A_296 = tpu.sort %get3A_197, %get3A_197 masked %masked_sort3A_293 : (vector<16xf32>, vector<16xf32>, vector<16xi1>) -> (vector<16xi1>, vector<16xf32>, vector<16xf32>)
      %masked_sort3A_297 = arith.constant dense<true> : vector<16xi1>
      %masked_sort3A_298, %masked_sort3A_299, %masked_sort3A_300 = tpu.sort %get3A_199, %get3A_199 masked %masked_sort3A_297 {descending = true} : (vector<16xf32>, vector<16xf32>, vector<16xi1>) -> (vector<16xi1>, vector<16xf32>, vector<16xf32>)
      %masked_sort3A_301 = arith.constant dense<true> : vector<16xi1>
      %masked_sort3A_302, %masked_sort3A_303, %masked_sort3A_304 = tpu.sort %get3A_201, %get3A_201 masked %masked_sort3A_301 : (vector<16xf32>, vector<16xf32>, vector<16xi1>) -> (vector<16xi1>, vector<16xf32>, vector<16xf32>)
      %masked_sort3A_305 = arith.constant dense<true> : vector<16xi1>
      %masked_sort3A_306, %masked_sort3A_307, %masked_sort3A_308 = tpu.sort %get3A_203, %get3A_203 masked %masked_sort3A_305 {descending = true} : (vector<16xf32>, vector<16xf32>, vector<16xi1>) -> (vector<16xi1>, vector<16xf32>, vector<16xf32>)
      %masked_sort3A_309 = arith.constant dense<true> : vector<16xi1>
      %masked_sort3A_310, %masked_sort3A_311, %masked_sort3A_312 = tpu.sort %get3A_205, %get3A_205 masked %masked_sort3A_309 : (vector<16xf32>, vector<16xf32>, vector<16xi1>) -> (vector<16xi1>, vector<16xf32>, vector<16xf32>)
      %masked_sort3A_313 = arith.constant dense<true> : vector<16xi1>
      %masked_sort3A_314, %masked_sort3A_315, %masked_sort3A_316 = tpu.sort %get3A_207, %get3A_207 masked %masked_sort3A_313 {descending = true} : (vector<16xf32>, vector<16xf32>, vector<16xi1>) -> (vector<16xi1>, vector<16xf32>, vector<16xf32>)
      %masked_sort3A_317 = arith.constant dense<true> : vector<16xi1>
      %masked_sort3A_318, %masked_sort3A_319, %masked_sort3A_320 = tpu.sort %get3A_209, %get3A_209 masked %masked_sort3A_317 : (vector<16xf32>, vector<16xf32>, vector<16xi1>) -> (vector<16xi1>, vector<16xf32>, vector<16xf32>)
      %masked_sort3A_321 = arith.constant dense<true> : vector<16xi1>
      %masked_sort3A_322, %masked_sort3A_323, %masked_sort3A_324 = tpu.sort %get3A_211, %get3A_211 masked %masked_sort3A_321 {descending = true} : (vector<16xf32>, vector<16xf32>, vector<16xi1>) -> (vector<16xi1>, vector<16xf32>, vector<16xf32>)
      %masked_sort3A_325 = arith.constant dense<true> : vector<16xi1>
      %masked_sort3A_326, %masked_sort3A_327, %masked_sort3A_328 = tpu.sort %get3A_213, %get3A_213 masked %masked_sort3A_325 : (vector<16xf32>, vector<16xf32>, vector<16xi1>) -> (vector<16xi1>, vector<16xf32>, vector<16xf32>)
      %masked_sort3A_329 = arith.constant dense<true> : vector<16xi1>
      %masked_sort3A_330, %masked_sort3A_331, %masked_sort3A_332 = tpu.sort %get3A_215, %get3A_215 masked %masked_sort3A_329 {descending = true} : (vector<16xf32>, vector<16xf32>, vector<16xi1>) -> (vector<16xi1>, vector<16xf32>, vector<16xf32>)
      %masked_sort3A_333 = arith.constant dense<true> : vector<16xi1>
      %masked_sort3A_334, %masked_sort3A_335, %masked_sort3A_336 = tpu.sort %get3A_217, %get3A_217 masked %masked_sort3A_333 : (vector<16xf32>, vector<16xf32>, vector<16xi1>) -> (vector<16xi1>, vector<16xf32>, vector<16xf32>)
      %masked_sort3A_337 = arith.constant dense<true> : vector<16xi1>
      %masked_sort3A_338, %masked_sort3A_339, %masked_sort3A_340 = tpu.sort %get3A_219, %get3A_219 masked %masked_sort3A_337 {descending = true} : (vector<16xf32>, vector<16xf32>, vector<16xi1>) -> (vector<16xi1>, vector<16xf32>, vector<16xf32>)
      %masked_sort3A_341 = arith.constant dense<true> : vector<16xi1>
      %masked_sort3A_342, %masked_sort3A_343, %masked_sort3A_344 = tpu.sort %get3A_221, %get3A_221 masked %masked_sort3A_341 : (vector<16xf32>, vector<16xf32>, vector<16xi1>) -> (vector<16xi1>, vector<16xf32>, vector<16xf32>)
      %masked_sort3A_345 = arith.constant dense<true> : vector<16xi1>
      %masked_sort3A_346, %masked_sort3A_347, %masked_sort3A_348 = tpu.sort %get3A_223, %get3A_223 masked %masked_sort3A_345 {descending = true} : (vector<16xf32>, vector<16xf32>, vector<16xi1>) -> (vector<16xi1>, vector<16xf32>, vector<16xf32>)
      %masked_sort3A_349 = arith.constant dense<true> : vector<16xi1>
      %masked_sort3A_350, %masked_sort3A_351, %masked_sort3A_352 = tpu.sort %get3A_225, %get3A_225 masked %masked_sort3A_349 : (vector<16xf32>, vector<16xf32>, vector<16xi1>) -> (vector<16xi1>, vector<16xf32>, vector<16xf32>)
      %max3A = arith.maximumf %masked_sort3A_227, %masked_sort3A_231 : vector<16xf32>
      %min3A = arith.minimumf %masked_sort3A_227, %masked_sort3A_231 : vector<16xf32>
      %max3A_353 = arith.maximumf %masked_sort3A_235, %masked_sort3A_239 : vector<16xf32>
      %min3A_354 = arith.minimumf %masked_sort3A_235, %masked_sort3A_239 : vector<16xf32>
      %max3A_355 = arith.maximumf %masked_sort3A_243, %masked_sort3A_247 : vector<16xf32>
      %min3A_356 = arith.minimumf %masked_sort3A_243, %masked_sort3A_247 : vector<16xf32>
      %max3A_357 = arith.maximumf %masked_sort3A_251, %masked_sort3A_255 : vector<16xf32>
      %min3A_358 = arith.minimumf %masked_sort3A_251, %masked_sort3A_255 : vector<16xf32>
      %max3A_359 = arith.maximumf %masked_sort3A_259, %masked_sort3A_263 : vector<16xf32>
      %min3A_360 = arith.minimumf %masked_sort3A_259, %masked_sort3A_263 : vector<16xf32>
      %max3A_361 = arith.maximumf %masked_sort3A_267, %masked_sort3A_271 : vector<16xf32>
      %min3A_362 = arith.minimumf %masked_sort3A_267, %masked_sort3A_271 : vector<16xf32>
      %max3A_363 = arith.maximumf %masked_sort3A_275, %masked_sort3A_279 : vector<16xf32>
      %min3A_364 = arith.minimumf %masked_sort3A_275, %masked_sort3A_279 : vector<16xf32>
      %max3A_365 = arith.maximumf %masked_sort3A_283, %masked_sort3A_287 : vector<16xf32>
      %min3A_366 = arith.minimumf %masked_sort3A_283, %masked_sort3A_287 : vector<16xf32>
      %max3A_367 = arith.maximumf %masked_sort3A_291, %masked_sort3A_295 : vector<16xf32>
      %min3A_368 = arith.minimumf %masked_sort3A_291, %masked_sort3A_295 : vector<16xf32>
      %max3A_369 = arith.maximumf %masked_sort3A_299, %masked_sort3A_303 : vector<16xf32>
      %min3A_370 = arith.minimumf %masked_sort3A_299, %masked_sort3A_303 : vector<16xf32>
      %max3A_371 = arith.maximumf %masked_sort3A_307, %masked_sort3A_311 : vector<16xf32>
      %min3A_372 = arith.minimumf %masked_sort3A_307, %masked_sort3A_311 : vector<16xf32>
      %max3A_373 = arith.maximumf %masked_sort3A_315, %masked_sort3A_319 : vector<16xf32>
      %min3A_374 = arith.minimumf %masked_sort3A_315, %masked_sort3A_319 : vector<16xf32>
      %max3A_375 = arith.maximumf %masked_sort3A_323, %masked_sort3A_327 : vector<16xf32>
      %min3A_376 = arith.minimumf %masked_sort3A_323, %masked_sort3A_327 : vector<16xf32>
      %max3A_377 = arith.maximumf %masked_sort3A_331, %masked_sort3A_335 : vector<16xf32>
      %min3A_378 = arith.minimumf %masked_sort3A_331, %masked_sort3A_335 : vector<16xf32>
      %max3A_379 = arith.maximumf %masked_sort3A_339, %masked_sort3A_343 : vector<16xf32>
      %min3A_380 = arith.minimumf %masked_sort3A_339, %masked_sort3A_343 : vector<16xf32>
      %max3A_381 = arith.maximumf %masked_sort3A_347, %masked_sort3A_351 : vector<16xf32>
      %min3A_382 = arith.minimumf %masked_sort3A_347, %masked_sort3A_351 : vector<16xf32>
      %masked_sort3A_383 = arith.constant dense<true> : vector<16xi1>
      %masked_sort3A_384, %masked_sort3A_385, %masked_sort3A_386 = tpu.sort %max3A, %max3A masked %masked_sort3A_383 {descending = true} : (vector<16xf32>, vector<16xf32>, vector<16xi1>) -> (vector<16xi1>, vector<16xf32>, vector<16xf32>)
      %masked_sort3A_387 = arith.constant dense<true> : vector<16xi1>
      %masked_sort3A_388, %masked_sort3A_389, %masked_sort3A_390 = tpu.sort %min3A, %min3A masked %masked_sort3A_387 {descending = true} : (vector<16xf32>, vector<16xf32>, vector<16xi1>) -> (vector<16xi1>, vector<16xf32>, vector<16xf32>)
      %masked_sort3A_391 = arith.constant dense<true> : vector<16xi1>
      %masked_sort3A_392, %masked_sort3A_393, %masked_sort3A_394 = tpu.sort %min3A_354, %min3A_354 masked %masked_sort3A_391 : (vector<16xf32>, vector<16xf32>, vector<16xi1>) -> (vector<16xi1>, vector<16xf32>, vector<16xf32>)
      %masked_sort3A_395 = arith.constant dense<true> : vector<16xi1>
      %masked_sort3A_396, %masked_sort3A_397, %masked_sort3A_398 = tpu.sort %max3A_353, %max3A_353 masked %masked_sort3A_395 : (vector<16xf32>, vector<16xf32>, vector<16xi1>) -> (vector<16xi1>, vector<16xf32>, vector<16xf32>)
      %masked_sort3A_399 = arith.constant dense<true> : vector<16xi1>
      %masked_sort3A_400, %masked_sort3A_401, %masked_sort3A_402 = tpu.sort %max3A_355, %max3A_355 masked %masked_sort3A_399 {descending = true} : (vector<16xf32>, vector<16xf32>, vector<16xi1>) -> (vector<16xi1>, vector<16xf32>, vector<16xf32>)
      %masked_sort3A_403 = arith.constant dense<true> : vector<16xi1>
      %masked_sort3A_404, %masked_sort3A_405, %masked_sort3A_406 = tpu.sort %min3A_356, %min3A_356 masked %masked_sort3A_403 {descending = true} : (vector<16xf32>, vector<16xf32>, vector<16xi1>) -> (vector<16xi1>, vector<16xf32>, vector<16xf32>)
      %masked_sort3A_407 = arith.constant dense<true> : vector<16xi1>
      %masked_sort3A_408, %masked_sort3A_409, %masked_sort3A_410 = tpu.sort %min3A_358, %min3A_358 masked %masked_sort3A_407 : (vector<16xf32>, vector<16xf32>, vector<16xi1>) -> (vector<16xi1>, vector<16xf32>, vector<16xf32>)
      %masked_sort3A_411 = arith.constant dense<true> : vector<16xi1>
      %masked_sort3A_412, %masked_sort3A_413, %masked_sort3A_414 = tpu.sort %max3A_357, %max3A_357 masked %masked_sort3A_411 : (vector<16xf32>, vector<16xf32>, vector<16xi1>) -> (vector<16xi1>, vector<16xf32>, vector<16xf32>)
      %masked_sort3A_415 = arith.constant dense<true> : vector<16xi1>
      %masked_sort3A_416, %masked_sort3A_417, %masked_sort3A_418 = tpu.sort %max3A_359, %max3A_359 masked %masked_sort3A_415 {descending = true} : (vector<16xf32>, vector<16xf32>, vector<16xi1>) -> (vector<16xi1>, vector<16xf32>, vector<16xf32>)
      %masked_sort3A_419 = arith.constant dense<true> : vector<16xi1>
      %masked_sort3A_420, %masked_sort3A_421, %masked_sort3A_422 = tpu.sort %min3A_360, %min3A_360 masked %masked_sort3A_419 {descending = true} : (vector<16xf32>, vector<16xf32>, vector<16xi1>) -> (vector<16xi1>, vector<16xf32>, vector<16xf32>)
      %masked_sort3A_423 = arith.constant dense<true> : vector<16xi1>
      %masked_sort3A_424, %masked_sort3A_425, %masked_sort3A_426 = tpu.sort %min3A_362, %min3A_362 masked %masked_sort3A_423 : (vector<16xf32>, vector<16xf32>, vector<16xi1>) -> (vector<16xi1>, vector<16xf32>, vector<16xf32>)
      %masked_sort3A_427 = arith.constant dense<true> : vector<16xi1>
      %masked_sort3A_428, %masked_sort3A_429, %masked_sort3A_430 = tpu.sort %max3A_361, %max3A_361 masked %masked_sort3A_427 : (vector<16xf32>, vector<16xf32>, vector<16xi1>) -> (vector<16xi1>, vector<16xf32>, vector<16xf32>)
      %masked_sort3A_431 = arith.constant dense<true> : vector<16xi1>
      %masked_sort3A_432, %masked_sort3A_433, %masked_sort3A_434 = tpu.sort %max3A_363, %max3A_363 masked %masked_sort3A_431 {descending = true} : (vector<16xf32>, vector<16xf32>, vector<16xi1>) -> (vector<16xi1>, vector<16xf32>, vector<16xf32>)
      %masked_sort3A_435 = arith.constant dense<true> : vector<16xi1>
      %masked_sort3A_436, %masked_sort3A_437, %masked_sort3A_438 = tpu.sort %min3A_364, %min3A_364 masked %masked_sort3A_435 {descending = true} : (vector<16xf32>, vector<16xf32>, vector<16xi1>) -> (vector<16xi1>, vector<16xf32>, vector<16xf32>)
      %masked_sort3A_439 = arith.constant dense<true> : vector<16xi1>
      %masked_sort3A_440, %masked_sort3A_441, %masked_sort3A_442 = tpu.sort %min3A_366, %min3A_366 masked %masked_sort3A_439 : (vector<16xf32>, vector<16xf32>, vector<16xi1>) -> (vector<16xi1>, vector<16xf32>, vector<16xf32>)
      %masked_sort3A_443 = arith.constant dense<true> : vector<16xi1>
      %masked_sort3A_444, %masked_sort3A_445, %masked_sort3A_446 = tpu.sort %max3A_365, %max3A_365 masked %masked_sort3A_443 : (vector<16xf32>, vector<16xf32>, vector<16xi1>) -> (vector<16xi1>, vector<16xf32>, vector<16xf32>)
      %masked_sort3A_447 = arith.constant dense<true> : vector<16xi1>
      %masked_sort3A_448, %masked_sort3A_449, %masked_sort3A_450 = tpu.sort %max3A_367, %max3A_367 masked %masked_sort3A_447 {descending = true} : (vector<16xf32>, vector<16xf32>, vector<16xi1>) -> (vector<16xi1>, vector<16xf32>, vector<16xf32>)
      %masked_sort3A_451 = arith.constant dense<true> : vector<16xi1>
      %masked_sort3A_452, %masked_sort3A_453, %masked_sort3A_454 = tpu.sort %min3A_368, %min3A_368 masked %masked_sort3A_451 {descending = true} : (vector<16xf32>, vector<16xf32>, vector<16xi1>) -> (vector<16xi1>, vector<16xf32>, vector<16xf32>)
      %masked_sort3A_455 = arith.constant dense<true> : vector<16xi1>
      %masked_sort3A_456, %masked_sort3A_457, %masked_sort3A_458 = tpu.sort %min3A_370, %min3A_370 masked %masked_sort3A_455 : (vector<16xf32>, vector<16xf32>, vector<16xi1>) -> (vector<16xi1>, vector<16xf32>, vector<16xf32>)
      %masked_sort3A_459 = arith.constant dense<true> : vector<16xi1>
      %masked_sort3A_460, %masked_sort3A_461, %masked_sort3A_462 = tpu.sort %max3A_369, %max3A_369 masked %masked_sort3A_459 : (vector<16xf32>, vector<16xf32>, vector<16xi1>) -> (vector<16xi1>, vector<16xf32>, vector<16xf32>)
      %masked_sort3A_463 = arith.constant dense<true> : vector<16xi1>
      %masked_sort3A_464, %masked_sort3A_465, %masked_sort3A_466 = tpu.sort %max3A_371, %max3A_371 masked %masked_sort3A_463 {descending = true} : (vector<16xf32>, vector<16xf32>, vector<16xi1>) -> (vector<16xi1>, vector<16xf32>, vector<16xf32>)
      %masked_sort3A_467 = arith.constant dense<true> : vector<16xi1>
      %masked_sort3A_468, %masked_sort3A_469, %masked_sort3A_470 = tpu.sort %min3A_372, %min3A_372 masked %masked_sort3A_467 {descending = true} : (vector<16xf32>, vector<16xf32>, vector<16xi1>) -> (vector<16xi1>, vector<16xf32>, vector<16xf32>)
      %masked_sort3A_471 = arith.constant dense<true> : vector<16xi1>
      %masked_sort3A_472, %masked_sort3A_473, %masked_sort3A_474 = tpu.sort %min3A_374, %min3A_374 masked %masked_sort3A_471 : (vector<16xf32>, vector<16xf32>, vector<16xi1>) -> (vector<16xi1>, vector<16xf32>, vector<16xf32>)
      %masked_sort3A_475 = arith.constant dense<true> : vector<16xi1>
      %masked_sort3A_476, %masked_sort3A_477, %masked_sort3A_478 = tpu.sort %max3A_373, %max3A_373 masked %masked_sort3A_475 : (vector<16xf32>, vector<16xf32>, vector<16xi1>) -> (vector<16xi1>, vector<16xf32>, vector<16xf32>)
      %masked_sort3A_479 = arith.constant dense<true> : vector<16xi1>
      %masked_sort3A_480, %masked_sort3A_481, %masked_sort3A_482 = tpu.sort %max3A_375, %max3A_375 masked %masked_sort3A_479 {descending = true} : (vector<16xf32>, vector<16xf32>, vector<16xi1>) -> (vector<16xi1>, vector<16xf32>, vector<16xf32>)
      %masked_sort3A_483 = arith.constant dense<true> : vector<16xi1>
      %masked_sort3A_484, %masked_sort3A_485, %masked_sort3A_486 = tpu.sort %min3A_376, %min3A_376 masked %masked_sort3A_483 {descending = true} : (vector<16xf32>, vector<16xf32>, vector<16xi1>) -> (vector<16xi1>, vector<16xf32>, vector<16xf32>)
      %masked_sort3A_487 = arith.constant dense<true> : vector<16xi1>
      %masked_sort3A_488, %masked_sort3A_489, %masked_sort3A_490 = tpu.sort %min3A_378, %min3A_378 masked %masked_sort3A_487 : (vector<16xf32>, vector<16xf32>, vector<16xi1>) -> (vector<16xi1>, vector<16xf32>, vector<16xf32>)
      %masked_sort3A_491 = arith.constant dense<true> : vector<16xi1>
      %masked_sort3A_492, %masked_sort3A_493, %masked_sort3A_494 = tpu.sort %max3A_377, %max3A_377 masked %masked_sort3A_491 : (vector<16xf32>, vector<16xf32>, vector<16xi1>) -> (vector<16xi1>, vector<16xf32>, vector<16xf32>)
      %masked_sort3A_495 = arith.constant dense<true> : vector<16xi1>
      %masked_sort3A_496, %masked_sort3A_497, %masked_sort3A_498 = tpu.sort %max3A_379, %max3A_379 masked %masked_sort3A_495 {descending = true} : (vector<16xf32>, vector<16xf32>, vector<16xi1>) -> (vector<16xi1>, vector<16xf32>, vector<16xf32>)
      %masked_sort3A_499 = arith.constant dense<true> : vector<16xi1>
      %masked_sort3A_500, %masked_sort3A_501, %masked_sort3A_502 = tpu.sort %min3A_380, %min3A_380 masked %masked_sort3A_499 {descending = true} : (vector<16xf32>, vector<16xf32>, vector<16xi1>) -> (vector<16xi1>, vector<16xf32>, vector<16xf32>)
      %masked_sort3A_503 = arith.constant dense<true> : vector<16xi1>
      %masked_sort3A_504, %masked_sort3A_505, %masked_sort3A_506 = tpu.sort %min3A_382, %min3A_382 masked %masked_sort3A_503 : (vector<16xf32>, vector<16xf32>, vector<16xi1>) -> (vector<16xi1>, vector<16xf32>, vector<16xf32>)
      %masked_sort3A_507 = arith.constant dense<true> : vector<16xi1>
      %masked_sort3A_508, %masked_sort3A_509, %masked_sort3A_510 = tpu.sort %max3A_381, %max3A_381 masked %masked_sort3A_507 : (vector<16xf32>, vector<16xf32>, vector<16xi1>) -> (vector<16xi1>, vector<16xf32>, vector<16xf32>)
      %max3A_511 = arith.maximumf %masked_sort3A_385, %masked_sort3A_393 : vector<16xf32>
      %min3A_512 = arith.minimumf %masked_sort3A_385, %masked_sort3A_393 : vector<16xf32>
      %max3A_513 = arith.maximumf %masked_sort3A_389, %masked_sort3A_397 : vector<16xf32>
      %min3A_514 = arith.minimumf %masked_sort3A_389, %masked_sort3A_397 : vector<16xf32>
      %max3A_515 = arith.maximumf %masked_sort3A_401, %masked_sort3A_409 : vector<16xf32>
      %min3A_516 = arith.minimumf %masked_sort3A_401, %masked_sort3A_409 : vector<16xf32>
      %max3A_517 = arith.maximumf %masked_sort3A_405, %masked_sort3A_413 : vector<16xf32>
      %min3A_518 = arith.minimumf %masked_sort3A_405, %masked_sort3A_413 : vector<16xf32>
      %max3A_519 = arith.maximumf %masked_sort3A_417, %masked_sort3A_425 : vector<16xf32>
      %min3A_520 = arith.minimumf %masked_sort3A_417, %masked_sort3A_425 : vector<16xf32>
      %max3A_521 = arith.maximumf %masked_sort3A_421, %masked_sort3A_429 : vector<16xf32>
      %min3A_522 = arith.minimumf %masked_sort3A_421, %masked_sort3A_429 : vector<16xf32>
      %max3A_523 = arith.maximumf %masked_sort3A_433, %masked_sort3A_441 : vector<16xf32>
      %min3A_524 = arith.minimumf %masked_sort3A_433, %masked_sort3A_441 : vector<16xf32>
      %max3A_525 = arith.maximumf %masked_sort3A_437, %masked_sort3A_445 : vector<16xf32>
      %min3A_526 = arith.minimumf %masked_sort3A_437, %masked_sort3A_445 : vector<16xf32>
      %max3A_527 = arith.maximumf %masked_sort3A_449, %masked_sort3A_457 : vector<16xf32>
      %min3A_528 = arith.minimumf %masked_sort3A_449, %masked_sort3A_457 : vector<16xf32>
      %max3A_529 = arith.maximumf %masked_sort3A_453, %masked_sort3A_461 : vector<16xf32>
      %min3A_530 = arith.minimumf %masked_sort3A_453, %masked_sort3A_461 : vector<16xf32>
      %max3A_531 = arith.maximumf %masked_sort3A_465, %masked_sort3A_473 : vector<16xf32>
      %min3A_532 = arith.minimumf %masked_sort3A_465, %masked_sort3A_473 : vector<16xf32>
      %max3A_533 = arith.maximumf %masked_sort3A_469, %masked_sort3A_477 : vector<16xf32>
      %min3A_534 = arith.minimumf %masked_sort3A_469, %masked_sort3A_477 : vector<16xf32>
      %max3A_535 = arith.maximumf %masked_sort3A_481, %masked_sort3A_489 : vector<16xf32>
      %min3A_536 = arith.minimumf %masked_sort3A_481, %masked_sort3A_489 : vector<16xf32>
      %max3A_537 = arith.maximumf %masked_sort3A_485, %masked_sort3A_493 : vector<16xf32>
      %min3A_538 = arith.minimumf %masked_sort3A_485, %masked_sort3A_493 : vector<16xf32>
      %max3A_539 = arith.maximumf %masked_sort3A_497, %masked_sort3A_505 : vector<16xf32>
      %min3A_540 = arith.minimumf %masked_sort3A_497, %masked_sort3A_505 : vector<16xf32>
      %max3A_541 = arith.maximumf %masked_sort3A_501, %masked_sort3A_509 : vector<16xf32>
      %min3A_542 = arith.minimumf %masked_sort3A_501, %masked_sort3A_509 : vector<16xf32>
      %max3A_543 = arith.maximumf %max3A_511, %max3A_513 : vector<16xf32>
      %min3A_544 = arith.minimumf %max3A_511, %max3A_513 : vector<16xf32>
      %max3A_545 = arith.maximumf %min3A_512, %min3A_514 : vector<16xf32>
      %min3A_546 = arith.minimumf %min3A_512, %min3A_514 : vector<16xf32>
      %max3A_547 = arith.maximumf %min3A_516, %min3A_518 : vector<16xf32>
      %min3A_548 = arith.minimumf %min3A_516, %min3A_518 : vector<16xf32>
      %max3A_549 = arith.maximumf %max3A_515, %max3A_517 : vector<16xf32>
      %min3A_550 = arith.minimumf %max3A_515, %max3A_517 : vector<16xf32>
      %max3A_551 = arith.maximumf %max3A_519, %max3A_521 : vector<16xf32>
      %min3A_552 = arith.minimumf %max3A_519, %max3A_521 : vector<16xf32>
      %max3A_553 = arith.maximumf %min3A_520, %min3A_522 : vector<16xf32>
      %min3A_554 = arith.minimumf %min3A_520, %min3A_522 : vector<16xf32>
      %max3A_555 = arith.maximumf %min3A_524, %min3A_526 : vector<16xf32>
      %min3A_556 = arith.minimumf %min3A_524, %min3A_526 : vector<16xf32>
      %max3A_557 = arith.maximumf %max3A_523, %max3A_525 : vector<16xf32>
      %min3A_558 = arith.minimumf %max3A_523, %max3A_525 : vector<16xf32>
      %max3A_559 = arith.maximumf %max3A_527, %max3A_529 : vector<16xf32>
      %min3A_560 = arith.minimumf %max3A_527, %max3A_529 : vector<16xf32>
      %max3A_561 = arith.maximumf %min3A_528, %min3A_530 : vector<16xf32>
      %min3A_562 = arith.minimumf %min3A_528, %min3A_530 : vector<16xf32>
      %max3A_563 = arith.maximumf %min3A_532, %min3A_534 : vector<16xf32>
      %min3A_564 = arith.minimumf %min3A_532, %min3A_534 : vector<16xf32>
      %max3A_565 = arith.maximumf %max3A_531, %max3A_533 : vector<16xf32>
      %min3A_566 = arith.minimumf %max3A_531, %max3A_533 : vector<16xf32>
      %max3A_567 = arith.maximumf %max3A_535, %max3A_537 : vector<16xf32>
      %min3A_568 = arith.minimumf %max3A_535, %max3A_537 : vector<16xf32>
      %max3A_569 = arith.maximumf %min3A_536, %min3A_538 : vector<16xf32>
      %min3A_570 = arith.minimumf %min3A_536, %min3A_538 : vector<16xf32>
      %max3A_571 = arith.maximumf %min3A_540, %min3A_542 : vector<16xf32>
      %min3A_572 = arith.minimumf %min3A_540, %min3A_542 : vector<16xf32>
      %max3A_573 = arith.maximumf %max3A_539, %max3A_541 : vector<16xf32>
      %min3A_574 = arith.minimumf %max3A_539, %max3A_541 : vector<16xf32>
      %masked_sort3A_575 = arith.constant dense<true> : vector<16xi1>
      %masked_sort3A_576, %masked_sort3A_577, %masked_sort3A_578 = tpu.sort %max3A_543, %max3A_543 masked %masked_sort3A_575 {descending = true} : (vector<16xf32>, vector<16xf32>, vector<16xi1>) -> (vector<16xi1>, vector<16xf32>, vector<16xf32>)
      %masked_sort3A_579 = arith.constant dense<true> : vector<16xi1>
      %masked_sort3A_580, %masked_sort3A_581, %masked_sort3A_582 = tpu.sort %min3A_544, %min3A_544 masked %masked_sort3A_579 {descending = true} : (vector<16xf32>, vector<16xf32>, vector<16xi1>) -> (vector<16xi1>, vector<16xf32>, vector<16xf32>)
      %masked_sort3A_583 = arith.constant dense<true> : vector<16xi1>
      %masked_sort3A_584, %masked_sort3A_585, %masked_sort3A_586 = tpu.sort %max3A_545, %max3A_545 masked %masked_sort3A_583 {descending = true} : (vector<16xf32>, vector<16xf32>, vector<16xi1>) -> (vector<16xi1>, vector<16xf32>, vector<16xf32>)
      %masked_sort3A_587 = arith.constant dense<true> : vector<16xi1>
      %masked_sort3A_588, %masked_sort3A_589, %masked_sort3A_590 = tpu.sort %min3A_546, %min3A_546 masked %masked_sort3A_587 {descending = true} : (vector<16xf32>, vector<16xf32>, vector<16xi1>) -> (vector<16xi1>, vector<16xf32>, vector<16xf32>)
      %masked_sort3A_591 = arith.constant dense<true> : vector<16xi1>
      %masked_sort3A_592, %masked_sort3A_593, %masked_sort3A_594 = tpu.sort %min3A_548, %min3A_548 masked %masked_sort3A_591 : (vector<16xf32>, vector<16xf32>, vector<16xi1>) -> (vector<16xi1>, vector<16xf32>, vector<16xf32>)
      %masked_sort3A_595 = arith.constant dense<true> : vector<16xi1>
      %masked_sort3A_596, %masked_sort3A_597, %masked_sort3A_598 = tpu.sort %max3A_547, %max3A_547 masked %masked_sort3A_595 : (vector<16xf32>, vector<16xf32>, vector<16xi1>) -> (vector<16xi1>, vector<16xf32>, vector<16xf32>)
      %masked_sort3A_599 = arith.constant dense<true> : vector<16xi1>
      %masked_sort3A_600, %masked_sort3A_601, %masked_sort3A_602 = tpu.sort %min3A_550, %min3A_550 masked %masked_sort3A_599 : (vector<16xf32>, vector<16xf32>, vector<16xi1>) -> (vector<16xi1>, vector<16xf32>, vector<16xf32>)
      %masked_sort3A_603 = arith.constant dense<true> : vector<16xi1>
      %masked_sort3A_604, %masked_sort3A_605, %masked_sort3A_606 = tpu.sort %max3A_549, %max3A_549 masked %masked_sort3A_603 : (vector<16xf32>, vector<16xf32>, vector<16xi1>) -> (vector<16xi1>, vector<16xf32>, vector<16xf32>)
      %masked_sort3A_607 = arith.constant dense<true> : vector<16xi1>
      %masked_sort3A_608, %masked_sort3A_609, %masked_sort3A_610 = tpu.sort %max3A_551, %max3A_551 masked %masked_sort3A_607 {descending = true} : (vector<16xf32>, vector<16xf32>, vector<16xi1>) -> (vector<16xi1>, vector<16xf32>, vector<16xf32>)
      %masked_sort3A_611 = arith.constant dense<true> : vector<16xi1>
      %masked_sort3A_612, %masked_sort3A_613, %masked_sort3A_614 = tpu.sort %min3A_552, %min3A_552 masked %masked_sort3A_611 {descending = true} : (vector<16xf32>, vector<16xf32>, vector<16xi1>) -> (vector<16xi1>, vector<16xf32>, vector<16xf32>)
      %masked_sort3A_615 = arith.constant dense<true> : vector<16xi1>
      %masked_sort3A_616, %masked_sort3A_617, %masked_sort3A_618 = tpu.sort %max3A_553, %max3A_553 masked %masked_sort3A_615 {descending = true} : (vector<16xf32>, vector<16xf32>, vector<16xi1>) -> (vector<16xi1>, vector<16xf32>, vector<16xf32>)
      %masked_sort3A_619 = arith.constant dense<true> : vector<16xi1>
      %masked_sort3A_620, %masked_sort3A_621, %masked_sort3A_622 = tpu.sort %min3A_554, %min3A_554 masked %masked_sort3A_619 {descending = true} : (vector<16xf32>, vector<16xf32>, vector<16xi1>) -> (vector<16xi1>, vector<16xf32>, vector<16xf32>)
      %masked_sort3A_623 = arith.constant dense<true> : vector<16xi1>
      %masked_sort3A_624, %masked_sort3A_625, %masked_sort3A_626 = tpu.sort %min3A_556, %min3A_556 masked %masked_sort3A_623 : (vector<16xf32>, vector<16xf32>, vector<16xi1>) -> (vector<16xi1>, vector<16xf32>, vector<16xf32>)
      %masked_sort3A_627 = arith.constant dense<true> : vector<16xi1>
      %masked_sort3A_628, %masked_sort3A_629, %masked_sort3A_630 = tpu.sort %max3A_555, %max3A_555 masked %masked_sort3A_627 : (vector<16xf32>, vector<16xf32>, vector<16xi1>) -> (vector<16xi1>, vector<16xf32>, vector<16xf32>)
      %masked_sort3A_631 = arith.constant dense<true> : vector<16xi1>
      %masked_sort3A_632, %masked_sort3A_633, %masked_sort3A_634 = tpu.sort %min3A_558, %min3A_558 masked %masked_sort3A_631 : (vector<16xf32>, vector<16xf32>, vector<16xi1>) -> (vector<16xi1>, vector<16xf32>, vector<16xf32>)
      %masked_sort3A_635 = arith.constant dense<true> : vector<16xi1>
      %masked_sort3A_636, %masked_sort3A_637, %masked_sort3A_638 = tpu.sort %max3A_557, %max3A_557 masked %masked_sort3A_635 : (vector<16xf32>, vector<16xf32>, vector<16xi1>) -> (vector<16xi1>, vector<16xf32>, vector<16xf32>)
      %masked_sort3A_639 = arith.constant dense<true> : vector<16xi1>
      %masked_sort3A_640, %masked_sort3A_641, %masked_sort3A_642 = tpu.sort %max3A_559, %max3A_559 masked %masked_sort3A_639 {descending = true} : (vector<16xf32>, vector<16xf32>, vector<16xi1>) -> (vector<16xi1>, vector<16xf32>, vector<16xf32>)
      %masked_sort3A_643 = arith.constant dense<true> : vector<16xi1>
      %masked_sort3A_644, %masked_sort3A_645, %masked_sort3A_646 = tpu.sort %min3A_560, %min3A_560 masked %masked_sort3A_643 {descending = true} : (vector<16xf32>, vector<16xf32>, vector<16xi1>) -> (vector<16xi1>, vector<16xf32>, vector<16xf32>)
      %masked_sort3A_647 = arith.constant dense<true> : vector<16xi1>
      %masked_sort3A_648, %masked_sort3A_649, %masked_sort3A_650 = tpu.sort %max3A_561, %max3A_561 masked %masked_sort3A_647 {descending = true} : (vector<16xf32>, vector<16xf32>, vector<16xi1>) -> (vector<16xi1>, vector<16xf32>, vector<16xf32>)
      %masked_sort3A_651 = arith.constant dense<true> : vector<16xi1>
      %masked_sort3A_652, %masked_sort3A_653, %masked_sort3A_654 = tpu.sort %min3A_562, %min3A_562 masked %masked_sort3A_651 {descending = true} : (vector<16xf32>, vector<16xf32>, vector<16xi1>) -> (vector<16xi1>, vector<16xf32>, vector<16xf32>)
      %masked_sort3A_655 = arith.constant dense<true> : vector<16xi1>
      %masked_sort3A_656, %masked_sort3A_657, %masked_sort3A_658 = tpu.sort %min3A_564, %min3A_564 masked %masked_sort3A_655 : (vector<16xf32>, vector<16xf32>, vector<16xi1>) -> (vector<16xi1>, vector<16xf32>, vector<16xf32>)
      %masked_sort3A_659 = arith.constant dense<true> : vector<16xi1>
      %masked_sort3A_660, %masked_sort3A_661, %masked_sort3A_662 = tpu.sort %max3A_563, %max3A_563 masked %masked_sort3A_659 : (vector<16xf32>, vector<16xf32>, vector<16xi1>) -> (vector<16xi1>, vector<16xf32>, vector<16xf32>)
      %masked_sort3A_663 = arith.constant dense<true> : vector<16xi1>
      %masked_sort3A_664, %masked_sort3A_665, %masked_sort3A_666 = tpu.sort %min3A_566, %min3A_566 masked %masked_sort3A_663 : (vector<16xf32>, vector<16xf32>, vector<16xi1>) -> (vector<16xi1>, vector<16xf32>, vector<16xf32>)
      %masked_sort3A_667 = arith.constant dense<true> : vector<16xi1>
      %masked_sort3A_668, %masked_sort3A_669, %masked_sort3A_670 = tpu.sort %max3A_565, %max3A_565 masked %masked_sort3A_667 : (vector<16xf32>, vector<16xf32>, vector<16xi1>) -> (vector<16xi1>, vector<16xf32>, vector<16xf32>)
      %masked_sort3A_671 = arith.constant dense<true> : vector<16xi1>
      %masked_sort3A_672, %masked_sort3A_673, %masked_sort3A_674 = tpu.sort %max3A_567, %max3A_567 masked %masked_sort3A_671 {descending = true} : (vector<16xf32>, vector<16xf32>, vector<16xi1>) -> (vector<16xi1>, vector<16xf32>, vector<16xf32>)
      %masked_sort3A_675 = arith.constant dense<true> : vector<16xi1>
      %masked_sort3A_676, %masked_sort3A_677, %masked_sort3A_678 = tpu.sort %min3A_568, %min3A_568 masked %masked_sort3A_675 {descending = true} : (vector<16xf32>, vector<16xf32>, vector<16xi1>) -> (vector<16xi1>, vector<16xf32>, vector<16xf32>)
      %masked_sort3A_679 = arith.constant dense<true> : vector<16xi1>
      %masked_sort3A_680, %masked_sort3A_681, %masked_sort3A_682 = tpu.sort %max3A_569, %max3A_569 masked %masked_sort3A_679 {descending = true} : (vector<16xf32>, vector<16xf32>, vector<16xi1>) -> (vector<16xi1>, vector<16xf32>, vector<16xf32>)
      %masked_sort3A_683 = arith.constant dense<true> : vector<16xi1>
      %masked_sort3A_684, %masked_sort3A_685, %masked_sort3A_686 = tpu.sort %min3A_570, %min3A_570 masked %masked_sort3A_683 {descending = true} : (vector<16xf32>, vector<16xf32>, vector<16xi1>) -> (vector<16xi1>, vector<16xf32>, vector<16xf32>)
      %masked_sort3A_687 = arith.constant dense<true> : vector<16xi1>
      %masked_sort3A_688, %masked_sort3A_689, %masked_sort3A_690 = tpu.sort %min3A_572, %min3A_572 masked %masked_sort3A_687 : (vector<16xf32>, vector<16xf32>, vector<16xi1>) -> (vector<16xi1>, vector<16xf32>, vector<16xf32>)
      %masked_sort3A_691 = arith.constant dense<true> : vector<16xi1>
      %masked_sort3A_692, %masked_sort3A_693, %masked_sort3A_694 = tpu.sort %max3A_571, %max3A_571 masked %masked_sort3A_691 : (vector<16xf32>, vector<16xf32>, vector<16xi1>) -> (vector<16xi1>, vector<16xf32>, vector<16xf32>)
      %masked_sort3A_695 = arith.constant dense<true> : vector<16xi1>
      %masked_sort3A_696, %masked_sort3A_697, %masked_sort3A_698 = tpu.sort %min3A_574, %min3A_574 masked %masked_sort3A_695 : (vector<16xf32>, vector<16xf32>, vector<16xi1>) -> (vector<16xi1>, vector<16xf32>, vector<16xf32>)
      %masked_sort3A_699 = arith.constant dense<true> : vector<16xi1>
      %masked_sort3A_700, %masked_sort3A_701, %masked_sort3A_702 = tpu.sort %max3A_573, %max3A_573 masked %masked_sort3A_699 : (vector<16xf32>, vector<16xf32>, vector<16xi1>) -> (vector<16xi1>, vector<16xf32>, vector<16xf32>)
      %max3A_703 = arith.maximumf %masked_sort3A_577, %masked_sort3A_593 : vector<16xf32>
      %min3A_704 = arith.minimumf %masked_sort3A_577, %masked_sort3A_593 : vector<16xf32>
      %max3A_705 = arith.maximumf %masked_sort3A_581, %masked_sort3A_597 : vector<16xf32>
      %min3A_706 = arith.minimumf %masked_sort3A_581, %masked_sort3A_597 : vector<16xf32>
      %max3A_707 = arith.maximumf %masked_sort3A_585, %masked_sort3A_601 : vector<16xf32>
      %min3A_708 = arith.minimumf %masked_sort3A_585, %masked_sort3A_601 : vector<16xf32>
      %max3A_709 = arith.maximumf %masked_sort3A_589, %masked_sort3A_605 : vector<16xf32>
      %min3A_710 = arith.minimumf %masked_sort3A_589, %masked_sort3A_605 : vector<16xf32>
      %max3A_711 = arith.maximumf %masked_sort3A_609, %masked_sort3A_625 : vector<16xf32>
      %min3A_712 = arith.minimumf %masked_sort3A_609, %masked_sort3A_625 : vector<16xf32>
      %max3A_713 = arith.maximumf %masked_sort3A_613, %masked_sort3A_629 : vector<16xf32>
      %min3A_714 = arith.minimumf %masked_sort3A_613, %masked_sort3A_629 : vector<16xf32>
      %max3A_715 = arith.maximumf %masked_sort3A_617, %masked_sort3A_633 : vector<16xf32>
      %min3A_716 = arith.minimumf %masked_sort3A_617, %masked_sort3A_633 : vector<16xf32>
      %max3A_717 = arith.maximumf %masked_sort3A_621, %masked_sort3A_637 : vector<16xf32>
      %min3A_718 = arith.minimumf %masked_sort3A_621, %masked_sort3A_637 : vector<16xf32>
      %max3A_719 = arith.maximumf %masked_sort3A_641, %masked_sort3A_657 : vector<16xf32>
      %min3A_720 = arith.minimumf %masked_sort3A_641, %masked_sort3A_657 : vector<16xf32>
      %max3A_721 = arith.maximumf %masked_sort3A_645, %masked_sort3A_661 : vector<16xf32>
      %min3A_722 = arith.minimumf %masked_sort3A_645, %masked_sort3A_661 : vector<16xf32>
      %max3A_723 = arith.maximumf %masked_sort3A_649, %masked_sort3A_665 : vector<16xf32>
      %min3A_724 = arith.minimumf %masked_sort3A_649, %masked_sort3A_665 : vector<16xf32>
      %max3A_725 = arith.maximumf %masked_sort3A_653, %masked_sort3A_669 : vector<16xf32>
      %min3A_726 = arith.minimumf %masked_sort3A_653, %masked_sort3A_669 : vector<16xf32>
      %max3A_727 = arith.maximumf %masked_sort3A_673, %masked_sort3A_689 : vector<16xf32>
      %min3A_728 = arith.minimumf %masked_sort3A_673, %masked_sort3A_689 : vector<16xf32>
      %max3A_729 = arith.maximumf %masked_sort3A_677, %masked_sort3A_693 : vector<16xf32>
      %min3A_730 = arith.minimumf %masked_sort3A_677, %masked_sort3A_693 : vector<16xf32>
      %max3A_731 = arith.maximumf %masked_sort3A_681, %masked_sort3A_697 : vector<16xf32>
      %min3A_732 = arith.minimumf %masked_sort3A_681, %masked_sort3A_697 : vector<16xf32>
      %max3A_733 = arith.maximumf %masked_sort3A_685, %masked_sort3A_701 : vector<16xf32>
      %min3A_734 = arith.minimumf %masked_sort3A_685, %masked_sort3A_701 : vector<16xf32>
      %max3A_735 = arith.maximumf %max3A_703, %max3A_707 : vector<16xf32>
      %min3A_736 = arith.minimumf %max3A_703, %max3A_707 : vector<16xf32>
      %max3A_737 = arith.maximumf %max3A_705, %max3A_709 : vector<16xf32>
      %min3A_738 = arith.minimumf %max3A_705, %max3A_709 : vector<16xf32>
      %max3A_739 = arith.maximumf %min3A_704, %min3A_708 : vector<16xf32>
      %min3A_740 = arith.minimumf %min3A_704, %min3A_708 : vector<16xf32>
      %max3A_741 = arith.maximumf %min3A_706, %min3A_710 : vector<16xf32>
      %min3A_742 = arith.minimumf %min3A_706, %min3A_710 : vector<16xf32>
      %max3A_743 = arith.maximumf %min3A_712, %min3A_716 : vector<16xf32>
      %min3A_744 = arith.minimumf %min3A_712, %min3A_716 : vector<16xf32>
      %max3A_745 = arith.maximumf %min3A_714, %min3A_718 : vector<16xf32>
      %min3A_746 = arith.minimumf %min3A_714, %min3A_718 : vector<16xf32>
      %max3A_747 = arith.maximumf %max3A_711, %max3A_715 : vector<16xf32>
      %min3A_748 = arith.minimumf %max3A_711, %max3A_715 : vector<16xf32>
      %max3A_749 = arith.maximumf %max3A_713, %max3A_717 : vector<16xf32>
      %min3A_750 = arith.minimumf %max3A_713, %max3A_717 : vector<16xf32>
      %max3A_751 = arith.maximumf %max3A_719, %max3A_723 : vector<16xf32>
      %min3A_752 = arith.minimumf %max3A_719, %max3A_723 : vector<16xf32>
      %max3A_753 = arith.maximumf %max3A_721, %max3A_725 : vector<16xf32>
      %min3A_754 = arith.minimumf %max3A_721, %max3A_725 : vector<16xf32>
      %max3A_755 = arith.maximumf %min3A_720, %min3A_724 : vector<16xf32>
      %min3A_756 = arith.minimumf %min3A_720, %min3A_724 : vector<16xf32>
      %max3A_757 = arith.maximumf %min3A_722, %min3A_726 : vector<16xf32>
      %min3A_758 = arith.minimumf %min3A_722, %min3A_726 : vector<16xf32>
      %max3A_759 = arith.maximumf %min3A_728, %min3A_732 : vector<16xf32>
      %min3A_760 = arith.minimumf %min3A_728, %min3A_732 : vector<16xf32>
      %max3A_761 = arith.maximumf %min3A_730, %min3A_734 : vector<16xf32>
      %min3A_762 = arith.minimumf %min3A_730, %min3A_734 : vector<16xf32>
      %max3A_763 = arith.maximumf %max3A_727, %max3A_731 : vector<16xf32>
      %min3A_764 = arith.minimumf %max3A_727, %max3A_731 : vector<16xf32>
      %max3A_765 = arith.maximumf %max3A_729, %max3A_733 : vector<16xf32>
      %min3A_766 = arith.minimumf %max3A_729, %max3A_733 : vector<16xf32>
      %max3A_767 = arith.maximumf %max3A_735, %max3A_737 : vector<16xf32>
      %min3A_768 = arith.minimumf %max3A_735, %max3A_737 : vector<16xf32>
      %max3A_769 = arith.maximumf %min3A_736, %min3A_738 : vector<16xf32>
      %min3A_770 = arith.minimumf %min3A_736, %min3A_738 : vector<16xf32>
      %max3A_771 = arith.maximumf %max3A_739, %max3A_741 : vector<16xf32>
      %min3A_772 = arith.minimumf %max3A_739, %max3A_741 : vector<16xf32>
      %max3A_773 = arith.maximumf %min3A_740, %min3A_742 : vector<16xf32>
      %min3A_774 = arith.minimumf %min3A_740, %min3A_742 : vector<16xf32>
      %max3A_775 = arith.maximumf %min3A_744, %min3A_746 : vector<16xf32>
      %min3A_776 = arith.minimumf %min3A_744, %min3A_746 : vector<16xf32>
      %max3A_777 = arith.maximumf %max3A_743, %max3A_745 : vector<16xf32>
      %min3A_778 = arith.minimumf %max3A_743, %max3A_745 : vector<16xf32>
      %max3A_779 = arith.maximumf %min3A_748, %min3A_750 : vector<16xf32>
      %min3A_780 = arith.minimumf %min3A_748, %min3A_750 : vector<16xf32>
      %max3A_781 = arith.maximumf %max3A_747, %max3A_749 : vector<16xf32>
      %min3A_782 = arith.minimumf %max3A_747, %max3A_749 : vector<16xf32>
      %max3A_783 = arith.maximumf %max3A_751, %max3A_753 : vector<16xf32>
      %min3A_784 = arith.minimumf %max3A_751, %max3A_753 : vector<16xf32>
      %max3A_785 = arith.maximumf %min3A_752, %min3A_754 : vector<16xf32>
      %min3A_786 = arith.minimumf %min3A_752, %min3A_754 : vector<16xf32>
      %max3A_787 = arith.maximumf %max3A_755, %max3A_757 : vector<16xf32>
      %min3A_788 = arith.minimumf %max3A_755, %max3A_757 : vector<16xf32>
      %max3A_789 = arith.maximumf %min3A_756, %min3A_758 : vector<16xf32>
      %min3A_790 = arith.minimumf %min3A_756, %min3A_758 : vector<16xf32>
      %max3A_791 = arith.maximumf %min3A_760, %min3A_762 : vector<16xf32>
      %min3A_792 = arith.minimumf %min3A_760, %min3A_762 : vector<16xf32>
      %max3A_793 = arith.maximumf %max3A_759, %max3A_761 : vector<16xf32>
      %min3A_794 = arith.minimumf %max3A_759, %max3A_761 : vector<16xf32>
      %max3A_795 = arith.maximumf %min3A_764, %min3A_766 : vector<16xf32>
      %min3A_796 = arith.minimumf %min3A_764, %min3A_766 : vector<16xf32>
      %max3A_797 = arith.maximumf %max3A_763, %max3A_765 : vector<16xf32>
      %min3A_798 = arith.minimumf %max3A_763, %max3A_765 : vector<16xf32>
      %masked_sort3A_799 = arith.constant dense<true> : vector<16xi1>
      %masked_sort3A_800, %masked_sort3A_801, %masked_sort3A_802 = tpu.sort %max3A_767, %max3A_767 masked %masked_sort3A_799 {descending = true} : (vector<16xf32>, vector<16xf32>, vector<16xi1>) -> (vector<16xi1>, vector<16xf32>, vector<16xf32>)
      %masked_sort3A_803 = arith.constant dense<true> : vector<16xi1>
      %masked_sort3A_804, %masked_sort3A_805, %masked_sort3A_806 = tpu.sort %min3A_768, %min3A_768 masked %masked_sort3A_803 {descending = true} : (vector<16xf32>, vector<16xf32>, vector<16xi1>) -> (vector<16xi1>, vector<16xf32>, vector<16xf32>)
      %masked_sort3A_807 = arith.constant dense<true> : vector<16xi1>
      %masked_sort3A_808, %masked_sort3A_809, %masked_sort3A_810 = tpu.sort %max3A_769, %max3A_769 masked %masked_sort3A_807 {descending = true} : (vector<16xf32>, vector<16xf32>, vector<16xi1>) -> (vector<16xi1>, vector<16xf32>, vector<16xf32>)
      %masked_sort3A_811 = arith.constant dense<true> : vector<16xi1>
      %masked_sort3A_812, %masked_sort3A_813, %masked_sort3A_814 = tpu.sort %min3A_770, %min3A_770 masked %masked_sort3A_811 {descending = true} : (vector<16xf32>, vector<16xf32>, vector<16xi1>) -> (vector<16xi1>, vector<16xf32>, vector<16xf32>)
      %masked_sort3A_815 = arith.constant dense<true> : vector<16xi1>
      %masked_sort3A_816, %masked_sort3A_817, %masked_sort3A_818 = tpu.sort %max3A_771, %max3A_771 masked %masked_sort3A_815 {descending = true} : (vector<16xf32>, vector<16xf32>, vector<16xi1>) -> (vector<16xi1>, vector<16xf32>, vector<16xf32>)
      %masked_sort3A_819 = arith.constant dense<true> : vector<16xi1>
      %masked_sort3A_820, %masked_sort3A_821, %masked_sort3A_822 = tpu.sort %min3A_772, %min3A_772 masked %masked_sort3A_819 {descending = true} : (vector<16xf32>, vector<16xf32>, vector<16xi1>) -> (vector<16xi1>, vector<16xf32>, vector<16xf32>)
      %masked_sort3A_823 = arith.constant dense<true> : vector<16xi1>
      %masked_sort3A_824, %masked_sort3A_825, %masked_sort3A_826 = tpu.sort %max3A_773, %max3A_773 masked %masked_sort3A_823 {descending = true} : (vector<16xf32>, vector<16xf32>, vector<16xi1>) -> (vector<16xi1>, vector<16xf32>, vector<16xf32>)
      %masked_sort3A_827 = arith.constant dense<true> : vector<16xi1>
      %masked_sort3A_828, %masked_sort3A_829, %masked_sort3A_830 = tpu.sort %min3A_774, %min3A_774 masked %masked_sort3A_827 {descending = true} : (vector<16xf32>, vector<16xf32>, vector<16xi1>) -> (vector<16xi1>, vector<16xf32>, vector<16xf32>)
      %masked_sort3A_831 = arith.constant dense<true> : vector<16xi1>
      %masked_sort3A_832, %masked_sort3A_833, %masked_sort3A_834 = tpu.sort %min3A_776, %min3A_776 masked %masked_sort3A_831 : (vector<16xf32>, vector<16xf32>, vector<16xi1>) -> (vector<16xi1>, vector<16xf32>, vector<16xf32>)
      %masked_sort3A_835 = arith.constant dense<true> : vector<16xi1>
      %masked_sort3A_836, %masked_sort3A_837, %masked_sort3A_838 = tpu.sort %max3A_775, %max3A_775 masked %masked_sort3A_835 : (vector<16xf32>, vector<16xf32>, vector<16xi1>) -> (vector<16xi1>, vector<16xf32>, vector<16xf32>)
      %masked_sort3A_839 = arith.constant dense<true> : vector<16xi1>
      %masked_sort3A_840, %masked_sort3A_841, %masked_sort3A_842 = tpu.sort %min3A_778, %min3A_778 masked %masked_sort3A_839 : (vector<16xf32>, vector<16xf32>, vector<16xi1>) -> (vector<16xi1>, vector<16xf32>, vector<16xf32>)
      %masked_sort3A_843 = arith.constant dense<true> : vector<16xi1>
      %masked_sort3A_844, %masked_sort3A_845, %masked_sort3A_846 = tpu.sort %max3A_777, %max3A_777 masked %masked_sort3A_843 : (vector<16xf32>, vector<16xf32>, vector<16xi1>) -> (vector<16xi1>, vector<16xf32>, vector<16xf32>)
      %masked_sort3A_847 = arith.constant dense<true> : vector<16xi1>
      %masked_sort3A_848, %masked_sort3A_849, %masked_sort3A_850 = tpu.sort %min3A_780, %min3A_780 masked %masked_sort3A_847 : (vector<16xf32>, vector<16xf32>, vector<16xi1>) -> (vector<16xi1>, vector<16xf32>, vector<16xf32>)
      %masked_sort3A_851 = arith.constant dense<true> : vector<16xi1>
      %masked_sort3A_852, %masked_sort3A_853, %masked_sort3A_854 = tpu.sort %max3A_779, %max3A_779 masked %masked_sort3A_851 : (vector<16xf32>, vector<16xf32>, vector<16xi1>) -> (vector<16xi1>, vector<16xf32>, vector<16xf32>)
      %masked_sort3A_855 = arith.constant dense<true> : vector<16xi1>
      %masked_sort3A_856, %masked_sort3A_857, %masked_sort3A_858 = tpu.sort %min3A_782, %min3A_782 masked %masked_sort3A_855 : (vector<16xf32>, vector<16xf32>, vector<16xi1>) -> (vector<16xi1>, vector<16xf32>, vector<16xf32>)
      %masked_sort3A_859 = arith.constant dense<true> : vector<16xi1>
      %masked_sort3A_860, %masked_sort3A_861, %masked_sort3A_862 = tpu.sort %max3A_781, %max3A_781 masked %masked_sort3A_859 : (vector<16xf32>, vector<16xf32>, vector<16xi1>) -> (vector<16xi1>, vector<16xf32>, vector<16xf32>)
      %masked_sort3A_863 = arith.constant dense<true> : vector<16xi1>
      %masked_sort3A_864, %masked_sort3A_865, %masked_sort3A_866 = tpu.sort %max3A_783, %max3A_783 masked %masked_sort3A_863 {descending = true} : (vector<16xf32>, vector<16xf32>, vector<16xi1>) -> (vector<16xi1>, vector<16xf32>, vector<16xf32>)
      %masked_sort3A_867 = arith.constant dense<true> : vector<16xi1>
      %masked_sort3A_868, %masked_sort3A_869, %masked_sort3A_870 = tpu.sort %min3A_784, %min3A_784 masked %masked_sort3A_867 {descending = true} : (vector<16xf32>, vector<16xf32>, vector<16xi1>) -> (vector<16xi1>, vector<16xf32>, vector<16xf32>)
      %masked_sort3A_871 = arith.constant dense<true> : vector<16xi1>
      %masked_sort3A_872, %masked_sort3A_873, %masked_sort3A_874 = tpu.sort %max3A_785, %max3A_785 masked %masked_sort3A_871 {descending = true} : (vector<16xf32>, vector<16xf32>, vector<16xi1>) -> (vector<16xi1>, vector<16xf32>, vector<16xf32>)
      %masked_sort3A_875 = arith.constant dense<true> : vector<16xi1>
      %masked_sort3A_876, %masked_sort3A_877, %masked_sort3A_878 = tpu.sort %min3A_786, %min3A_786 masked %masked_sort3A_875 {descending = true} : (vector<16xf32>, vector<16xf32>, vector<16xi1>) -> (vector<16xi1>, vector<16xf32>, vector<16xf32>)
      %masked_sort3A_879 = arith.constant dense<true> : vector<16xi1>
      %masked_sort3A_880, %masked_sort3A_881, %masked_sort3A_882 = tpu.sort %max3A_787, %max3A_787 masked %masked_sort3A_879 {descending = true} : (vector<16xf32>, vector<16xf32>, vector<16xi1>) -> (vector<16xi1>, vector<16xf32>, vector<16xf32>)
      %masked_sort3A_883 = arith.constant dense<true> : vector<16xi1>
      %masked_sort3A_884, %masked_sort3A_885, %masked_sort3A_886 = tpu.sort %min3A_788, %min3A_788 masked %masked_sort3A_883 {descending = true} : (vector<16xf32>, vector<16xf32>, vector<16xi1>) -> (vector<16xi1>, vector<16xf32>, vector<16xf32>)
      %masked_sort3A_887 = arith.constant dense<true> : vector<16xi1>
      %masked_sort3A_888, %masked_sort3A_889, %masked_sort3A_890 = tpu.sort %max3A_789, %max3A_789 masked %masked_sort3A_887 {descending = true} : (vector<16xf32>, vector<16xf32>, vector<16xi1>) -> (vector<16xi1>, vector<16xf32>, vector<16xf32>)
      %masked_sort3A_891 = arith.constant dense<true> : vector<16xi1>
      %masked_sort3A_892, %masked_sort3A_893, %masked_sort3A_894 = tpu.sort %min3A_790, %min3A_790 masked %masked_sort3A_891 {descending = true} : (vector<16xf32>, vector<16xf32>, vector<16xi1>) -> (vector<16xi1>, vector<16xf32>, vector<16xf32>)
      %masked_sort3A_895 = arith.constant dense<true> : vector<16xi1>
      %masked_sort3A_896, %masked_sort3A_897, %masked_sort3A_898 = tpu.sort %min3A_792, %min3A_792 masked %masked_sort3A_895 : (vector<16xf32>, vector<16xf32>, vector<16xi1>) -> (vector<16xi1>, vector<16xf32>, vector<16xf32>)
      %masked_sort3A_899 = arith.constant dense<true> : vector<16xi1>
      %masked_sort3A_900, %masked_sort3A_901, %masked_sort3A_902 = tpu.sort %max3A_791, %max3A_791 masked %masked_sort3A_899 : (vector<16xf32>, vector<16xf32>, vector<16xi1>) -> (vector<16xi1>, vector<16xf32>, vector<16xf32>)
      %masked_sort3A_903 = arith.constant dense<true> : vector<16xi1>
      %masked_sort3A_904, %masked_sort3A_905, %masked_sort3A_906 = tpu.sort %min3A_794, %min3A_794 masked %masked_sort3A_903 : (vector<16xf32>, vector<16xf32>, vector<16xi1>) -> (vector<16xi1>, vector<16xf32>, vector<16xf32>)
      %masked_sort3A_907 = arith.constant dense<true> : vector<16xi1>
      %masked_sort3A_908, %masked_sort3A_909, %masked_sort3A_910 = tpu.sort %max3A_793, %max3A_793 masked %masked_sort3A_907 : (vector<16xf32>, vector<16xf32>, vector<16xi1>) -> (vector<16xi1>, vector<16xf32>, vector<16xf32>)
      %masked_sort3A_911 = arith.constant dense<true> : vector<16xi1>
      %masked_sort3A_912, %masked_sort3A_913, %masked_sort3A_914 = tpu.sort %min3A_796, %min3A_796 masked %masked_sort3A_911 : (vector<16xf32>, vector<16xf32>, vector<16xi1>) -> (vector<16xi1>, vector<16xf32>, vector<16xf32>)
      %masked_sort3A_915 = arith.constant dense<true> : vector<16xi1>
      %masked_sort3A_916, %masked_sort3A_917, %masked_sort3A_918 = tpu.sort %max3A_795, %max3A_795 masked %masked_sort3A_915 : (vector<16xf32>, vector<16xf32>, vector<16xi1>) -> (vector<16xi1>, vector<16xf32>, vector<16xf32>)
      %masked_sort3A_919 = arith.constant dense<true> : vector<16xi1>
      %masked_sort3A_920, %masked_sort3A_921, %masked_sort3A_922 = tpu.sort %min3A_798, %min3A_798 masked %masked_sort3A_919 : (vector<16xf32>, vector<16xf32>, vector<16xi1>) -> (vector<16xi1>, vector<16xf32>, vector<16xf32>)
      %masked_sort3A_923 = arith.constant dense<true> : vector<16xi1>
      %masked_sort3A_924, %masked_sort3A_925, %masked_sort3A_926 = tpu.sort %max3A_797, %max3A_797 masked %masked_sort3A_923 : (vector<16xf32>, vector<16xf32>, vector<16xi1>) -> (vector<16xi1>, vector<16xf32>, vector<16xf32>)
      %max3A_927 = arith.maximumf %masked_sort3A_801, %masked_sort3A_833 : vector<16xf32>
      %min3A_928 = arith.minimumf %masked_sort3A_801, %masked_sort3A_833 : vector<16xf32>
      %max3A_929 = arith.maximumf %masked_sort3A_805, %masked_sort3A_837 : vector<16xf32>
      %min3A_930 = arith.minimumf %masked_sort3A_805, %masked_sort3A_837 : vector<16xf32>
      %max3A_931 = arith.maximumf %masked_sort3A_809, %masked_sort3A_841 : vector<16xf32>
      %min3A_932 = arith.minimumf %masked_sort3A_809, %masked_sort3A_841 : vector<16xf32>
      %max3A_933 = arith.maximumf %masked_sort3A_813, %masked_sort3A_845 : vector<16xf32>
      %min3A_934 = arith.minimumf %masked_sort3A_813, %masked_sort3A_845 : vector<16xf32>
      %max3A_935 = arith.maximumf %masked_sort3A_817, %masked_sort3A_849 : vector<16xf32>
      %min3A_936 = arith.minimumf %masked_sort3A_817, %masked_sort3A_849 : vector<16xf32>
      %max3A_937 = arith.maximumf %masked_sort3A_821, %masked_sort3A_853 : vector<16xf32>
      %min3A_938 = arith.minimumf %masked_sort3A_821, %masked_sort3A_853 : vector<16xf32>
      %max3A_939 = arith.maximumf %masked_sort3A_825, %masked_sort3A_857 : vector<16xf32>
      %min3A_940 = arith.minimumf %masked_sort3A_825, %masked_sort3A_857 : vector<16xf32>
      %max3A_941 = arith.maximumf %masked_sort3A_829, %masked_sort3A_861 : vector<16xf32>
      %min3A_942 = arith.minimumf %masked_sort3A_829, %masked_sort3A_861 : vector<16xf32>
      %max3A_943 = arith.maximumf %masked_sort3A_865, %masked_sort3A_897 : vector<16xf32>
      %min3A_944 = arith.minimumf %masked_sort3A_865, %masked_sort3A_897 : vector<16xf32>
      %max3A_945 = arith.maximumf %masked_sort3A_869, %masked_sort3A_901 : vector<16xf32>
      %min3A_946 = arith.minimumf %masked_sort3A_869, %masked_sort3A_901 : vector<16xf32>
      %max3A_947 = arith.maximumf %masked_sort3A_873, %masked_sort3A_905 : vector<16xf32>
      %min3A_948 = arith.minimumf %masked_sort3A_873, %masked_sort3A_905 : vector<16xf32>
      %max3A_949 = arith.maximumf %masked_sort3A_877, %masked_sort3A_909 : vector<16xf32>
      %min3A_950 = arith.minimumf %masked_sort3A_877, %masked_sort3A_909 : vector<16xf32>
      %max3A_951 = arith.maximumf %masked_sort3A_881, %masked_sort3A_913 : vector<16xf32>
      %min3A_952 = arith.minimumf %masked_sort3A_881, %masked_sort3A_913 : vector<16xf32>
      %max3A_953 = arith.maximumf %masked_sort3A_885, %masked_sort3A_917 : vector<16xf32>
      %min3A_954 = arith.minimumf %masked_sort3A_885, %masked_sort3A_917 : vector<16xf32>
      %max3A_955 = arith.maximumf %masked_sort3A_889, %masked_sort3A_921 : vector<16xf32>
      %min3A_956 = arith.minimumf %masked_sort3A_889, %masked_sort3A_921 : vector<16xf32>
      %max3A_957 = arith.maximumf %masked_sort3A_893, %masked_sort3A_925 : vector<16xf32>
      %min3A_958 = arith.minimumf %masked_sort3A_893, %masked_sort3A_925 : vector<16xf32>
      %max3A_959 = arith.maximumf %max3A_927, %max3A_935 : vector<16xf32>
      %min3A_960 = arith.minimumf %max3A_927, %max3A_935 : vector<16xf32>
      %max3A_961 = arith.maximumf %max3A_929, %max3A_937 : vector<16xf32>
      %min3A_962 = arith.minimumf %max3A_929, %max3A_937 : vector<16xf32>
      %max3A_963 = arith.maximumf %max3A_931, %max3A_939 : vector<16xf32>
      %min3A_964 = arith.minimumf %max3A_931, %max3A_939 : vector<16xf32>
      %max3A_965 = arith.maximumf %max3A_933, %max3A_941 : vector<16xf32>
      %min3A_966 = arith.minimumf %max3A_933, %max3A_941 : vector<16xf32>
      %max3A_967 = arith.maximumf %min3A_928, %min3A_936 : vector<16xf32>
      %min3A_968 = arith.minimumf %min3A_928, %min3A_936 : vector<16xf32>
      %max3A_969 = arith.maximumf %min3A_930, %min3A_938 : vector<16xf32>
      %min3A_970 = arith.minimumf %min3A_930, %min3A_938 : vector<16xf32>
      %max3A_971 = arith.maximumf %min3A_932, %min3A_940 : vector<16xf32>
      %min3A_972 = arith.minimumf %min3A_932, %min3A_940 : vector<16xf32>
      %max3A_973 = arith.maximumf %min3A_934, %min3A_942 : vector<16xf32>
      %min3A_974 = arith.minimumf %min3A_934, %min3A_942 : vector<16xf32>
      %max3A_975 = arith.maximumf %min3A_944, %min3A_952 : vector<16xf32>
      %min3A_976 = arith.minimumf %min3A_944, %min3A_952 : vector<16xf32>
      %max3A_977 = arith.maximumf %min3A_946, %min3A_954 : vector<16xf32>
      %min3A_978 = arith.minimumf %min3A_946, %min3A_954 : vector<16xf32>
      %max3A_979 = arith.maximumf %min3A_948, %min3A_956 : vector<16xf32>
      %min3A_980 = arith.minimumf %min3A_948, %min3A_956 : vector<16xf32>
      %max3A_981 = arith.maximumf %min3A_950, %min3A_958 : vector<16xf32>
      %min3A_982 = arith.minimumf %min3A_950, %min3A_958 : vector<16xf32>
      %max3A_983 = arith.maximumf %max3A_943, %max3A_951 : vector<16xf32>
      %min3A_984 = arith.minimumf %max3A_943, %max3A_951 : vector<16xf32>
      %max3A_985 = arith.maximumf %max3A_945, %max3A_953 : vector<16xf32>
      %min3A_986 = arith.minimumf %max3A_945, %max3A_953 : vector<16xf32>
      %max3A_987 = arith.maximumf %max3A_947, %max3A_955 : vector<16xf32>
      %min3A_988 = arith.minimumf %max3A_947, %max3A_955 : vector<16xf32>
      %max3A_989 = arith.maximumf %max3A_949, %max3A_957 : vector<16xf32>
      %min3A_990 = arith.minimumf %max3A_949, %max3A_957 : vector<16xf32>
      %max3A_991 = arith.maximumf %max3A_959, %max3A_963 : vector<16xf32>
      %min3A_992 = arith.minimumf %max3A_959, %max3A_963 : vector<16xf32>
      %max3A_993 = arith.maximumf %max3A_961, %max3A_965 : vector<16xf32>
      %min3A_994 = arith.minimumf %max3A_961, %max3A_965 : vector<16xf32>
      %max3A_995 = arith.maximumf %min3A_960, %min3A_964 : vector<16xf32>
      %min3A_996 = arith.minimumf %min3A_960, %min3A_964 : vector<16xf32>
      %max3A_997 = arith.maximumf %min3A_962, %min3A_966 : vector<16xf32>
      %min3A_998 = arith.minimumf %min3A_962, %min3A_966 : vector<16xf32>
      %max3A_999 = arith.maximumf %max3A_967, %max3A_971 : vector<16xf32>
      %min3A_1000 = arith.minimumf %max3A_967, %max3A_971 : vector<16xf32>
      %max3A_1001 = arith.maximumf %max3A_969, %max3A_973 : vector<16xf32>
      %min3A_1002 = arith.minimumf %max3A_969, %max3A_973 : vector<16xf32>
      %max3A_1003 = arith.maximumf %min3A_968, %min3A_972 : vector<16xf32>
      %min3A_1004 = arith.minimumf %min3A_968, %min3A_972 : vector<16xf32>
      %max3A_1005 = arith.maximumf %min3A_970, %min3A_974 : vector<16xf32>
      %min3A_1006 = arith.minimumf %min3A_970, %min3A_974 : vector<16xf32>
      %max3A_1007 = arith.maximumf %min3A_976, %min3A_980 : vector<16xf32>
      %min3A_1008 = arith.minimumf %min3A_976, %min3A_980 : vector<16xf32>
      %max3A_1009 = arith.maximumf %min3A_978, %min3A_982 : vector<16xf32>
      %min3A_1010 = arith.minimumf %min3A_978, %min3A_982 : vector<16xf32>
      %max3A_1011 = arith.maximumf %max3A_975, %max3A_979 : vector<16xf32>
      %min3A_1012 = arith.minimumf %max3A_975, %max3A_979 : vector<16xf32>
      %max3A_1013 = arith.maximumf %max3A_977, %max3A_981 : vector<16xf32>
      %min3A_1014 = arith.minimumf %max3A_977, %max3A_981 : vector<16xf32>
      %max3A_1015 = arith.maximumf %min3A_984, %min3A_988 : vector<16xf32>
      %min3A_1016 = arith.minimumf %min3A_984, %min3A_988 : vector<16xf32>
      %max3A_1017 = arith.maximumf %min3A_986, %min3A_990 : vector<16xf32>
      %min3A_1018 = arith.minimumf %min3A_986, %min3A_990 : vector<16xf32>
      %max3A_1019 = arith.maximumf %max3A_983, %max3A_987 : vector<16xf32>
      %min3A_1020 = arith.minimumf %max3A_983, %max3A_987 : vector<16xf32>
      %max3A_1021 = arith.maximumf %max3A_985, %max3A_989 : vector<16xf32>
      %min3A_1022 = arith.minimumf %max3A_985, %max3A_989 : vector<16xf32>
      %max3A_1023 = arith.maximumf %max3A_991, %max3A_993 : vector<16xf32>
      %min3A_1024 = arith.minimumf %max3A_991, %max3A_993 : vector<16xf32>
      %max3A_1025 = arith.maximumf %min3A_992, %min3A_994 : vector<16xf32>
      %min3A_1026 = arith.minimumf %min3A_992, %min3A_994 : vector<16xf32>
      %max3A_1027 = arith.maximumf %max3A_995, %max3A_997 : vector<16xf32>
      %min3A_1028 = arith.minimumf %max3A_995, %max3A_997 : vector<16xf32>
      %max3A_1029 = arith.maximumf %min3A_996, %min3A_998 : vector<16xf32>
      %min3A_1030 = arith.minimumf %min3A_996, %min3A_998 : vector<16xf32>
      %max3A_1031 = arith.maximumf %max3A_999, %max3A_1001 : vector<16xf32>
      %min3A_1032 = arith.minimumf %max3A_999, %max3A_1001 : vector<16xf32>
      %max3A_1033 = arith.maximumf %min3A_1000, %min3A_1002 : vector<16xf32>
      %min3A_1034 = arith.minimumf %min3A_1000, %min3A_1002 : vector<16xf32>
      %max3A_1035 = arith.maximumf %max3A_1003, %max3A_1005 : vector<16xf32>
      %min3A_1036 = arith.minimumf %max3A_1003, %max3A_1005 : vector<16xf32>
      %max3A_1037 = arith.maximumf %min3A_1004, %min3A_1006 : vector<16xf32>
      %min3A_1038 = arith.minimumf %min3A_1004, %min3A_1006 : vector<16xf32>
      %max3A_1039 = arith.maximumf %min3A_1008, %min3A_1010 : vector<16xf32>
      %min3A_1040 = arith.minimumf %min3A_1008, %min3A_1010 : vector<16xf32>
      %max3A_1041 = arith.maximumf %max3A_1007, %max3A_1009 : vector<16xf32>
      %min3A_1042 = arith.minimumf %max3A_1007, %max3A_1009 : vector<16xf32>
      %max3A_1043 = arith.maximumf %min3A_1012, %min3A_1014 : vector<16xf32>
      %min3A_1044 = arith.minimumf %min3A_1012, %min3A_1014 : vector<16xf32>
      %max3A_1045 = arith.maximumf %max3A_1011, %max3A_1013 : vector<16xf32>
      %min3A_1046 = arith.minimumf %max3A_1011, %max3A_1013 : vector<16xf32>
      %max3A_1047 = arith.maximumf %min3A_1016, %min3A_1018 : vector<16xf32>
      %min3A_1048 = arith.minimumf %min3A_1016, %min3A_1018 : vector<16xf32>
      %max3A_1049 = arith.maximumf %max3A_1015, %max3A_1017 : vector<16xf32>
      %min3A_1050 = arith.minimumf %max3A_1015, %max3A_1017 : vector<16xf32>
      %max3A_1051 = arith.maximumf %min3A_1020, %min3A_1022 : vector<16xf32>
      %min3A_1052 = arith.minimumf %min3A_1020, %min3A_1022 : vector<16xf32>
      %max3A_1053 = arith.maximumf %max3A_1019, %max3A_1021 : vector<16xf32>
      %min3A_1054 = arith.minimumf %max3A_1019, %max3A_1021 : vector<16xf32>
      %masked_sort3A_1055 = arith.constant dense<true> : vector<16xi1>
      %masked_sort3A_1056, %masked_sort3A_1057, %masked_sort3A_1058 = tpu.sort %max3A_1023, %max3A_1023 masked %masked_sort3A_1055 {descending = true} : (vector<16xf32>, vector<16xf32>, vector<16xi1>) -> (vector<16xi1>, vector<16xf32>, vector<16xf32>)
      %masked_sort3A_1059 = arith.constant dense<true> : vector<16xi1>
      %masked_sort3A_1060, %masked_sort3A_1061, %masked_sort3A_1062 = tpu.sort %min3A_1024, %min3A_1024 masked %masked_sort3A_1059 {descending = true} : (vector<16xf32>, vector<16xf32>, vector<16xi1>) -> (vector<16xi1>, vector<16xf32>, vector<16xf32>)
      %masked_sort3A_1063 = arith.constant dense<true> : vector<16xi1>
      %masked_sort3A_1064, %masked_sort3A_1065, %masked_sort3A_1066 = tpu.sort %max3A_1025, %max3A_1025 masked %masked_sort3A_1063 {descending = true} : (vector<16xf32>, vector<16xf32>, vector<16xi1>) -> (vector<16xi1>, vector<16xf32>, vector<16xf32>)
      %masked_sort3A_1067 = arith.constant dense<true> : vector<16xi1>
      %masked_sort3A_1068, %masked_sort3A_1069, %masked_sort3A_1070 = tpu.sort %min3A_1026, %min3A_1026 masked %masked_sort3A_1067 {descending = true} : (vector<16xf32>, vector<16xf32>, vector<16xi1>) -> (vector<16xi1>, vector<16xf32>, vector<16xf32>)
      %masked_sort3A_1071 = arith.constant dense<true> : vector<16xi1>
      %masked_sort3A_1072, %masked_sort3A_1073, %masked_sort3A_1074 = tpu.sort %max3A_1027, %max3A_1027 masked %masked_sort3A_1071 {descending = true} : (vector<16xf32>, vector<16xf32>, vector<16xi1>) -> (vector<16xi1>, vector<16xf32>, vector<16xf32>)
      %masked_sort3A_1075 = arith.constant dense<true> : vector<16xi1>
      %masked_sort3A_1076, %masked_sort3A_1077, %masked_sort3A_1078 = tpu.sort %min3A_1028, %min3A_1028 masked %masked_sort3A_1075 {descending = true} : (vector<16xf32>, vector<16xf32>, vector<16xi1>) -> (vector<16xi1>, vector<16xf32>, vector<16xf32>)
      %masked_sort3A_1079 = arith.constant dense<true> : vector<16xi1>
      %masked_sort3A_1080, %masked_sort3A_1081, %masked_sort3A_1082 = tpu.sort %max3A_1029, %max3A_1029 masked %masked_sort3A_1079 {descending = true} : (vector<16xf32>, vector<16xf32>, vector<16xi1>) -> (vector<16xi1>, vector<16xf32>, vector<16xf32>)
      %masked_sort3A_1083 = arith.constant dense<true> : vector<16xi1>
      %masked_sort3A_1084, %masked_sort3A_1085, %masked_sort3A_1086 = tpu.sort %min3A_1030, %min3A_1030 masked %masked_sort3A_1083 {descending = true} : (vector<16xf32>, vector<16xf32>, vector<16xi1>) -> (vector<16xi1>, vector<16xf32>, vector<16xf32>)
      %masked_sort3A_1087 = arith.constant dense<true> : vector<16xi1>
      %masked_sort3A_1088, %masked_sort3A_1089, %masked_sort3A_1090 = tpu.sort %max3A_1031, %max3A_1031 masked %masked_sort3A_1087 {descending = true} : (vector<16xf32>, vector<16xf32>, vector<16xi1>) -> (vector<16xi1>, vector<16xf32>, vector<16xf32>)
      %masked_sort3A_1091 = arith.constant dense<true> : vector<16xi1>
      %masked_sort3A_1092, %masked_sort3A_1093, %masked_sort3A_1094 = tpu.sort %min3A_1032, %min3A_1032 masked %masked_sort3A_1091 {descending = true} : (vector<16xf32>, vector<16xf32>, vector<16xi1>) -> (vector<16xi1>, vector<16xf32>, vector<16xf32>)
      %masked_sort3A_1095 = arith.constant dense<true> : vector<16xi1>
      %masked_sort3A_1096, %masked_sort3A_1097, %masked_sort3A_1098 = tpu.sort %max3A_1033, %max3A_1033 masked %masked_sort3A_1095 {descending = true} : (vector<16xf32>, vector<16xf32>, vector<16xi1>) -> (vector<16xi1>, vector<16xf32>, vector<16xf32>)
      %masked_sort3A_1099 = arith.constant dense<true> : vector<16xi1>
      %masked_sort3A_1100, %masked_sort3A_1101, %masked_sort3A_1102 = tpu.sort %min3A_1034, %min3A_1034 masked %masked_sort3A_1099 {descending = true} : (vector<16xf32>, vector<16xf32>, vector<16xi1>) -> (vector<16xi1>, vector<16xf32>, vector<16xf32>)
      %masked_sort3A_1103 = arith.constant dense<true> : vector<16xi1>
      %masked_sort3A_1104, %masked_sort3A_1105, %masked_sort3A_1106 = tpu.sort %max3A_1035, %max3A_1035 masked %masked_sort3A_1103 {descending = true} : (vector<16xf32>, vector<16xf32>, vector<16xi1>) -> (vector<16xi1>, vector<16xf32>, vector<16xf32>)
      %masked_sort3A_1107 = arith.constant dense<true> : vector<16xi1>
      %masked_sort3A_1108, %masked_sort3A_1109, %masked_sort3A_1110 = tpu.sort %min3A_1036, %min3A_1036 masked %masked_sort3A_1107 {descending = true} : (vector<16xf32>, vector<16xf32>, vector<16xi1>) -> (vector<16xi1>, vector<16xf32>, vector<16xf32>)
      %masked_sort3A_1111 = arith.constant dense<true> : vector<16xi1>
      %masked_sort3A_1112, %masked_sort3A_1113, %masked_sort3A_1114 = tpu.sort %max3A_1037, %max3A_1037 masked %masked_sort3A_1111 {descending = true} : (vector<16xf32>, vector<16xf32>, vector<16xi1>) -> (vector<16xi1>, vector<16xf32>, vector<16xf32>)
      %masked_sort3A_1115 = arith.constant dense<true> : vector<16xi1>
      %masked_sort3A_1116, %masked_sort3A_1117, %masked_sort3A_1118 = tpu.sort %min3A_1038, %min3A_1038 masked %masked_sort3A_1115 {descending = true} : (vector<16xf32>, vector<16xf32>, vector<16xi1>) -> (vector<16xi1>, vector<16xf32>, vector<16xf32>)
      %masked_sort3A_1119 = arith.constant dense<true> : vector<16xi1>
      %masked_sort3A_1120, %masked_sort3A_1121, %masked_sort3A_1122 = tpu.sort %min3A_1040, %min3A_1040 masked %masked_sort3A_1119 : (vector<16xf32>, vector<16xf32>, vector<16xi1>) -> (vector<16xi1>, vector<16xf32>, vector<16xf32>)
      %masked_sort3A_1123 = arith.constant dense<true> : vector<16xi1>
      %masked_sort3A_1124, %masked_sort3A_1125, %masked_sort3A_1126 = tpu.sort %max3A_1039, %max3A_1039 masked %masked_sort3A_1123 : (vector<16xf32>, vector<16xf32>, vector<16xi1>) -> (vector<16xi1>, vector<16xf32>, vector<16xf32>)
      %masked_sort3A_1127 = arith.constant dense<true> : vector<16xi1>
      %masked_sort3A_1128, %masked_sort3A_1129, %masked_sort3A_1130 = tpu.sort %min3A_1042, %min3A_1042 masked %masked_sort3A_1127 : (vector<16xf32>, vector<16xf32>, vector<16xi1>) -> (vector<16xi1>, vector<16xf32>, vector<16xf32>)
      %masked_sort3A_1131 = arith.constant dense<true> : vector<16xi1>
      %masked_sort3A_1132, %masked_sort3A_1133, %masked_sort3A_1134 = tpu.sort %max3A_1041, %max3A_1041 masked %masked_sort3A_1131 : (vector<16xf32>, vector<16xf32>, vector<16xi1>) -> (vector<16xi1>, vector<16xf32>, vector<16xf32>)
      %masked_sort3A_1135 = arith.constant dense<true> : vector<16xi1>
      %masked_sort3A_1136, %masked_sort3A_1137, %masked_sort3A_1138 = tpu.sort %min3A_1044, %min3A_1044 masked %masked_sort3A_1135 : (vector<16xf32>, vector<16xf32>, vector<16xi1>) -> (vector<16xi1>, vector<16xf32>, vector<16xf32>)
      %masked_sort3A_1139 = arith.constant dense<true> : vector<16xi1>
      %masked_sort3A_1140, %masked_sort3A_1141, %masked_sort3A_1142 = tpu.sort %max3A_1043, %max3A_1043 masked %masked_sort3A_1139 : (vector<16xf32>, vector<16xf32>, vector<16xi1>) -> (vector<16xi1>, vector<16xf32>, vector<16xf32>)
      %masked_sort3A_1143 = arith.constant dense<true> : vector<16xi1>
      %masked_sort3A_1144, %masked_sort3A_1145, %masked_sort3A_1146 = tpu.sort %min3A_1046, %min3A_1046 masked %masked_sort3A_1143 : (vector<16xf32>, vector<16xf32>, vector<16xi1>) -> (vector<16xi1>, vector<16xf32>, vector<16xf32>)
      %masked_sort3A_1147 = arith.constant dense<true> : vector<16xi1>
      %masked_sort3A_1148, %masked_sort3A_1149, %masked_sort3A_1150 = tpu.sort %max3A_1045, %max3A_1045 masked %masked_sort3A_1147 : (vector<16xf32>, vector<16xf32>, vector<16xi1>) -> (vector<16xi1>, vector<16xf32>, vector<16xf32>)
      %masked_sort3A_1151 = arith.constant dense<true> : vector<16xi1>
      %masked_sort3A_1152, %masked_sort3A_1153, %masked_sort3A_1154 = tpu.sort %min3A_1048, %min3A_1048 masked %masked_sort3A_1151 : (vector<16xf32>, vector<16xf32>, vector<16xi1>) -> (vector<16xi1>, vector<16xf32>, vector<16xf32>)
      %masked_sort3A_1155 = arith.constant dense<true> : vector<16xi1>
      %masked_sort3A_1156, %masked_sort3A_1157, %masked_sort3A_1158 = tpu.sort %max3A_1047, %max3A_1047 masked %masked_sort3A_1155 : (vector<16xf32>, vector<16xf32>, vector<16xi1>) -> (vector<16xi1>, vector<16xf32>, vector<16xf32>)
      %masked_sort3A_1159 = arith.constant dense<true> : vector<16xi1>
      %masked_sort3A_1160, %masked_sort3A_1161, %masked_sort3A_1162 = tpu.sort %min3A_1050, %min3A_1050 masked %masked_sort3A_1159 : (vector<16xf32>, vector<16xf32>, vector<16xi1>) -> (vector<16xi1>, vector<16xf32>, vector<16xf32>)
      %masked_sort3A_1163 = arith.constant dense<true> : vector<16xi1>
      %masked_sort3A_1164, %masked_sort3A_1165, %masked_sort3A_1166 = tpu.sort %max3A_1049, %max3A_1049 masked %masked_sort3A_1163 : (vector<16xf32>, vector<16xf32>, vector<16xi1>) -> (vector<16xi1>, vector<16xf32>, vector<16xf32>)
      %masked_sort3A_1167 = arith.constant dense<true> : vector<16xi1>
      %masked_sort3A_1168, %masked_sort3A_1169, %masked_sort3A_1170 = tpu.sort %min3A_1052, %min3A_1052 masked %masked_sort3A_1167 : (vector<16xf32>, vector<16xf32>, vector<16xi1>) -> (vector<16xi1>, vector<16xf32>, vector<16xf32>)
      %masked_sort3A_1171 = arith.constant dense<true> : vector<16xi1>
      %masked_sort3A_1172, %masked_sort3A_1173, %masked_sort3A_1174 = tpu.sort %max3A_1051, %max3A_1051 masked %masked_sort3A_1171 : (vector<16xf32>, vector<16xf32>, vector<16xi1>) -> (vector<16xi1>, vector<16xf32>, vector<16xf32>)
      %masked_sort3A_1175 = arith.constant dense<true> : vector<16xi1>
      %masked_sort3A_1176, %masked_sort3A_1177, %masked_sort3A_1178 = tpu.sort %min3A_1054, %min3A_1054 masked %masked_sort3A_1175 : (vector<16xf32>, vector<16xf32>, vector<16xi1>) -> (vector<16xi1>, vector<16xf32>, vector<16xf32>)
      %masked_sort3A_1179 = arith.constant dense<true> : vector<16xi1>
      %masked_sort3A_1180, %masked_sort3A_1181, %masked_sort3A_1182 = tpu.sort %max3A_1053, %max3A_1053 masked %masked_sort3A_1179 : (vector<16xf32>, vector<16xf32>, vector<16xi1>) -> (vector<16xi1>, vector<16xf32>, vector<16xf32>)
      %max3A_1183 = arith.maximumf %masked_sort3A_1057, %masked_sort3A_1121 : vector<16xf32>
      %min3A_1184 = arith.minimumf %masked_sort3A_1057, %masked_sort3A_1121 : vector<16xf32>
      %max3A_1185 = arith.maximumf %masked_sort3A_1061, %masked_sort3A_1125 : vector<16xf32>
      %min3A_1186 = arith.minimumf %masked_sort3A_1061, %masked_sort3A_1125 : vector<16xf32>
      %max3A_1187 = arith.maximumf %masked_sort3A_1065, %masked_sort3A_1129 : vector<16xf32>
      %min3A_1188 = arith.minimumf %masked_sort3A_1065, %masked_sort3A_1129 : vector<16xf32>
      %max3A_1189 = arith.maximumf %masked_sort3A_1069, %masked_sort3A_1133 : vector<16xf32>
      %min3A_1190 = arith.minimumf %masked_sort3A_1069, %masked_sort3A_1133 : vector<16xf32>
      %max3A_1191 = arith.maximumf %masked_sort3A_1073, %masked_sort3A_1137 : vector<16xf32>
      %min3A_1192 = arith.minimumf %masked_sort3A_1073, %masked_sort3A_1137 : vector<16xf32>
      %max3A_1193 = arith.maximumf %masked_sort3A_1077, %masked_sort3A_1141 : vector<16xf32>
      %min3A_1194 = arith.minimumf %masked_sort3A_1077, %masked_sort3A_1141 : vector<16xf32>
      %max3A_1195 = arith.maximumf %masked_sort3A_1081, %masked_sort3A_1145 : vector<16xf32>
      %min3A_1196 = arith.minimumf %masked_sort3A_1081, %masked_sort3A_1145 : vector<16xf32>
      %max3A_1197 = arith.maximumf %masked_sort3A_1085, %masked_sort3A_1149 : vector<16xf32>
      %min3A_1198 = arith.minimumf %masked_sort3A_1085, %masked_sort3A_1149 : vector<16xf32>
      %max3A_1199 = arith.maximumf %masked_sort3A_1089, %masked_sort3A_1153 : vector<16xf32>
      %min3A_1200 = arith.minimumf %masked_sort3A_1089, %masked_sort3A_1153 : vector<16xf32>
      %max3A_1201 = arith.maximumf %masked_sort3A_1093, %masked_sort3A_1157 : vector<16xf32>
      %min3A_1202 = arith.minimumf %masked_sort3A_1093, %masked_sort3A_1157 : vector<16xf32>
      %max3A_1203 = arith.maximumf %masked_sort3A_1097, %masked_sort3A_1161 : vector<16xf32>
      %min3A_1204 = arith.minimumf %masked_sort3A_1097, %masked_sort3A_1161 : vector<16xf32>
      %max3A_1205 = arith.maximumf %masked_sort3A_1101, %masked_sort3A_1165 : vector<16xf32>
      %min3A_1206 = arith.minimumf %masked_sort3A_1101, %masked_sort3A_1165 : vector<16xf32>
      %max3A_1207 = arith.maximumf %masked_sort3A_1105, %masked_sort3A_1169 : vector<16xf32>
      %min3A_1208 = arith.minimumf %masked_sort3A_1105, %masked_sort3A_1169 : vector<16xf32>
      %max3A_1209 = arith.maximumf %masked_sort3A_1109, %masked_sort3A_1173 : vector<16xf32>
      %min3A_1210 = arith.minimumf %masked_sort3A_1109, %masked_sort3A_1173 : vector<16xf32>
      %max3A_1211 = arith.maximumf %masked_sort3A_1113, %masked_sort3A_1177 : vector<16xf32>
      %min3A_1212 = arith.minimumf %masked_sort3A_1113, %masked_sort3A_1177 : vector<16xf32>
      %max3A_1213 = arith.maximumf %masked_sort3A_1117, %masked_sort3A_1181 : vector<16xf32>
      %min3A_1214 = arith.minimumf %masked_sort3A_1117, %masked_sort3A_1181 : vector<16xf32>
      %max3A_1215 = arith.maximumf %max3A_1183, %max3A_1199 : vector<16xf32>
      %min3A_1216 = arith.minimumf %max3A_1183, %max3A_1199 : vector<16xf32>
      %max3A_1217 = arith.maximumf %max3A_1185, %max3A_1201 : vector<16xf32>
      %min3A_1218 = arith.minimumf %max3A_1185, %max3A_1201 : vector<16xf32>
      %max3A_1219 = arith.maximumf %max3A_1187, %max3A_1203 : vector<16xf32>
      %min3A_1220 = arith.minimumf %max3A_1187, %max3A_1203 : vector<16xf32>
      %max3A_1221 = arith.maximumf %max3A_1189, %max3A_1205 : vector<16xf32>
      %min3A_1222 = arith.minimumf %max3A_1189, %max3A_1205 : vector<16xf32>
      %max3A_1223 = arith.maximumf %max3A_1191, %max3A_1207 : vector<16xf32>
      %min3A_1224 = arith.minimumf %max3A_1191, %max3A_1207 : vector<16xf32>
      %max3A_1225 = arith.maximumf %max3A_1193, %max3A_1209 : vector<16xf32>
      %min3A_1226 = arith.minimumf %max3A_1193, %max3A_1209 : vector<16xf32>
      %max3A_1227 = arith.maximumf %max3A_1195, %max3A_1211 : vector<16xf32>
      %min3A_1228 = arith.minimumf %max3A_1195, %max3A_1211 : vector<16xf32>
      %max3A_1229 = arith.maximumf %max3A_1197, %max3A_1213 : vector<16xf32>
      %min3A_1230 = arith.minimumf %max3A_1197, %max3A_1213 : vector<16xf32>
      %max3A_1231 = arith.maximumf %min3A_1184, %min3A_1200 : vector<16xf32>
      %min3A_1232 = arith.minimumf %min3A_1184, %min3A_1200 : vector<16xf32>
      %max3A_1233 = arith.maximumf %min3A_1186, %min3A_1202 : vector<16xf32>
      %min3A_1234 = arith.minimumf %min3A_1186, %min3A_1202 : vector<16xf32>
      %max3A_1235 = arith.maximumf %min3A_1188, %min3A_1204 : vector<16xf32>
      %min3A_1236 = arith.minimumf %min3A_1188, %min3A_1204 : vector<16xf32>
      %max3A_1237 = arith.maximumf %min3A_1190, %min3A_1206 : vector<16xf32>
      %min3A_1238 = arith.minimumf %min3A_1190, %min3A_1206 : vector<16xf32>
      %max3A_1239 = arith.maximumf %min3A_1192, %min3A_1208 : vector<16xf32>
      %min3A_1240 = arith.minimumf %min3A_1192, %min3A_1208 : vector<16xf32>
      %max3A_1241 = arith.maximumf %min3A_1194, %min3A_1210 : vector<16xf32>
      %min3A_1242 = arith.minimumf %min3A_1194, %min3A_1210 : vector<16xf32>
      %max3A_1243 = arith.maximumf %min3A_1196, %min3A_1212 : vector<16xf32>
      %min3A_1244 = arith.minimumf %min3A_1196, %min3A_1212 : vector<16xf32>
      %max3A_1245 = arith.maximumf %min3A_1198, %min3A_1214 : vector<16xf32>
      %min3A_1246 = arith.minimumf %min3A_1198, %min3A_1214 : vector<16xf32>
      %max3A_1247 = arith.maximumf %max3A_1215, %max3A_1223 : vector<16xf32>
      %min3A_1248 = arith.minimumf %max3A_1215, %max3A_1223 : vector<16xf32>
      %max3A_1249 = arith.maximumf %max3A_1217, %max3A_1225 : vector<16xf32>
      %min3A_1250 = arith.minimumf %max3A_1217, %max3A_1225 : vector<16xf32>
      %max3A_1251 = arith.maximumf %max3A_1219, %max3A_1227 : vector<16xf32>
      %min3A_1252 = arith.minimumf %max3A_1219, %max3A_1227 : vector<16xf32>
      %max3A_1253 = arith.maximumf %max3A_1221, %max3A_1229 : vector<16xf32>
      %min3A_1254 = arith.minimumf %max3A_1221, %max3A_1229 : vector<16xf32>
      %max3A_1255 = arith.maximumf %min3A_1216, %min3A_1224 : vector<16xf32>
      %min3A_1256 = arith.minimumf %min3A_1216, %min3A_1224 : vector<16xf32>
      %max3A_1257 = arith.maximumf %min3A_1218, %min3A_1226 : vector<16xf32>
      %min3A_1258 = arith.minimumf %min3A_1218, %min3A_1226 : vector<16xf32>
      %max3A_1259 = arith.maximumf %min3A_1220, %min3A_1228 : vector<16xf32>
      %min3A_1260 = arith.minimumf %min3A_1220, %min3A_1228 : vector<16xf32>
      %max3A_1261 = arith.maximumf %min3A_1222, %min3A_1230 : vector<16xf32>
      %min3A_1262 = arith.minimumf %min3A_1222, %min3A_1230 : vector<16xf32>
      %max3A_1263 = arith.maximumf %max3A_1231, %max3A_1239 : vector<16xf32>
      %min3A_1264 = arith.minimumf %max3A_1231, %max3A_1239 : vector<16xf32>
      %max3A_1265 = arith.maximumf %max3A_1233, %max3A_1241 : vector<16xf32>
      %min3A_1266 = arith.minimumf %max3A_1233, %max3A_1241 : vector<16xf32>
      %max3A_1267 = arith.maximumf %max3A_1235, %max3A_1243 : vector<16xf32>
      %min3A_1268 = arith.minimumf %max3A_1235, %max3A_1243 : vector<16xf32>
      %max3A_1269 = arith.maximumf %max3A_1237, %max3A_1245 : vector<16xf32>
      %min3A_1270 = arith.minimumf %max3A_1237, %max3A_1245 : vector<16xf32>
      %max3A_1271 = arith.maximumf %min3A_1232, %min3A_1240 : vector<16xf32>
      %min3A_1272 = arith.minimumf %min3A_1232, %min3A_1240 : vector<16xf32>
      %max3A_1273 = arith.maximumf %min3A_1234, %min3A_1242 : vector<16xf32>
      %min3A_1274 = arith.minimumf %min3A_1234, %min3A_1242 : vector<16xf32>
      %max3A_1275 = arith.maximumf %min3A_1236, %min3A_1244 : vector<16xf32>
      %min3A_1276 = arith.minimumf %min3A_1236, %min3A_1244 : vector<16xf32>
      %max3A_1277 = arith.maximumf %min3A_1238, %min3A_1246 : vector<16xf32>
      %min3A_1278 = arith.minimumf %min3A_1238, %min3A_1246 : vector<16xf32>
      %max3A_1279 = arith.maximumf %max3A_1247, %max3A_1251 : vector<16xf32>
      %min3A_1280 = arith.minimumf %max3A_1247, %max3A_1251 : vector<16xf32>
      %max3A_1281 = arith.maximumf %max3A_1249, %max3A_1253 : vector<16xf32>
      %min3A_1282 = arith.minimumf %max3A_1249, %max3A_1253 : vector<16xf32>
      %max3A_1283 = arith.maximumf %min3A_1248, %min3A_1252 : vector<16xf32>
      %min3A_1284 = arith.minimumf %min3A_1248, %min3A_1252 : vector<16xf32>
      %max3A_1285 = arith.maximumf %min3A_1250, %min3A_1254 : vector<16xf32>
      %min3A_1286 = arith.minimumf %min3A_1250, %min3A_1254 : vector<16xf32>
      %max3A_1287 = arith.maximumf %max3A_1255, %max3A_1259 : vector<16xf32>
      %min3A_1288 = arith.minimumf %max3A_1255, %max3A_1259 : vector<16xf32>
      %max3A_1289 = arith.maximumf %max3A_1257, %max3A_1261 : vector<16xf32>
      %min3A_1290 = arith.minimumf %max3A_1257, %max3A_1261 : vector<16xf32>
      %max3A_1291 = arith.maximumf %min3A_1256, %min3A_1260 : vector<16xf32>
      %min3A_1292 = arith.minimumf %min3A_1256, %min3A_1260 : vector<16xf32>
      %max3A_1293 = arith.maximumf %min3A_1258, %min3A_1262 : vector<16xf32>
      %min3A_1294 = arith.minimumf %min3A_1258, %min3A_1262 : vector<16xf32>
      %max3A_1295 = arith.maximumf %max3A_1263, %max3A_1267 : vector<16xf32>
      %min3A_1296 = arith.minimumf %max3A_1263, %max3A_1267 : vector<16xf32>
      %max3A_1297 = arith.maximumf %max3A_1265, %max3A_1269 : vector<16xf32>
      %min3A_1298 = arith.minimumf %max3A_1265, %max3A_1269 : vector<16xf32>
      %max3A_1299 = arith.maximumf %min3A_1264, %min3A_1268 : vector<16xf32>
      %min3A_1300 = arith.minimumf %min3A_1264, %min3A_1268 : vector<16xf32>
      %max3A_1301 = arith.maximumf %min3A_1266, %min3A_1270 : vector<16xf32>
      %min3A_1302 = arith.minimumf %min3A_1266, %min3A_1270 : vector<16xf32>
      %max3A_1303 = arith.maximumf %max3A_1271, %max3A_1275 : vector<16xf32>
      %min3A_1304 = arith.minimumf %max3A_1271, %max3A_1275 : vector<16xf32>
      %max3A_1305 = arith.maximumf %max3A_1273, %max3A_1277 : vector<16xf32>
      %min3A_1306 = arith.minimumf %max3A_1273, %max3A_1277 : vector<16xf32>
      %max3A_1307 = arith.maximumf %min3A_1272, %min3A_1276 : vector<16xf32>
      %min3A_1308 = arith.minimumf %min3A_1272, %min3A_1276 : vector<16xf32>
      %max3A_1309 = arith.maximumf %min3A_1274, %min3A_1278 : vector<16xf32>
      %min3A_1310 = arith.minimumf %min3A_1274, %min3A_1278 : vector<16xf32>
      %max3A_1311 = arith.maximumf %max3A_1279, %max3A_1281 : vector<16xf32>
      %min3A_1312 = arith.minimumf %max3A_1279, %max3A_1281 : vector<16xf32>
      %max3A_1313 = arith.maximumf %min3A_1280, %min3A_1282 : vector<16xf32>
      %min3A_1314 = arith.minimumf %min3A_1280, %min3A_1282 : vector<16xf32>
      %max3A_1315 = arith.maximumf %max3A_1283, %max3A_1285 : vector<16xf32>
      %min3A_1316 = arith.minimumf %max3A_1283, %max3A_1285 : vector<16xf32>
      %max3A_1317 = arith.maximumf %min3A_1284, %min3A_1286 : vector<16xf32>
      %min3A_1318 = arith.minimumf %min3A_1284, %min3A_1286 : vector<16xf32>
      %max3A_1319 = arith.maximumf %max3A_1287, %max3A_1289 : vector<16xf32>
      %min3A_1320 = arith.minimumf %max3A_1287, %max3A_1289 : vector<16xf32>
      %max3A_1321 = arith.maximumf %min3A_1288, %min3A_1290 : vector<16xf32>
      %min3A_1322 = arith.minimumf %min3A_1288, %min3A_1290 : vector<16xf32>
      %max3A_1323 = arith.maximumf %max3A_1291, %max3A_1293 : vector<16xf32>
      %min3A_1324 = arith.minimumf %max3A_1291, %max3A_1293 : vector<16xf32>
      %max3A_1325 = arith.maximumf %min3A_1292, %min3A_1294 : vector<16xf32>
      %min3A_1326 = arith.minimumf %min3A_1292, %min3A_1294 : vector<16xf32>
      %max3A_1327 = arith.maximumf %max3A_1295, %max3A_1297 : vector<16xf32>
      %min3A_1328 = arith.minimumf %max3A_1295, %max3A_1297 : vector<16xf32>
      %max3A_1329 = arith.maximumf %min3A_1296, %min3A_1298 : vector<16xf32>
      %min3A_1330 = arith.minimumf %min3A_1296, %min3A_1298 : vector<16xf32>
      %max3A_1331 = arith.maximumf %max3A_1299, %max3A_1301 : vector<16xf32>
      %min3A_1332 = arith.minimumf %max3A_1299, %max3A_1301 : vector<16xf32>
      %max3A_1333 = arith.maximumf %min3A_1300, %min3A_1302 : vector<16xf32>
      %min3A_1334 = arith.minimumf %min3A_1300, %min3A_1302 : vector<16xf32>
      %max3A_1335 = arith.maximumf %max3A_1303, %max3A_1305 : vector<16xf32>
      %min3A_1336 = arith.minimumf %max3A_1303, %max3A_1305 : vector<16xf32>
      %max3A_1337 = arith.maximumf %min3A_1304, %min3A_1306 : vector<16xf32>
      %min3A_1338 = arith.minimumf %min3A_1304, %min3A_1306 : vector<16xf32>
      %max3A_1339 = arith.maximumf %max3A_1307, %max3A_1309 : vector<16xf32>
      %min3A_1340 = arith.minimumf %max3A_1307, %max3A_1309 : vector<16xf32>
      %max3A_1341 = arith.maximumf %min3A_1308, %min3A_1310 : vector<16xf32>
      %min3A_1342 = arith.minimumf %min3A_1308, %min3A_1310 : vector<16xf32>
      %masked_sort3A_1343 = arith.constant dense<true> : vector<16xi1>
      %masked_sort3A_1344, %masked_sort3A_1345, %masked_sort3A_1346 = tpu.sort %max3A_1311, %max3A_1311 masked %masked_sort3A_1343 {descending = true} : (vector<16xf32>, vector<16xf32>, vector<16xi1>) -> (vector<16xi1>, vector<16xf32>, vector<16xf32>)
      %masked_sort3A_1347 = arith.constant dense<true> : vector<16xi1>
      %masked_sort3A_1348, %masked_sort3A_1349, %masked_sort3A_1350 = tpu.sort %min3A_1312, %min3A_1312 masked %masked_sort3A_1347 {descending = true} : (vector<16xf32>, vector<16xf32>, vector<16xi1>) -> (vector<16xi1>, vector<16xf32>, vector<16xf32>)
      %masked_sort3A_1351 = arith.constant dense<true> : vector<16xi1>
      %masked_sort3A_1352, %masked_sort3A_1353, %masked_sort3A_1354 = tpu.sort %max3A_1313, %max3A_1313 masked %masked_sort3A_1351 {descending = true} : (vector<16xf32>, vector<16xf32>, vector<16xi1>) -> (vector<16xi1>, vector<16xf32>, vector<16xf32>)
      %masked_sort3A_1355 = arith.constant dense<true> : vector<16xi1>
      %masked_sort3A_1356, %masked_sort3A_1357, %masked_sort3A_1358 = tpu.sort %min3A_1314, %min3A_1314 masked %masked_sort3A_1355 {descending = true} : (vector<16xf32>, vector<16xf32>, vector<16xi1>) -> (vector<16xi1>, vector<16xf32>, vector<16xf32>)
      %masked_sort3A_1359 = arith.constant dense<true> : vector<16xi1>
      %masked_sort3A_1360, %masked_sort3A_1361, %masked_sort3A_1362 = tpu.sort %max3A_1315, %max3A_1315 masked %masked_sort3A_1359 {descending = true} : (vector<16xf32>, vector<16xf32>, vector<16xi1>) -> (vector<16xi1>, vector<16xf32>, vector<16xf32>)
      %masked_sort3A_1363 = arith.constant dense<true> : vector<16xi1>
      %masked_sort3A_1364, %masked_sort3A_1365, %masked_sort3A_1366 = tpu.sort %min3A_1316, %min3A_1316 masked %masked_sort3A_1363 {descending = true} : (vector<16xf32>, vector<16xf32>, vector<16xi1>) -> (vector<16xi1>, vector<16xf32>, vector<16xf32>)
      %masked_sort3A_1367 = arith.constant dense<true> : vector<16xi1>
      %masked_sort3A_1368, %masked_sort3A_1369, %masked_sort3A_1370 = tpu.sort %max3A_1317, %max3A_1317 masked %masked_sort3A_1367 {descending = true} : (vector<16xf32>, vector<16xf32>, vector<16xi1>) -> (vector<16xi1>, vector<16xf32>, vector<16xf32>)
      %masked_sort3A_1371 = arith.constant dense<true> : vector<16xi1>
      %masked_sort3A_1372, %masked_sort3A_1373, %masked_sort3A_1374 = tpu.sort %min3A_1318, %min3A_1318 masked %masked_sort3A_1371 {descending = true} : (vector<16xf32>, vector<16xf32>, vector<16xi1>) -> (vector<16xi1>, vector<16xf32>, vector<16xf32>)
      %masked_sort3A_1375 = arith.constant dense<true> : vector<16xi1>
      %masked_sort3A_1376, %masked_sort3A_1377, %masked_sort3A_1378 = tpu.sort %max3A_1319, %max3A_1319 masked %masked_sort3A_1375 {descending = true} : (vector<16xf32>, vector<16xf32>, vector<16xi1>) -> (vector<16xi1>, vector<16xf32>, vector<16xf32>)
      %masked_sort3A_1379 = arith.constant dense<true> : vector<16xi1>
      %masked_sort3A_1380, %masked_sort3A_1381, %masked_sort3A_1382 = tpu.sort %min3A_1320, %min3A_1320 masked %masked_sort3A_1379 {descending = true} : (vector<16xf32>, vector<16xf32>, vector<16xi1>) -> (vector<16xi1>, vector<16xf32>, vector<16xf32>)
      %masked_sort3A_1383 = arith.constant dense<true> : vector<16xi1>
      %masked_sort3A_1384, %masked_sort3A_1385, %masked_sort3A_1386 = tpu.sort %max3A_1321, %max3A_1321 masked %masked_sort3A_1383 {descending = true} : (vector<16xf32>, vector<16xf32>, vector<16xi1>) -> (vector<16xi1>, vector<16xf32>, vector<16xf32>)
      %masked_sort3A_1387 = arith.constant dense<true> : vector<16xi1>
      %masked_sort3A_1388, %masked_sort3A_1389, %masked_sort3A_1390 = tpu.sort %min3A_1322, %min3A_1322 masked %masked_sort3A_1387 {descending = true} : (vector<16xf32>, vector<16xf32>, vector<16xi1>) -> (vector<16xi1>, vector<16xf32>, vector<16xf32>)
      %masked_sort3A_1391 = arith.constant dense<true> : vector<16xi1>
      %masked_sort3A_1392, %masked_sort3A_1393, %masked_sort3A_1394 = tpu.sort %max3A_1323, %max3A_1323 masked %masked_sort3A_1391 {descending = true} : (vector<16xf32>, vector<16xf32>, vector<16xi1>) -> (vector<16xi1>, vector<16xf32>, vector<16xf32>)
      %masked_sort3A_1395 = arith.constant dense<true> : vector<16xi1>
      %masked_sort3A_1396, %masked_sort3A_1397, %masked_sort3A_1398 = tpu.sort %min3A_1324, %min3A_1324 masked %masked_sort3A_1395 {descending = true} : (vector<16xf32>, vector<16xf32>, vector<16xi1>) -> (vector<16xi1>, vector<16xf32>, vector<16xf32>)
      %masked_sort3A_1399 = arith.constant dense<true> : vector<16xi1>
      %masked_sort3A_1400, %masked_sort3A_1401, %masked_sort3A_1402 = tpu.sort %max3A_1325, %max3A_1325 masked %masked_sort3A_1399 {descending = true} : (vector<16xf32>, vector<16xf32>, vector<16xi1>) -> (vector<16xi1>, vector<16xf32>, vector<16xf32>)
      %masked_sort3A_1403 = arith.constant dense<true> : vector<16xi1>
      %masked_sort3A_1404, %masked_sort3A_1405, %masked_sort3A_1406 = tpu.sort %min3A_1326, %min3A_1326 masked %masked_sort3A_1403 {descending = true} : (vector<16xf32>, vector<16xf32>, vector<16xi1>) -> (vector<16xi1>, vector<16xf32>, vector<16xf32>)
      %masked_sort3A_1407 = arith.constant dense<true> : vector<16xi1>
      %masked_sort3A_1408, %masked_sort3A_1409, %masked_sort3A_1410 = tpu.sort %max3A_1327, %max3A_1327 masked %masked_sort3A_1407 {descending = true} : (vector<16xf32>, vector<16xf32>, vector<16xi1>) -> (vector<16xi1>, vector<16xf32>, vector<16xf32>)
      %masked_sort3A_1411 = arith.constant dense<true> : vector<16xi1>
      %masked_sort3A_1412, %masked_sort3A_1413, %masked_sort3A_1414 = tpu.sort %min3A_1328, %min3A_1328 masked %masked_sort3A_1411 {descending = true} : (vector<16xf32>, vector<16xf32>, vector<16xi1>) -> (vector<16xi1>, vector<16xf32>, vector<16xf32>)
      %masked_sort3A_1415 = arith.constant dense<true> : vector<16xi1>
      %masked_sort3A_1416, %masked_sort3A_1417, %masked_sort3A_1418 = tpu.sort %max3A_1329, %max3A_1329 masked %masked_sort3A_1415 {descending = true} : (vector<16xf32>, vector<16xf32>, vector<16xi1>) -> (vector<16xi1>, vector<16xf32>, vector<16xf32>)
      %masked_sort3A_1419 = arith.constant dense<true> : vector<16xi1>
      %masked_sort3A_1420, %masked_sort3A_1421, %masked_sort3A_1422 = tpu.sort %min3A_1330, %min3A_1330 masked %masked_sort3A_1419 {descending = true} : (vector<16xf32>, vector<16xf32>, vector<16xi1>) -> (vector<16xi1>, vector<16xf32>, vector<16xf32>)
      %masked_sort3A_1423 = arith.constant dense<true> : vector<16xi1>
      %masked_sort3A_1424, %masked_sort3A_1425, %masked_sort3A_1426 = tpu.sort %max3A_1331, %max3A_1331 masked %masked_sort3A_1423 {descending = true} : (vector<16xf32>, vector<16xf32>, vector<16xi1>) -> (vector<16xi1>, vector<16xf32>, vector<16xf32>)
      %masked_sort3A_1427 = arith.constant dense<true> : vector<16xi1>
      %masked_sort3A_1428, %masked_sort3A_1429, %masked_sort3A_1430 = tpu.sort %min3A_1332, %min3A_1332 masked %masked_sort3A_1427 {descending = true} : (vector<16xf32>, vector<16xf32>, vector<16xi1>) -> (vector<16xi1>, vector<16xf32>, vector<16xf32>)
      %masked_sort3A_1431 = arith.constant dense<true> : vector<16xi1>
      %masked_sort3A_1432, %masked_sort3A_1433, %masked_sort3A_1434 = tpu.sort %max3A_1333, %max3A_1333 masked %masked_sort3A_1431 {descending = true} : (vector<16xf32>, vector<16xf32>, vector<16xi1>) -> (vector<16xi1>, vector<16xf32>, vector<16xf32>)
      %masked_sort3A_1435 = arith.constant dense<true> : vector<16xi1>
      %masked_sort3A_1436, %masked_sort3A_1437, %masked_sort3A_1438 = tpu.sort %min3A_1334, %min3A_1334 masked %masked_sort3A_1435 {descending = true} : (vector<16xf32>, vector<16xf32>, vector<16xi1>) -> (vector<16xi1>, vector<16xf32>, vector<16xf32>)
      %masked_sort3A_1439 = arith.constant dense<true> : vector<16xi1>
      %masked_sort3A_1440, %masked_sort3A_1441, %masked_sort3A_1442 = tpu.sort %max3A_1335, %max3A_1335 masked %masked_sort3A_1439 {descending = true} : (vector<16xf32>, vector<16xf32>, vector<16xi1>) -> (vector<16xi1>, vector<16xf32>, vector<16xf32>)
      %masked_sort3A_1443 = arith.constant dense<true> : vector<16xi1>
      %masked_sort3A_1444, %masked_sort3A_1445, %masked_sort3A_1446 = tpu.sort %min3A_1336, %min3A_1336 masked %masked_sort3A_1443 {descending = true} : (vector<16xf32>, vector<16xf32>, vector<16xi1>) -> (vector<16xi1>, vector<16xf32>, vector<16xf32>)
      %masked_sort3A_1447 = arith.constant dense<true> : vector<16xi1>
      %masked_sort3A_1448, %masked_sort3A_1449, %masked_sort3A_1450 = tpu.sort %max3A_1337, %max3A_1337 masked %masked_sort3A_1447 {descending = true} : (vector<16xf32>, vector<16xf32>, vector<16xi1>) -> (vector<16xi1>, vector<16xf32>, vector<16xf32>)
      %masked_sort3A_1451 = arith.constant dense<true> : vector<16xi1>
      %masked_sort3A_1452, %masked_sort3A_1453, %masked_sort3A_1454 = tpu.sort %min3A_1338, %min3A_1338 masked %masked_sort3A_1451 {descending = true} : (vector<16xf32>, vector<16xf32>, vector<16xi1>) -> (vector<16xi1>, vector<16xf32>, vector<16xf32>)
      %masked_sort3A_1455 = arith.constant dense<true> : vector<16xi1>
      %masked_sort3A_1456, %masked_sort3A_1457, %masked_sort3A_1458 = tpu.sort %max3A_1339, %max3A_1339 masked %masked_sort3A_1455 {descending = true} : (vector<16xf32>, vector<16xf32>, vector<16xi1>) -> (vector<16xi1>, vector<16xf32>, vector<16xf32>)
      %masked_sort3A_1459 = arith.constant dense<true> : vector<16xi1>
      %masked_sort3A_1460, %masked_sort3A_1461, %masked_sort3A_1462 = tpu.sort %min3A_1340, %min3A_1340 masked %masked_sort3A_1459 {descending = true} : (vector<16xf32>, vector<16xf32>, vector<16xi1>) -> (vector<16xi1>, vector<16xf32>, vector<16xf32>)
      %masked_sort3A_1463 = arith.constant dense<true> : vector<16xi1>
      %masked_sort3A_1464, %masked_sort3A_1465, %masked_sort3A_1466 = tpu.sort %max3A_1341, %max3A_1341 masked %masked_sort3A_1463 {descending = true} : (vector<16xf32>, vector<16xf32>, vector<16xi1>) -> (vector<16xi1>, vector<16xf32>, vector<16xf32>)
      %masked_sort3A_1467 = arith.constant dense<true> : vector<16xi1>
      %masked_sort3A_1468, %masked_sort3A_1469, %masked_sort3A_1470 = tpu.sort %min3A_1342, %min3A_1342 masked %masked_sort3A_1467 {descending = true} : (vector<16xf32>, vector<16xf32>, vector<16xi1>) -> (vector<16xi1>, vector<16xf32>, vector<16xf32>)
      %ge3A_1471 = arith.constant 2 : i32
      %ge3A_1472 = arith.cmpi sge, %scan3A_52, %ge3A_1471 : i32
      %convert_element_type3A_1473 = arith.extui %ge3A_1472 : i1 to i32
      %cond3A_1474 = arith.constant 0 : i32
      %cond3A_1475 = arith.cmpi ne, %convert_element_type3A_1473, %cond3A_1474 : i32
      scf.if %cond3A_1475 {
        %dma_wait3A_1553 = arith.constant 0 : i32
        %dma_wait3A_1554 = tpu.memref_slice %arg8[%dma_wait3A_1553] : memref<512xf32, #tpu.memory_space<vmem>> -> memref<256xf32, #tpu.memory_space<vmem>>
        %dma_wait3A_1555 = arith.constant 0 : i32
        %dma_wait3A_1556 = tpu.memref_slice %arg3[%mul3A_2, %dma_wait3A_1555] : memref<1024x256xf32, #tpu.memory_space<hbm>> -> memref<1x256xf32, #tpu.memory_space<hbm>>
        %dma_wait3A_1557 = tpu.memref_squeeze %dma_wait3A_1556 : memref<1x256xf32, #tpu.memory_space<hbm>> -> memref<256xf32, #tpu.memory_space<hbm>>
        %dma_wait3A_1558 = arith.constant 0 : i32
        %dma_wait3A_1559 = tpu.memref_slice %arg8[%dma_wait3A_1558] : memref<512xf32, #tpu.memory_space<vmem>> -> memref<256xf32, #tpu.memory_space<vmem>>
        %dma_wait3A_1560 = arith.constant 0 : i32
        %dma_wait3A_1561 = tpu.memref_slice %arg3[%mul3A_2, %dma_wait3A_1560] : memref<1024x256xf32, #tpu.memory_space<hbm>> -> memref<1x256xf32, #tpu.memory_space<hbm>>
        %dma_wait3A_1562 = tpu.memref_squeeze %dma_wait3A_1561 : memref<1x256xf32, #tpu.memory_space<hbm>> -> memref<256xf32, #tpu.memory_space<hbm>>
        tpu.wait_dma2 semaphore(%arg10 : memref<!tpu.dma_semaphore, #tpu.memory_space<semaphore_mem>>) src(%dma_wait3A_1562 : memref<256xf32, #tpu.memory_space<hbm>>) dst(%dma_wait3A_1559 : memref<256xf32, #tpu.memory_space<vmem>>)
      } else {
      }
      %and3A_1476 = arith.constant 1 : i32
      %and3A_1477 = arith.andi %scan3A_52, %and3A_1476 : i32
      %mul3A_1478 = arith.constant 256 : i32
      %mul3A_1479 = arith.muli %and3A_1477, %mul3A_1478 : i32
      %add3A_1480 = arith.constant 0 : i32
      %add3A_1481 = arith.addi %mul3A_1479, %add3A_1480 : i32
      %swap3A_1482 = arith.index_cast %add3A_1481 : i32 to index
      %swap3A_1483 = tpu.vector_load %arg8[%swap3A_1482] {strides = array<i32>} : memref<512xf32, #tpu.memory_space<vmem>>, vector<16xf32>,
      tpu.vector_store %arg8[%swap3A_1482], %masked_sort3A_1345 {strides = array<i32>} : memref<512xf32, #tpu.memory_space<vmem>>, vector<16xf32>,
      %add3A_1484 = arith.constant 16 : i32
      %add3A_1485 = arith.addi %mul3A_1479, %add3A_1484 : i32
      %swap3A_1486 = arith.index_cast %add3A_1485 : i32 to index
      %swap3A_1487 = tpu.vector_load %arg8[%swap3A_1486] {strides = array<i32>} : memref<512xf32, #tpu.memory_space<vmem>>, vector<16xf32>,
      tpu.vector_store %arg8[%swap3A_1486], %masked_sort3A_1349 {strides = array<i32>} : memref<512xf32, #tpu.memory_space<vmem>>, vector<16xf32>,
      %add3A_1488 = arith.constant 32 : i32
      %add3A_1489 = arith.addi %mul3A_1479, %add3A_1488 : i32
      %swap3A_1490 = arith.index_cast %add3A_1489 : i32 to index
      %swap3A_1491 = tpu.vector_load %arg8[%swap3A_1490] {strides = array<i32>} : memref<512xf32, #tpu.memory_space<vmem>>, vector<16xf32>,
      tpu.vector_store %arg8[%swap3A_1490], %masked_sort3A_1353 {strides = array<i32>} : memref<512xf32, #tpu.memory_space<vmem>>, vector<16xf32>,
      %add3A_1492 = arith.constant 48 : i32
      %add3A_1493 = arith.addi %mul3A_1479, %add3A_1492 : i32
      %swap3A_1494 = arith.index_cast %add3A_1493 : i32 to index
      %swap3A_1495 = tpu.vector_load %arg8[%swap3A_1494] {strides = array<i32>} : memref<512xf32, #tpu.memory_space<vmem>>, vector<16xf32>,
      tpu.vector_store %arg8[%swap3A_1494], %masked_sort3A_1357 {strides = array<i32>} : memref<512xf32, #tpu.memory_space<vmem>>, vector<16xf32>,
      %add3A_1496 = arith.constant 64 : i32
      %add3A_1497 = arith.addi %mul3A_1479, %add3A_1496 : i32
      %swap3A_1498 = arith.index_cast %add3A_1497 : i32 to index
      %swap3A_1499 = tpu.vector_load %arg8[%swap3A_1498] {strides = array<i32>} : memref<512xf32, #tpu.memory_space<vmem>>, vector<16xf32>,
      tpu.vector_store %arg8[%swap3A_1498], %masked_sort3A_1361 {strides = array<i32>} : memref<512xf32, #tpu.memory_space<vmem>>, vector<16xf32>,
      %add3A_1500 = arith.constant 80 : i32
      %add3A_1501 = arith.addi %mul3A_1479, %add3A_1500 : i32
      %swap3A_1502 = arith.index_cast %add3A_1501 : i32 to index
      %swap3A_1503 = tpu.vector_load %arg8[%swap3A_1502] {strides = array<i32>} : memref<512xf32, #tpu.memory_space<vmem>>, vector<16xf32>,
      tpu.vector_store %arg8[%swap3A_1502], %masked_sort3A_1365 {strides = array<i32>} : memref<512xf32, #tpu.memory_space<vmem>>, vector<16xf32>,
      %add3A_1504 = arith.constant 96 : i32
      %add3A_1505 = arith.addi %mul3A_1479, %add3A_1504 : i32
      %swap3A_1506 = arith.index_cast %add3A_1505 : i32 to index
      %swap3A_1507 = tpu.vector_load %arg8[%swap3A_1506] {strides = array<i32>} : memref<512xf32, #tpu.memory_space<vmem>>, vector<16xf32>,
      tpu.vector_store %arg8[%swap3A_1506], %masked_sort3A_1369 {strides = array<i32>} : memref<512xf32, #tpu.memory_space<vmem>>, vector<16xf32>,
      %add3A_1508 = arith.constant 112 : i32
      %add3A_1509 = arith.addi %mul3A_1479, %add3A_1508 : i32
      %swap3A_1510 = arith.index_cast %add3A_1509 : i32 to index
      %swap3A_1511 = tpu.vector_load %arg8[%swap3A_1510] {strides = array<i32>} : memref<512xf32, #tpu.memory_space<vmem>>, vector<16xf32>,
      tpu.vector_store %arg8[%swap3A_1510], %masked_sort3A_1373 {strides = array<i32>} : memref<512xf32, #tpu.memory_space<vmem>>, vector<16xf32>,
      %add3A_1512 = arith.constant 128 : i32
      %add3A_1513 = arith.addi %mul3A_1479, %add3A_1512 : i32
      %swap3A_1514 = arith.index_cast %add3A_1513 : i32 to index
      %swap3A_1515 = tpu.vector_load %arg8[%swap3A_1514] {strides = array<i32>} : memref<512xf32, #tpu.memory_space<vmem>>, vector<16xf32>,
      tpu.vector_store %arg8[%swap3A_1514], %masked_sort3A_1377 {strides = array<i32>} : memref<512xf32, #tpu.memory_space<vmem>>, vector<16xf32>,
      %add3A_1516 = arith.constant 144 : i32
      %add3A_1517 = arith.addi %mul3A_1479, %add3A_1516 : i32
      %swap3A_1518 = arith.index_cast %add3A_1517 : i32 to index
      %swap3A_1519 = tpu.vector_load %arg8[%swap3A_1518] {strides = array<i32>} : memref<512xf32, #tpu.memory_space<vmem>>, vector<16xf32>,
      tpu.vector_store %arg8[%swap3A_1518], %masked_sort3A_1381 {strides = array<i32>} : memref<512xf32, #tpu.memory_space<vmem>>, vector<16xf32>,
      %add3A_1520 = arith.constant 160 : i32
      %add3A_1521 = arith.addi %mul3A_1479, %add3A_1520 : i32
      %swap3A_1522 = arith.index_cast %add3A_1521 : i32 to index
      %swap3A_1523 = tpu.vector_load %arg8[%swap3A_1522] {strides = array<i32>} : memref<512xf32, #tpu.memory_space<vmem>>, vector<16xf32>,
      tpu.vector_store %arg8[%swap3A_1522], %masked_sort3A_1385 {strides = array<i32>} : memref<512xf32, #tpu.memory_space<vmem>>, vector<16xf32>,
      %add3A_1524 = arith.constant 176 : i32
      %add3A_1525 = arith.addi %mul3A_1479, %add3A_1524 : i32
      %swap3A_1526 = arith.index_cast %add3A_1525 : i32 to index
      %swap3A_1527 = tpu.vector_load %arg8[%swap3A_1526] {strides = array<i32>} : memref<512xf32, #tpu.memory_space<vmem>>, vector<16xf32>,
      tpu.vector_store %arg8[%swap3A_1526], %masked_sort3A_1389 {strides = array<i32>} : memref<512xf32, #tpu.memory_space<vmem>>, vector<16xf32>,
      %add3A_1528 = arith.constant 192 : i32
      %add3A_1529 = arith.addi %mul3A_1479, %add3A_1528 : i32
      %swap3A_1530 = arith.index_cast %add3A_1529 : i32 to index
      %swap3A_1531 = tpu.vector_load %arg8[%swap3A_1530] {strides = array<i32>} : memref<512xf32, #tpu.memory_space<vmem>>, vector<16xf32>,
      tpu.vector_store %arg8[%swap3A_1530], %masked_sort3A_1393 {strides = array<i32>} : memref<512xf32, #tpu.memory_space<vmem>>, vector<16xf32>,
      %add3A_1532 = arith.constant 208 : i32
      %add3A_1533 = arith.addi %mul3A_1479, %add3A_1532 : i32
      %swap3A_1534 = arith.index_cast %add3A_1533 : i32 to index
      %swap3A_1535 = tpu.vector_load %arg8[%swap3A_1534] {strides = array<i32>} : memref<512xf32, #tpu.memory_space<vmem>>, vector<16xf32>,
      tpu.vector_store %arg8[%swap3A_1534], %masked_sort3A_1397 {strides = array<i32>} : memref<512xf32, #tpu.memory_space<vmem>>, vector<16xf32>,
      %add3A_1536 = arith.constant 224 : i32
      %add3A_1537 = arith.addi %mul3A_1479, %add3A_1536 : i32
      %swap3A_1538 = arith.index_cast %add3A_1537 : i32 to index
      %swap3A_1539 = tpu.vector_load %arg8[%swap3A_1538] {strides = array<i32>} : memref<512xf32, #tpu.memory_space<vmem>>, vector<16xf32>,
      tpu.vector_store %arg8[%swap3A_1538], %masked_sort3A_1401 {strides = array<i32>} : memref<512xf32, #tpu.memory_space<vmem>>, vector<16xf32>,
      %add3A_1540 = arith.constant 240 : i32
      %add3A_1541 = arith.addi %mul3A_1479, %add3A_1540 : i32
      %swap3A_1542 = arith.index_cast %add3A_1541 : i32 to index
      %swap3A_1543 = tpu.vector_load %arg8[%swap3A_1542] {strides = array<i32>} : memref<512xf32, #tpu.memory_space<vmem>>, vector<16xf32>,
      tpu.vector_store %arg8[%swap3A_1542], %masked_sort3A_1405 {strides = array<i32>} : memref<512xf32, #tpu.memory_space<vmem>>, vector<16xf32>,
      %add3A_1544 = arith.addi %mul3A_2, %scan3A_52 : i32
      %dma_start3A_1545 = tpu.memref_slice %arg8[%mul3A_1479] : memref<512xf32, #tpu.memory_space<vmem>> -> memref<256xf32, #tpu.memory_space<vmem>>
      %dma_start3A_1546 = arith.constant 0 : i32
      %dma_start3A_1547 = tpu.memref_slice %arg3[%add3A_1544, %dma_start3A_1546] : memref<1024x256xf32, #tpu.memory_space<hbm>> -> memref<1x256xf32, #tpu.memory_space<hbm>>
      %dma_start3A_1548 = tpu.memref_squeeze %dma_start3A_1547 : memref<1x256xf32, #tpu.memory_space<hbm>> -> memref<256xf32, #tpu.memory_space<hbm>>
      %dma_start3A_1549 = arith.constant 0 : i32
      %dma_start3A_1550 = tpu.memref_slice %arg3[%add3A_1544, %dma_start3A_1549] : memref<1024x256xf32, #tpu.memory_space<hbm>> -> memref<1x256xf32, #tpu.memory_space<hbm>>
      %dma_start3A_1551 = tpu.memref_squeeze %dma_start3A_1550 : memref<1x256xf32, #tpu.memory_space<hbm>> -> memref<256xf32, #tpu.memory_space<hbm>>
      %dma_start3A_1552 = tpu.memref_slice %arg8[%mul3A_1479] : memref<512xf32, #tpu.memory_space<vmem>> -> memref<256xf32, #tpu.memory_space<vmem>>
      tpu.enqueue_dma source(%dma_start3A_1552 : memref<256xf32, #tpu.memory_space<vmem>>) target(%dma_start3A_1551 : memref<256xf32, #tpu.memory_space<hbm>>) target_semaphore(%arg10 : memref<!tpu.dma_semaphore, #tpu.memory_space<semaphore_mem>>)
      scf.yield %sub3A_129 : vector<16xi32>
    }
    %scan3A_32 = arith.constant 32 : i32
    %dma_wait3A = arith.constant 0 : i32
    %dma_wait3A_33 = tpu.memref_slice %arg8[%dma_wait3A] : memref<512xf32, #tpu.memory_space<vmem>> -> memref<256xf32, #tpu.memory_space<vmem>>
    %dma_wait3A_34 = arith.constant 0 : i32
    %dma_wait3A_35 = tpu.memref_slice %arg3[%mul3A_2, %dma_wait3A_34] : memref<1024x256xf32, #tpu.memory_space<hbm>> -> memref<1x256xf32, #tpu.memory_space<hbm>>
    %dma_wait3A_36 = tpu.memref_squeeze %dma_wait3A_35 : memref<1x256xf32, #tpu.memory_space<hbm>> -> memref<256xf32, #tpu.memory_space<hbm>>
    %dma_wait3A_37 = arith.constant 0 : i32
    %dma_wait3A_38 = tpu.memref_slice %arg8[%dma_wait3A_37] : memref<512xf32, #tpu.memory_space<vmem>> -> memref<256xf32, #tpu.memory_space<vmem>>
    %dma_wait3A_39 = arith.constant 0 : i32
    %dma_wait3A_40 = tpu.memref_slice %arg3[%mul3A_2, %dma_wait3A_39] : memref<1024x256xf32, #tpu.memory_space<hbm>> -> memref<1x256xf32, #tpu.memory_space<hbm>>
    %dma_wait3A_41 = tpu.memref_squeeze %dma_wait3A_40 : memref<1x256xf32, #tpu.memory_space<hbm>> -> memref<256xf32, #tpu.memory_space<hbm>>
    tpu.wait_dma2 semaphore(%arg10 : memref<!tpu.dma_semaphore, #tpu.memory_space<semaphore_mem>>) src(%dma_wait3A_41 : memref<256xf32, #tpu.memory_space<hbm>>) dst(%dma_wait3A_38 : memref<256xf32, #tpu.memory_space<vmem>>)
    %dma_wait3A_42 = arith.constant 0 : i32
    %dma_wait3A_43 = tpu.memref_slice %arg8[%dma_wait3A_42] : memref<512xf32, #tpu.memory_space<vmem>> -> memref<256xf32, #tpu.memory_space<vmem>>
    %dma_wait3A_44 = arith.constant 0 : i32
    %dma_wait3A_45 = tpu.memref_slice %arg3[%mul3A_2, %dma_wait3A_44] : memref<1024x256xf32, #tpu.memory_space<hbm>> -> memref<1x256xf32, #tpu.memory_space<hbm>>
    %dma_wait3A_46 = tpu.memref_squeeze %dma_wait3A_45 : memref<1x256xf32, #tpu.memory_space<hbm>> -> memref<256xf32, #tpu.memory_space<hbm>>
    %dma_wait3A_47 = arith.constant 0 : i32
    %dma_wait3A_48 = tpu.memref_slice %arg8[%dma_wait3A_47] : memref<512xf32, #tpu.memory_space<vmem>> -> memref<256xf32, #tpu.memory_space<vmem>>
    %dma_wait3A_49 = arith.constant 0 : i32
    %dma_wait3A_50 = tpu.memref_slice %arg3[%mul3A_2, %dma_wait3A_49] : memref<1024x256xf32, #tpu.memory_space<hbm>> -> memref<1x256xf32, #tpu.memory_space<hbm>>
    %dma_wait3A_51 = tpu.memref_squeeze %dma_wait3A_50 : memref<1x256xf32, #tpu.memory_space<hbm>> -> memref<256xf32, #tpu.memory_space<hbm>>
    tpu.wait_dma2 semaphore(%arg10 : memref<!tpu.dma_semaphore, #tpu.memory_space<semaphore_mem>>) src(%dma_wait3A_51 : memref<256xf32, #tpu.memory_space<hbm>>) dst(%dma_wait3A_48 : memref<256xf32, #tpu.memory_space<vmem>>)
    return
  }
}

</mosaic_0001>

<sc_bundles>
// kernel: kernel.3.cloned.1.call-start
scs
__scs_entry_jumppad:
0x0: {  	(pc) =	sbr.rel $0x88, $3  }
0x1: {  	(tag) =	ssettag $0x0;
	lr =	simm.s32 $0x1  }
0x2: {  	[smem:$0x3FA0] =	sst lr;
	_ =	strace $0xD0000000  }
0x3: {  	_ = 	snop  }
0x4: {  	_ = 	snop  }
0x5: {  	_ = 	snop  }
0x6: {  	_ = 	snop  }
0x7: {  	_ = 	snop  }
__scs_overlays_trampoline_lowered:
0x8: {  	[smem:$0x3FAF] =	sst s0  }
0x9: {  	[smem:$0x3FB0] =	sst s1  }
0xa: {  	[smem:$0x3FB1] =	sst s2  }
0xb: {  	[smem:$0x3FB2] =	sst s3  }
0xc: {  	[smem:$0x3FB3] =	sst s4  }
0xd: {  	[smem:$0x3FB4] =	sst s5  }
0xe: {  	[smem:$0x3FB5] =	sst s6  }
0xf: {  	[smem:$0x3FB6] =	sst s7  }
0x10: {  	[smem:$0x3FB7] =	sst s8  }
0x11: {  	[smem:$0x3FB8] =	sst s9;
	s0 =	simm.s32 @!p0 $0x0  }
0x12: {  	s1 =	sld [smem:$0x3F9E];
	s0 =	simm.s32 @p0 $0x1  }
0x13: {  	[smem:$0x3FB9] =	sst s0;
	s0 =	simm.s32 @!p1 $0x0  }
0x14: {  	s2 =	sld [smem:$0x3F9D];
	s0 =	simm.s32 @p1 $0x1  }
0x15: {  	[smem:$0x3FBA] =	sst s0;
	s0 =	simm.s32 @!p2 $0x0  }
0x16: {  	s3 =	sld [smem:$0x3FDB];
	s0 =	simm.s32 @p2 $0x1  }
0x17: {  	s4 =	simm.s32 $0x1BF5;
	[smem:$0x3FBC] =	sst s0  }
0x18: {  	s0 =	sld [smem:$0x3F9F];
	_ =	swait.ge [sflag:s4], $0x0  }
0x19: {  	s7 =	sld [smem:$0x3FA0]  }
0x1a: {  	s8 =	sadd.s32 $0xFFFFE003, lr  }
0x1b: {  	s9 =	sadd.s32 $0xFFFFFEF7, lr;
	s5 =	simm.s32 $0xFFFFFFFF;
	p2 =	slt.u32 s8, $0xFFFFF086  }
0x1c: {  	p1 =	slt.u32 s9, $0xF7A;
	s5 =	simm.s32 @!p2 $0x0  }
0x1d: {  	s5 =	simm.s32 @p1 $0x1;
	p0 =	seq.s32 s7, s2  }
0x1e: {  	s7 =	smul.u32 @!p0 $0xF7A, s2;
	p2 =	seq.s32 @!p0 s5, $0x0  }
0x1f: {  	s9 =	smul.u32 $0xF7A, s1;
	s8 =	simm.s32 @!p0 $0x1BF5;
	p2 =	por !p2, p0  }
0x20: {  	[sflag:s8] =	ssyncset.s32 @!p0 $0xFFFFF086;
	s6 =	sadd.s32 @!p0 s3, s7;
	s7 =	simm.s32 @!p0 $0x108  }
0x21: {  	s3 =	sadd.s32 s3, s9;
	s6 =	sadd.s32 @!p0 $0x88, s6;
	s7 =	simm.s32 @p2 $0x1082  }
0x22: {  	[simem:s7], [sflag:s8] =	dma.local @!p0 [hbm:s6], $0xF7A  }
0x23: {  	s9 =	sor.u32 $0xD0000000, s2;
	s6 =	simm.s32 $0x108;
	_ =	swait.ge @!p0 [sflag:s8], $0x0  }
0x24: {  	s3 =	sadd.s32 $0x88, s3;
	s6 =	simm.s32 @!p1 $0x1082;
	[sflag:s4] =	ssyncset.s32 $0xFFFFF086  }
0x25: {  	[simem:s6], [sflag:s4] =	dma.local [hbm:s3], $0xF7A  }
0x26: {  	[smem:$0x3FA0] =	sst s1;
	(tag) =	ssettag s2;
	_ =	strace s9  }
0x27: {  	s1 =	sld [smem:$0x3FB0]  }
0x28: {  	s2 =	sld [smem:$0x3FB1]  }
0x29: {  	s4 =	sld [smem:$0x3FB3]  }
0x2a: {  	p0 =	seq.s32 s5, $0x0;
	s5 =	sld [smem:$0x3FB4]  }
0x2b: {  	s6 =	sld [smem:$0x3FB5]  }
0x2c: {  	s7 =	sld [smem:$0x3FB6]  }
0x2d: {  	s3 =	simm.s32 $0x108;
	s8 =	sld [smem:$0x3FB7]  }
0x2e: {  	s3 =	simm.s32 @!p0 $0x1082;
	s9 =	sld [smem:$0x3FB8]  }
0x2f: {  	lr =	sadd.s32 s0, s3;
	s0 =	sld [smem:$0x3FAF]  }
0x30: {  	s3 =	sld [smem:$0x3FB2]  }
0x31: {  	[smem:$0x3FBB] =	sst s10  }
0x32: {  	s10 =	sld [smem:$0x3FB9];
	_ =	sdelay $0x3  }
0x33: {  	p0 =	seq.s32 s10, $0x1;
	s10 =	sld [smem:$0x3FBB];
	_ =	sdelay $0x3  }
0x34: {  	[smem:$0x3FBB] =	sst s10  }
0x35: {  	s10 =	sld [smem:$0x3FBA];
	_ =	sdelay $0x3  }
0x36: {  	p1 =	seq.s32 s10, $0x1;
	s10 =	sld [smem:$0x3FBB];
	_ =	sdelay $0x3  }
0x37: {  	[smem:$0x3FBB] =	sst s10  }
0x38: {  	s10 =	sld [smem:$0x3FBC]  }
0x39: {  	_ = 	snop;
	(pc) =	sbr.ind lr, $3  }
0x3a: {  	_ = 	snop  }
0x3b: {  	_ = 	snop  }
0x3c: {  	p2 =	seq.s32 s10, $0x1;
	s10 =	sld [smem:$0x3FBB]  }
0x3d: {  	_ =	shalt  }
0x3e: {  	_ =	shalt  }
0x3f: {  	_ =	shalt  }
0x40: {  	_ =	shalt  }
0x41: {  	_ =	shalt  }
0x42: {  	_ =	shalt  }
0x43: {  	_ =	shalt  }
0x44: {  	_ =	shalt  }
0x45: {  	_ =	shalt  }
0x46: {  	_ =	shalt  }
0x47: {  	_ =	shalt  }
0x48: {  	_ =	shalt  }
0x49: {  	_ =	shalt  }
0x4a: {  	_ =	shalt  }
0x4b: {  	_ =	shalt  }
0x4c: {  	_ =	shalt  }
0x4d: {  	_ =	shalt  }
0x4e: {  	_ =	shalt  }
0x4f: {  	_ =	shalt  }
0x50: {  	_ =	shalt  }
0x51: {  	_ =	shalt  }
0x52: {  	_ =	shalt  }
0x53: {  	_ =	shalt  }
0x54: {  	_ =	shalt  }
0x55: {  	_ =	shalt  }
0x56: {  	_ =	shalt  }
0x57: {  	_ =	shalt  }
0x58: {  	_ =	shalt  }
0x59: {  	_ =	shalt  }
0x5a: {  	_ =	shalt  }
0x5b: {  	_ =	shalt  }
0x5c: {  	_ =	shalt  }
0x5d: {  	_ =	shalt  }
0x5e: {  	_ =	shalt  }
0x5f: {  	_ =	shalt  }
0x60: {  	_ =	shalt  }
0x61: {  	_ =	shalt  }
0x62: {  	_ =	shalt  }
0x63: {  	_ =	shalt  }
0x64: {  	_ =	shalt  }
0x65: {  	_ =	shalt  }
0x66: {  	_ =	shalt  }
0x67: {  	_ =	shalt  }
0x68: {  	_ =	shalt  }
0x69: {  	_ =	shalt  }
0x6a: {  	_ =	shalt  }
0x6b: {  	_ =	shalt  }
0x6c: {  	_ =	shalt  }
0x6d: {  	_ =	shalt  }
0x6e: {  	_ =	shalt  }
0x6f: {  	_ =	shalt  }
0x70: {  	_ =	shalt  }
0x71: {  	_ =	shalt  }
0x72: {  	_ =	shalt  }
0x73: {  	_ =	shalt  }
0x74: {  	_ =	shalt  }
0x75: {  	_ =	shalt  }
0x76: {  	_ =	shalt  }
0x77: {  	_ =	shalt  }
0x78: {  	_ =	shalt  }
0x79: {  	_ =	shalt  }
0x7a: {  	_ =	shalt  }
0x7b: {  	_ =	shalt  }
0x7c: {  	_ =	shalt  }
0x7d: {  	_ =	shalt  }
0x7e: {  	_ =	shalt  }
0x7f: {  	_ =	shalt  }
0x80: {  	_ =	shalt  }
0x81: {  	_ =	shalt  }
0x82: {  	_ =	shalt  }
0x83: {  	_ =	shalt  }
0x84: {  	_ =	shalt  }
0x85: {  	_ =	shalt  }
0x86: {  	_ =	shalt  }
0x87: {  	_ =	shalt  }
.Lfunc_end0:
.L_simem_size_0:
called_computation_lowered:
.L_overlay_start_0:
0x88: {  	s2 =	sld [smem:$0x3FD9]  }
0x89: {  	s3 =	sld [smem:$0x3FFE];
	_ =	sdelay $0x1  }
0x8a: {  	s1 =	srdreg.scid  }
0x8b: {  	s0 =	sand.u32 $0x1, s1  }
0x8c: {  	s18 =	sshll.u32 s0, $0xA;
	s2 =	sadd.s32 s3, s2  }
0x8d: {  	s2 =	sadd.s32 s2, s18  }
0x8e: {  	[smem:$0x3FC7] =	sst s2  }
0x8f: {  	_ = 	snop  }
0x90: {  	s2 =	sld [smem:$0x3FC9]  }
0x91: {  	s19 =	sld [smem:$0x3FD0];
	(tm) =	ssettm $0x1  }
0x92: {  	s4 =	sld [smem:$0x3FFB];
	_ =	sdelay $0x3  }
0x93: {  	_ =	strace s4  }
0x94: {  	s4 =	sld [smem:$0x3FFC];
	_ =	sdelay $0x3  }
0x95: {  	_ =	strace s4  }
0x96: {  	s4 =	sld [smem:$0x3FFD];
	_ =	sdelay $0x3  }
0x97: {  	_ =	strace s4  }
0x98: {  	_ =	strace $0x8FFFFFFF  }
0x99: {  	s20 =	sld [smem:$0x3FDB];
	_ =	sdelay $0x1  }
0x9a: {  	s5 =	simm.s32 $_scs_section_size  }
0x9b: {  	s6 =	simm.s32 $_size__tile_overlayer_lowered;
	s7 =	simm.s32 $_tile_overlayer_lowered  }
0x9c: {  	s23 =	simm.s32 $0x1BFF;
	s22 =	sshll.u32 s7, $0x1;
	s4 =	sadd.s32 s5, s20  }
0x9d: {  	s8 =	simm.s32 $0x0;
	s21 =	sshll.u32 s6, $0x1;
	s6 =	sadd.s32 s22, s4  }
0x9e: {  	[timem:s8], [sflag:s23] =	dma.local [hbm:s6], s21  }
0x9f: {  	_ =	swait.ge [sflag:s23], s21  }
0xa0: {  	s5 =	ssub.s32 $0x0, s21;
	[sflag:s23] =	ssyncset.done $0x0  }
0xa1: {  	[sflag:s23] =	ssyncadd.s32 s5;
	_ =	sdelay $0x1  }
0xa2: {  	s24 =	simm.s32 $0x1B8B  }
0xa3: {  	_ =	swait.ge [sflag:s24], $0x1  }
0xa4: {  	[sflag:s24] =	ssyncset.done $0x0  }
0xa5: {  	s25 =	simm.s32 $0x1B8E;
	[sflag:s24] =	ssyncadd.s32 $0xFFFFFFFF  }
0xa6: {  	s26 =	simm.s32 $execute0_lowered;
	[smem:$0x3FD2] =	sst s25  }
0xa7: {  	s5 =	sshll.u32 s26, $0x1;
	_ =	strace $0x80000046;
	[dreg:$0x1] =	wrdreg $0xFFFFFFFF  }
0xa8: {  	s28 =	simm.s32 $_size_execute0_lowered;
	s4 =	sadd.s32 s4, s5;
	[dreg:$0x0] =	wrdreg $0x0  }
0xa9: {  	s5 =	sshll.u32 s28, $0x1;
	[dreg:$0x2] =	wrdreg s4  }
0xaa: {  	[dreg:$0x3] =	wrdreg s5  }
0xab: {  	[dreg:$0x4] =	wrdreg $0xC0  }
0xac: {  	_ =	task [dreg:s8], $0x5FFFF  }
0xad: {  	[dreg:$0x1] =	wrdreg $0xFFFFFFFF  }
0xae: {  	[dreg:$0x0] =	wrdreg $0x60  }
0xaf: {  	[dreg:$0x2] =	wrdreg s2  }
0xb0: {  	[dreg:$0x3] =	wrdreg s19  }
0xb1: {  	[dreg:$0x4] =	wrdreg $0x9  }
0xb2: {  	_ =	task.clear_ibuf [dreg:s8], $0x5FFFF;
	_ =	strace $0x90000046  }
0xb3: {  	s29 =	simm.s32 $0x9;
	_ =	strace $0x80000048  }
0xb4: {  	_ =	swait.ge [sflag:s29], $0x1  }
0xb5: {  	[sflag:s29] =	ssyncadd.s32 $0xFFFFFFFF  }
0xb6: {  	_ =	strace $0x90000048  }
0xb7: {  	_ =	sfence  }
0xb8: {  	s30 =	sld [smem:$0x0];
	_ =	sdelay $0x2  }
0xb9: {  	s31 =	sshll.u32 s1, $0xD;
	s1 =	sshrl.u32 s1, $0x2  }
0xba: {  	s3 =	sand.u32 $0x4000, s31;
	s1 =	sadd.s32 s1, s30  }
0xbb: {  	s0 =	sor.u32 s3, s0;
	s1 =	sshll.u32 s1, $0x11  }
0xbc: {  	s0 =	sor.u32 s1, s0  }
0xbd: {  	s0 =	sadd.s32 $0x8F2B, s0  }
0xbe: {  	[sflag:s0] =	ssyncadd.remote.s32 $0x1  }
0xbf: {  	_ =	sfence.sel $0xFFFF  }
0xc0: {  	[dreg:$0x0] =	wrdreg $0xFFFFFFFF;
	(pc) =	sbr.abs _section_cstart, $3  }
0xc1: {  	[dreg:$0x1] =	wrdreg $0xFFFFFFFF  }
0xc2: {  	_ =	task.clear_ibuf [dreg:s8], $0x2FFFF;
	_ =	strace $0x9FFFFFFF  }
0xc3: {  	(tm) =	ssettm $0x7FFFFFFF  }
tec
execute0_lowered:
.L_overlay_start_1:
0x0: {  	(tag) =	ssettag $0x1  }
0x1: {  	s1 =	rddreg [dreg:$0x0]  }
0x2: {  	v16 =	vlaneseq.u32;
	s2 =	srdreg.scid;
	s3 =	rddreg [dreg:$0x1];
	v0 =	vimm.s32 $0x0  }
0x3: {  	s0 =	stileid.u32;
	v3 =	vimm.s32 $0x80000000;
	s4 =	simm.s32 $0x0;
	s9 =	simm.s32 $0x400;
	v2 =	vand.u32 $0x7, v16;
	v1 =	vmul.u32 $0x10, v16  }
0x4: {  	v4 =	vimm.s32 $0x1;
	s10 =	simm.s32 $0x1;
	s11 =	simm.s32 $0x10000;
	s12 =	simm.s32 $0x12280;
	v21 =	vmul.u32 $0xFFFFFFFF, v16;
	v5 =	vmul.u32 $0x10, v2  }
0x5: {  	s13 =	simm.s32 $0x12000;
	s14 =	simm.s32 $0x2;
	s15 =	simm.s32 $0x0;
	v2 =	vimm.f32 $-Inf;
	v6 =	vor.u32 $0x1, v1;
	v7 =	vor.u32 $0x2, v1  }
.Ltmp0:
0x6: {  	s5 =	sand.u32 $0x1, s2;
	s2 =	rddreg [dreg:$0x2];
	v8 =	vor.u32 $0x3, v1;
	v9 =	vor.u32 $0x4, v1;
	v10 =	vor.u32 $0x5, v1;
	(pc) =	sbr.rel .LBB2_1-.Ltmp0, $4  }
0x7: {  	s6 =	sshll.u32 s0, $0x6;
	s7 =	sshll.u32 s5, $0x5;
	s8 =	ssub.s32 $0x2, s5;
	v11 =	vor.u32 $0x6, v1;
	v12 =	vor.u32 $0x7, v1;
	v13 =	vor.u32 $0x8, v1  }
0x8: {  	[smem:$0x7FF] =	sst s4;
	s5 =	sor.u32 s7, s6;
	s31 =	sshrl.u32 s8, $0x1;
	v14 =	vor.u32 $0x9, v1;
	v15 =	vor.u32 $0xA, v1;
	v16 =	vor.u32 $0xB, v1  }
0x9: {  	_ =	strace $0x80000047;
	v17 =	vor.u32 $0xC, v1;
	v18 =	vor.u32 $0xD, v1;
	v19 =	vor.u32 $0xE, v1;
	s7 =	sshll.u32 s5, $0xC;
	s8 =	ssub.s32 s8, s31  }
0xa: {  	v20 =	vor.u32 $0xF, v1;
	v21 =	vadd.s32 $0xF, v21;
	v5 =	vor.u32 $0xFFFFFF80, v5;
	s6 =	sadd.s32 s1, s7;
	s7 =	smax.u32 s8, $0x1;
	s8 =	simm.s32 $0x80  }
.LBB2_17:
0xb: {  	s15 =	sadd.s32 $0x1, s15  }
0xc: {  	_ =	swait.ge [sflag:s14], $0x100;
	p0 =	sne.s32 s15, s7  }
.Ltmp1:
0xd: {  	[sflag:s14] =	ssyncset.done $0x0;
	(pc) =	sbr.rel @!p0 .LBB2_18-.Ltmp1, $4  }
0xe: {  	[sflag:s14] =	ssyncadd.s32 $0xFFFFFF00  }
0xf: {  	_ =	swait.ge [sflag:s14], $0x100  }
0x10: {  	[sflag:s14] =	ssyncset.done $0x0  }
0x11: {  	[sflag:s14] =	ssyncadd.s32 $0xFFFFFF00  }
.LBB2_1:
.Ltmp2:
0x12: {  	(pc) =	sbr.rel .LBB2_2-.Ltmp2, $3  }
0x13: {  	_ =	sdelay $0x1  }
0x14: {  	[tilespmem:$0x12200] =	vst v0;
	p0 =	por $0x0, $0x0;
	s16 =	simm.s32 $0x0  }
0x15: {  	v22 =	vimm.s32 $0x1FFF;
	[tilespmem:s4], [sflag:$0x1] =	stream.strided.gather [hbm4b:s6+s8], $0x8000, s9, s8, $0x38;
	[tilespmem:$0x12680] =	vst v63  }
.LBB2_16:
0x16: {  	v23 =	vld [tilespmem:$0x12280]  }
0x17: {  	v24 =	vld [tilespmem:$0x12290]  }
0x18: {  	v25 =	vld [tilespmem:$0x122A0]  }
0x19: {  	v26 =	vld [tilespmem:$0x122B0]  }
0x1a: {  	v27 =	vld [tilespmem:$0x122C0]  }
0x1b: {  	v28 =	vld [tilespmem:$0x122D0];
	(xrf1) =	vsort.dscd.msk.f32 $0xffff, v23, v23  }
0x1c: {  	v23 =	vld [tilespmem:$0x122E0];
	(xrf1) =	vsort.ascd.msk.f32 $0xffff, v24, v24  }
0x1d: {  	v37 =	vld [tilespmem:$0x122F0];
	(xrf1) =	vsort.dscd.msk.f32 $0xffff, v25, v25  }
0x1e: {  	v38 =	vld [tilespmem:$0x12300];
	(xrf1) =	vsort.ascd.msk.f32 $0xffff, v26, v26  }
0x1f: {  	v39 =	vld [tilespmem:$0x12310];
	(xrf1) =	vsort.dscd.msk.f32 $0xffff, v27, v27  }
0x20: {  	v40 =	vld [tilespmem:$0x12320];
	(xrf1) =	vsort.ascd.msk.f32 $0xffff, v28, v28  }
0x21: {  	v41 =	vld [tilespmem:$0x12330];
	(xrf1) =	vsort.dscd.msk.f32 $0xffff, v23, v23  }
0x22: {  	v23 =	vld [tilespmem:$0x12340];
	(xrf1) =	vsort.ascd.msk.f32 $0xffff, v37, v37  }
0x23: {  	v42 =	vld [tilespmem:$0x12350];
	(xrf1) =	vsort.dscd.msk.f32 $0xffff, v38, v38  }
0x24: {  	v43 =	vld [tilespmem:$0x12360];
	(xrf1) =	vsort.ascd.msk.f32 $0xffff, v39, v39  }
0x25: {  	v44 =	vld [tilespmem:$0x12370];
	(xrf1) =	vsort.dscd.msk.f32 $0xffff, v40, v40  }
0x26: {  	v45 =	vld [tilespmem:$0x12380];
	(xrf1) =	vsort.ascd.msk.f32 $0xffff, v41, v41  }
0x27: {  	v46 =	vld [tilespmem:$0x12390];
	(xrf1) =	vsort.dscd.msk.f32 $0xffff, v23, v23  }
0x28: {  	v23 =	vld [tilespmem:$0x123A0];
	(xrf1) =	vsort.ascd.msk.f32 $0xffff, v42, v42  }
0x29: {  	v47 =	vld [tilespmem:$0x123B0];
	v29, _, _ =	vpop (xrf1);
	(xrf1) =	vsort.dscd.msk.f32 $0xffff, v43, v43  }
0x2a: {  	v48 =	vld [tilespmem:$0x123C0];
	v30, _, _ =	vpop (xrf1);
	(xrf1) =	vsort.ascd.msk.f32 $0xffff, v44, v44  }
0x2b: {  	v49 =	vld [tilespmem:$0x123D0];
	v31, _, _ =	vpop (xrf1);
	(xrf1) =	vsort.dscd.msk.f32 $0xffff, v45, v45  }
0x2c: {  	v50 =	vld [tilespmem:$0x123E0];
	v32, _, _ =	vpop (xrf1);
	(xrf1) =	vsort.ascd.msk.f32 $0xffff, v46, v46  }
0x2d: {  	v51 =	vld [tilespmem:$0x123F0];
	v33, _, _ =	vpop (xrf1);
	(xrf1) =	vsort.dscd.msk.f32 $0xffff, v23, v23  }
0x2e: {  	v23 =	vld [tilespmem:$0x12400];
	v34, _, _ =	vpop (xrf1);
	(xrf1) =	vsort.ascd.msk.f32 $0xffff, v47, v47  }
0x2f: {  	v52 =	vld [tilespmem:$0x12410];
	v35, _, _ =	vpop (xrf1);
	(xrf1) =	vsort.dscd.msk.f32 $0xffff, v48, v48  }
0x30: {  	v53 =	vld [tilespmem:$0x12420];
	v36, _, _ =	vpop (xrf1);
	(xrf1) =	vsort.ascd.msk.f32 $0xffff, v49, v49  }
0x31: {  	v54 =	vld [tilespmem:$0x12430];
	v37, _, _ =	vpop (xrf1);
	(xrf1) =	vsort.dscd.msk.f32 $0xffff, v50, v50  }
0x32: {  	v55 =	vld [tilespmem:$0x12440];
	v38, _, _ =	vpop (xrf1);
	(xrf1) =	vsort.ascd.msk.f32 $0xffff, v51, v51  }
0x33: {  	v56 =	vld [tilespmem:$0x12450];
	v39, _, _ =	vpop (xrf1);
	(xrf1) =	vsort.dscd.msk.f32 $0xffff, v23, v23  }
0x34: {  	v23 =	vld [tilespmem:$0x12460];
	v40, _, _ =	vpop (xrf1);
	(xrf1) =	vsort.ascd.msk.f32 $0xffff, v52, v52  }
0x35: {  	v57 =	vld [tilespmem:$0x12470];
	v41, _, _ =	vpop (xrf1);
	(xrf1) =	vsort.dscd.msk.f32 $0xffff, v53, v53  }
0x36: {  	v58, _, _ =	vpop (xrf1);
	(xrf1) =	vsort.ascd.msk.f32 $0xffff, v54, v54  }
0x37: {  	v59, _, _ =	vpop (xrf1);
	(xrf1) =	vsort.dscd.msk.f32 $0xffff, v55, v55  }
0x38: {  	v60, _, _ =	vpop (xrf1);
	(xrf1) =	vsort.ascd.msk.f32 $0xffff, v56, v56  }
0x39: {  	v45, _, _ =	vpop (xrf1);
	(xrf1) =	vsort.dscd.msk.f32 $0xffff, v23, v23  }
0x3a: {  	v50 =	vmax.f32 v29, v30;
	v23, _, _ =	vpop (xrf1);
	(xrf1) =	vsort.ascd.msk.f32 $0xffff, v57, v57  }
0x3b: {  	v29 =	vmin.f32 v29, v30;
	v42, _, _ =	vpop (xrf1);
	(xrf1) =	vsort.dscd.msk.f32 $0xffff, v50, v50  }
0x3c: {  	v61 =	vmin.f32 v31, v32;
	v31 =	vmax.f32 v31, v32;
	v51, _, _ =	vpop (xrf1);
	(xrf1) =	vsort.dscd.msk.f32 $0xffff, v29, v29  }
0x3d: {  	v62, _, _ =	vpop (xrf1);
	(xrf1) =	vsort.ascd.msk.f32 $0xffff, v61, v61  }
0x3e: {  	v46 =	vmax.f32 v33, v34;
	v63, _, _ =	vpop (xrf1);
	(xrf1) =	vsort.ascd.msk.f32 $0xffff, v31, v31  }
0x3f: {  	v33 =	vmin.f32 v33, v34;
	v31, _, _ =	vpop (xrf1);
	(xrf1) =	vsort.dscd.msk.f32 $0xffff, v46, v46  }
0x40: {  	v48 =	vmin.f32 v35, v36;
	v35 =	vmax.f32 v35, v36;
	v47, _, _ =	vpop (xrf1);
	(xrf1) =	vsort.dscd.msk.f32 $0xffff, v33, v33  }
0x41: {  	v49, _, _ =	vpop (xrf1);
	(xrf1) =	vsort.ascd.msk.f32 $0xffff, v48, v48  }
0x42: {  	v52 =	vmax.f32 v37, v38;
	v37 =	vmin.f32 v37, v38;
	v50, _, _ =	vpop (xrf1);
	(xrf1) =	vsort.ascd.msk.f32 $0xffff, v35, v35  }
0x43: {  	v35, _, _ =	vpop (xrf1);
	(xrf1) =	vsort.dscd.msk.f32 $0xffff, v52, v52  }
0x44: {  	v53 =	vmin.f32 v39, v40;
	v36, _, _ =	vpop (xrf1);
	(xrf1) =	vsort.dscd.msk.f32 $0xffff, v37, v37  }
0x45: {  	v39 =	vmax.f32 v39, v40;
	v37, _, _ =	vpop (xrf1);
	(xrf1) =	vsort.ascd.msk.f32 $0xffff, v53, v53  }
0x46: {  	v54 =	vmax.f32 v41, v58;
	v38, _, _ =	vpop (xrf1);
	(xrf1) =	vsort.ascd.msk.f32 $0xffff, v39, v39  }
0x47: {  	v25 =	vmin.f32 v41, v58;
	v55, _, _ =	vpop (xrf1);
	(xrf1) =	vsort.dscd.msk.f32 $0xffff, v54, v54  }
0x48: {  	v57 =	vmin.f32 v59, v60;
	v56, _, _ =	vpop (xrf1);
	(xrf1) =	vsort.dscd.msk.f32 $0xffff, v25, v25  }
0x49: {  	v58 =	vmax.f32 v59, v60;
	v59, _, _ =	vpop (xrf1);
	(xrf1) =	vsort.ascd.msk.f32 $0xffff, v57, v57  }
0x4a: {  	v60 =	vmax.f32 v45, v23;
	v41, _, _ =	vpop (xrf1);
	(xrf1) =	vsort.ascd.msk.f32 $0xffff, v58, v58  }
0x4b: {  	v23 =	vmin.f32 v45, v23;
	v61, _, _ =	vpop (xrf1);
	(xrf1) =	vsort.dscd.msk.f32 $0xffff, v60, v60  }
0x4c: {  	v45 =	vmin.f32 v42, v51;
	v46, _, _ =	vpop (xrf1);
	(xrf1) =	vsort.dscd.msk.f32 $0xffff, v23, v23  }
0x4d: {  	v23 =	vmax.f32 v42, v51;
	v24, _, _ =	vpop (xrf1);
	(xrf1) =	vsort.ascd.msk.f32 $0xffff, v45, v45  }
0x4e: {  	v51 =	vmax.f32 v62, v63;
	v42, _, _ =	vpop (xrf1);
	(xrf1) =	vsort.ascd.msk.f32 $0xffff, v23, v23  }
0x4f: {  	v23 =	vmin.f32 v62, v63;
	v52, _, _ =	vpop (xrf1);
	(xrf1) =	vsort.dscd.msk.f32 $0xffff, v51, v51  }
0x50: {  	v62 =	vmin.f32 v31, v47;
	v63, _, _ =	vpop (xrf1);
	(xrf1) =	vsort.dscd.msk.f32 $0xffff, v23, v23  }
0x51: {  	v23 =	vmax.f32 v31, v47;
	v31, _, _ =	vpop (xrf1);
	(xrf1) =	vsort.ascd.msk.f32 $0xffff, v62, v62  }
0x52: {  	v47 =	vmax.f32 v49, v50;
	v32, _, _ =	vpop (xrf1);
	(xrf1) =	vsort.ascd.msk.f32 $0xffff, v23, v23  }
0x53: {  	v23 =	vmin.f32 v49, v50;
	v48, _, _ =	vpop (xrf1);
	(xrf1) =	vsort.dscd.msk.f32 $0xffff, v47, v47  }
0x54: {  	v49 =	vmin.f32 v35, v36;
	v50, _, _ =	vpop (xrf1);
	(xrf1) =	vsort.dscd.msk.f32 $0xffff, v23, v23  }
0x55: {  	v23 =	vmax.f32 v35, v36;
	v35, _, _ =	vpop (xrf1);
	(xrf1) =	vsort.ascd.msk.f32 $0xffff, v49, v49  }
0x56: {  	v53 =	vmax.f32 v37, v38;
	v36, _, _ =	vpop (xrf1);
	(xrf1) =	vsort.ascd.msk.f32 $0xffff, v23, v23;
	v23 =	vmin.f32 v37, v38  }
0x57: {  	v54 =	vmax.f32 v55, v56;
	v55 =	vmin.f32 v55, v56;
	v37, _, _ =	vpop (xrf1);
	(xrf1) =	vsort.dscd.msk.f32 $0xffff, v53, v53  }
0x58: {  	v57 =	vmax.f32 v59, v61;
	v25 =	vmin.f32 v59, v61;
	v56, _, _ =	vpop (xrf1);
	(xrf1) =	vsort.dscd.msk.f32 $0xffff, v23, v23  }
0x59: {  	v58 =	vmax.f32 v41, v46;
	v28 =	vmin.f32 v41, v46;
	v23, _, _ =	vpop (xrf1);
	(xrf1) =	vsort.ascd.msk.f32 $0xffff, v55, v55  }
0x5a: {  	v59 =	vmax.f32 v57, v58;
	v38 =	vmin.f32 v57, v58;
	v43, _, _ =	vpop (xrf1);
	(xrf1) =	vsort.ascd.msk.f32 $0xffff, v54, v54  }
0x5b: {  	v41 =	vmax.f32 v25, v28;
	v60, _, _ =	vpop (xrf1);
	(xrf1) =	vsort.dscd.msk.f32 $0xffff, v59, v59  }
0x5c: {  	v25 =	vmin.f32 v25, v28;
	v51 =	vmin.f32 v24, v52;
	v61, _, _ =	vpop (xrf1);
	(xrf1) =	vsort.dscd.msk.f32 $0xffff, v38, v38  }
0x5d: {  	v24 =	vmax.f32 v24, v52;
	v44 =	vmin.f32 v42, v63;
	v38, _, _ =	vpop (xrf1);
	(xrf1) =	vsort.dscd.msk.f32 $0xffff, v41, v41  }
0x5e: {  	v52 =	vmin.f32 v51, v44;
	v40 =	vmax.f32 v51, v44;
	v28, _, _ =	vpop (xrf1);
	(xrf1) =	vsort.dscd.msk.f32 $0xffff, v25, v25  }
0x5f: {  	v30 =	vmax.f32 v42, v63;
	v53, _, _ =	vpop (xrf1);
	(xrf1) =	vsort.ascd.msk.f32 $0xffff, v52, v52  }
0x60: {  	v42 =	vmin.f32 v24, v30;
	v24 =	vmax.f32 v24, v30;
	v54, _, _ =	vpop (xrf1);
	(xrf1) =	vsort.ascd.msk.f32 $0xffff, v40, v40  }
0x61: {  	v62 =	vmax.f32 v31, v48;
	v63 =	vmax.f32 v32, v50;
	v40, _, _ =	vpop (xrf1);
	(xrf1) =	vsort.ascd.msk.f32 $0xffff, v42, v42  }
0x62: {  	v31 =	vmin.f32 v31, v48;
	v48 =	vmax.f32 v62, v63;
	v30, _, _ =	vpop (xrf1);
	(xrf1) =	vsort.ascd.msk.f32 $0xffff, v24, v24  }
0x63: {  	v32 =	vmin.f32 v32, v50;
	v49 =	vmin.f32 v62, v63;
	v24, _, _ =	vpop (xrf1);
	(xrf1) =	vsort.dscd.msk.f32 $0xffff, v48, v48  }
0x64: {  	v51 =	vmax.f32 v31, v32;
	v31 =	vmin.f32 v31, v32;
	v33, _, _ =	vpop (xrf1);
	(xrf1) =	vsort.dscd.msk.f32 $0xffff, v49, v49  }
0x65: {  	v50 =	vmin.f32 v35, v37;
	v63 =	vmin.f32 v36, v56;
	v52, _, _ =	vpop (xrf1);
	(xrf1) =	vsort.dscd.msk.f32 $0xffff, v51, v51  }
0x66: {  	v36 =	vmax.f32 v36, v56;
	v42 =	vmin.f32 v50, v63;
	v32, _, _ =	vpop (xrf1);
	(xrf1) =	vsort.dscd.msk.f32 $0xffff, v31, v31  }
0x67: {  	v35 =	vmax.f32 v35, v37;
	v46 =	vmax.f32 v50, v63;
	v45, _, _ =	vpop (xrf1);
	(xrf1) =	vsort.ascd.msk.f32 $0xffff, v42, v42  }
0x68: {  	v56 =	vmin.f32 v35, v36;
	v35 =	vmax.f32 v35, v36;
	v47, _, _ =	vpop (xrf1);
	(xrf1) =	vsort.ascd.msk.f32 $0xffff, v46, v46  }
0x69: {  	v55 =	vmax.f32 v23, v60;
	v57 =	vmax.f32 v43, v61;
	v36, _, _ =	vpop (xrf1);
	(xrf1) =	vsort.ascd.msk.f32 $0xffff, v56, v56  }
0x6a: {  	v23 =	vmin.f32 v23, v60;
	v58 =	vmax.f32 v55, v57;
	v42, _, _ =	vpop (xrf1);
	(xrf1) =	vsort.ascd.msk.f32 $0xffff, v35, v35  }
0x6b: {  	v26 =	vmin.f32 v43, v61;
	v59 =	vmin.f32 v55, v57;
	v39, _, _ =	vpop (xrf1);
	(xrf1) =	vsort.dscd.msk.f32 $0xffff, v58, v58  }
0x6c: {  	v61 =	vmax.f32 v23, v26;
	v23 =	vmin.f32 v23, v26;
	v43, _, _ =	vpop (xrf1);
	(xrf1) =	vsort.dscd.msk.f32 $0xffff, v59, v59  }
0x6d: {  	v60 =	vmin.f32 v38, v53;
	v62 =	vmin.f32 v28, v54;
	v63, _, _ =	vpop (xrf1);
	(xrf1) =	vsort.dscd.msk.f32 $0xffff, v61, v61  }
0x6e: {  	v25 =	vmax.f32 v38, v53;
	v48 =	vmin.f32 v60, v62;
	v49, _, _ =	vpop (xrf1);
	(xrf1) =	vsort.dscd.msk.f32 $0xffff, v23, v23  }
0x6f: {  	v27 =	vmax.f32 v60, v62;
	v23 =	vmax.f32 v28, v54;
	v50, _, _ =	vpop (xrf1);
	(xrf1) =	vsort.ascd.msk.f32 $0xffff, v48, v48  }
0x70: {  	v53 =	vmax.f32 v40, v24;
	v54 =	vmin.f32 v25, v23;
	v38, _, _ =	vpop (xrf1);
	(xrf1) =	vsort.ascd.msk.f32 $0xffff, v27, v27  }
0x71: {  	v55 =	vmax.f32 v30, v33;
	v23 =	vmax.f32 v25, v23;
	v25, _, _ =	vpop (xrf1);
	(xrf1) =	vsort.ascd.msk.f32 $0xffff, v54, v54  }
0x72: {  	v24 =	vmin.f32 v40, v24;
	v56 =	vmax.f32 v53, v55;
	v40, _, _ =	vpop (xrf1);
	(xrf1) =	vsort.ascd.msk.f32 $0xffff, v23, v23  }
0x73: {  	v27 =	vmin.f32 v53, v55;
	v23 =	vmin.f32 v30, v33;
	v29, _, _ =	vpop (xrf1);
	(xrf1) =	vsort.dscd.msk.f32 $0xffff, v56, v56  }
0x74: {  	v57 =	vmin.f32 v52, v45;
	v33 =	vmax.f32 v24, v23;
	v35, _, _ =	vpop (xrf1);
	(xrf1) =	vsort.dscd.msk.f32 $0xffff, v27, v27  }
0x75: {  	v58 =	vmin.f32 v32, v47;
	v23 =	vmin.f32 v24, v23;
	v59, _, _ =	vpop (xrf1);
	(xrf1) =	vsort.dscd.msk.f32 $0xffff, v33, v33  }
0x76: {  	v31 =	vmax.f32 v52, v45;
	v51 =	vmin.f32 v57, v58;
	v52, _, _ =	vpop (xrf1);
	(xrf1) =	vsort.dscd.msk.f32 $0xffff, v23, v23  }
0x77: {  	v27 =	vmax.f32 v57, v58;
	v23 =	vmax.f32 v32, v47;
	v53, _, _ =	vpop (xrf1);
	(xrf1) =	vsort.ascd.msk.f32 $0xffff, v51, v51  }
0x78: {  	v32 =	vmin.f32 v31, v23;
	v23 =	vmax.f32 v31, v23;
	v54, _, _ =	vpop (xrf1);
	(xrf1) =	vsort.ascd.msk.f32 $0xffff, v27, v27  }
0x79: {  	v55, _, _ =	vpop (xrf1)  }
0x7a: {  	(xrf1) =	vsort.ascd.msk.f32 $0xffff, v32, v32;
	v31, _, _ =	vpop (xrf1)  }
0x7b: {  	(xrf1) =	vsort.ascd.msk.f32 $0xffff, v23, v23;
	v23, _, _ =	vpop (xrf1)  }
0x7c: {  	v46 =	vmax.f32 v36, v63;
	v26 =	vmin.f32 v36, v63;
	v62 =	vmax.f32 v42, v49;
	v56, _, _ =	vpop (xrf1)  }
0x7d: {  	v41 =	vmin.f32 v42, v49;
	v63 =	vmax.f32 v39, v50;
	v28 =	vmin.f32 v39, v50;
	v60, _, _ =	vpop (xrf1)  }
0x7e: {  	v48 =	vmax.f32 v43, v38;
	v38 =	vmin.f32 v43, v38;
	v42 =	vmin.f32 v46, v63;
	v61, _, _ =	vpop (xrf1)  }
0x7f: {  	v36 =	vmin.f32 v62, v48;
	v43 =	vmax.f32 v25, v59;
	v24 =	vmin.f32 v25, v59;
	v45, _, _ =	vpop (xrf1)  }
0x80: {  	v25 =	vmax.f32 v40, v52;
	v34 =	vmin.f32 v40, v52;
	v50 =	vmax.f32 v29, v53;
	v47, _, _ =	vpop (xrf1)  }
0x81: {  	v29 =	vmin.f32 v29, v53;
	v30 =	vmax.f32 v35, v54;
	v33 =	vmin.f32 v35, v54;
	v57, _, _ =	vpop (xrf1)  }
0x82: {  	v35 =	vmax.f32 v55, v60;
	v27 =	vmin.f32 v55, v60;
	v52 =	vmax.f32 v31, v61;
	v49, _, _ =	vpop (xrf1)  }
0x83: {  	v31 =	vmin.f32 v31, v61;
	v44 =	vmax.f32 v23, v45;
	v23 =	vmin.f32 v23, v45;
	v58, _, _ =	vpop (xrf1)  }
0x84: {  	v45 =	vmax.f32 v56, v47;
	v32 =	vmin.f32 v56, v47;
	v56 =	vmax.f32 v46, v63;
	v51, _, _ =	vpop (xrf1)  }
0x85: {  	v63 =	vmax.f32 v26, v28;
	v26 =	vmin.f32 v26, v28;
	v46 =	vmin.f32 v43, v50;
	v59, _, _ =	vpop (xrf1)  }
0x86: {  	v53, _, _ =	vpop (xrf1);
	v54 =	vmax.f32 v57, v59;
	v37 =	vmin.f32 v57, v59;
	v57 =	vmax.f32 v62, v48  }
0x87: {  	v39 =	vmax.f32 v49, v53;
	v49 =	vmin.f32 v49, v53;
	v61 =	vmax.f32 v56, v57  }
0x88: {  	v60, _, _ =	vpop (xrf1);
	v62 =	vmin.f32 v56, v57;
	v57 =	vmax.f32 v42, v36;
	(xrf1) =	vsort.dscd.msk.f32 $0xffff, v61, v61  }
0x89: {  	v36 =	vmin.f32 v42, v36;
	v53 =	vmax.f32 v58, v60;
	(xrf1) =	vsort.dscd.msk.f32 $0xffff, v62, v62  }
0x8a: {  	v40 =	vmin.f32 v58, v60;
	v58 =	vmax.f32 v41, v38;
	(xrf1) =	vsort.dscd.msk.f32 $0xffff, v57, v57  }
0x8b: {  	v50 =	vmax.f32 v43, v50;
	v59 =	vmax.f32 v63, v58;
	(xrf1) =	vsort.dscd.msk.f32 $0xffff, v36, v36  }
0x8c: {  	v60 =	vmin.f32 v41, v38;
	v61 =	vmin.f32 v63, v58;
	(xrf1) =	vsort.dscd.msk.f32 $0xffff, v59, v59  }
0x8d: {  	v62 =	vmin.f32 v24, v29;
	v41 =	vmax.f32 v26, v60;
	(xrf1) =	vsort.dscd.msk.f32 $0xffff, v61, v61  }
0x8e: {  	v63 =	vmin.f32 v34, v33;
	v26 =	vmin.f32 v26, v60;
	(xrf1) =	vsort.dscd.msk.f32 $0xffff, v41, v41  }
0x8f: {  	v42 =	vmax.f32 v34, v33;
	v41 =	vmin.f32 v62, v63;
	(xrf1) =	vsort.dscd.msk.f32 $0xffff, v26, v26  }
0x90: {  	v24 =	vmax.f32 v24, v29;
	v28 =	vmax.f32 v62, v63;
	(xrf1) =	vsort.ascd.msk.f32 $0xffff, v41, v41  }
0x91: {  	v48 =	vmin.f32 v25, v30;
	v55, _, _ =	vpop (xrf1);
	v33 =	vmin.f32 v24, v42;
	(xrf1) =	vsort.ascd.msk.f32 $0xffff, v28, v28  }
0x92: {  	v47 =	vmax.f32 v51, v55;
	v24 =	vmax.f32 v24, v42;
	(xrf1) =	vsort.ascd.msk.f32 $0xffff, v33, v33  }
0x93: {  	v51 =	vmin.f32 v51, v55;
	v55 =	vmin.f32 v46, v48;
	(xrf1) =	vsort.ascd.msk.f32 $0xffff, v24, v24  }
0x94: {  	v56 =	vmax.f32 v25, v30;
	v57 =	vmax.f32 v46, v48;
	(xrf1) =	vsort.ascd.msk.f32 $0xffff, v55, v55  }
0x95: {  	v58 =	vmax.f32 v35, v44;
	v59 =	vmin.f32 v50, v56;
	(xrf1) =	vsort.ascd.msk.f32 $0xffff, v57, v57  }
0x96: {  	v60 =	vmax.f32 v52, v45;
	v24 =	vmax.f32 v50, v56;
	v26, _, _ =	vpop (xrf1);
	(xrf1) =	vsort.ascd.msk.f32 $0xffff, v59, v59  }
0x97: {  	v25 =	vmin.f32 v58, v60;
	v62 =	vmax.f32 v58, v60;
	v33, _, _ =	vpop (xrf1);
	(xrf1) =	vsort.ascd.msk.f32 $0xffff, v24, v24  }
0x98: {  	v61 =	vmin.f32 v35, v44;
	v63 =	vmin.f32 v52, v45;
	v28, _, _ =	vpop (xrf1);
	(xrf1) =	vsort.dscd.msk.f32 $0xffff, v62, v62  }
0x99: {  	v36 =	vmax.f32 v27, v23;
	v38 =	vmax.f32 v61, v63;
	v35, _, _ =	vpop (xrf1);
	(xrf1) =	vsort.dscd.msk.f32 $0xffff, v25, v25  }
0x9a: {  	v41 =	vmax.f32 v31, v32;
	v24 =	vmin.f32 v61, v63;
	v29, _, _ =	vpop (xrf1);
	(xrf1) =	vsort.dscd.msk.f32 $0xffff, v38, v38  }
0x9b: {  	v43 =	vmin.f32 v31, v32;
	v42 =	vmax.f32 v36, v41;
	v34, _, _ =	vpop (xrf1);
	(xrf1) =	vsort.dscd.msk.f32 $0xffff, v24, v24  }
0x9c: {  	v23 =	vmin.f32 v27, v23;
	v25 =	vmin.f32 v36, v41;
	v30, _, _ =	vpop (xrf1);
	(xrf1) =	vsort.dscd.msk.f32 $0xffff, v42, v42  }
0x9d: {  	v44 =	vmin.f32 v37, v40;
	v31 =	vmax.f32 v23, v43;
	v32, _, _ =	vpop (xrf1);
	(xrf1) =	vsort.dscd.msk.f32 $0xffff, v25, v25  }
0x9e: {  	v45 =	vmin.f32 v49, v51;
	v23 =	vmin.f32 v23, v43;
	v24, _, _ =	vpop (xrf1);
	(xrf1) =	vsort.dscd.msk.f32 $0xffff, v31, v31  }
0x9f: {  	v46 =	vmax.f32 v37, v40;
	v48 =	vmin.f32 v44, v45;
	v50, _, _ =	vpop (xrf1);
	(xrf1) =	vsort.dscd.msk.f32 $0xffff, v23, v23  }
0xa0: {  	v25 =	vmax.f32 v44, v45;
	v23 =	vmax.f32 v49, v51;
	v27, _, _ =	vpop (xrf1);
	(xrf1) =	vsort.ascd.msk.f32 $0xffff, v48, v48  }
0xa1: {  	v56 =	vmin.f32 v54, v53;
	v57 =	vmin.f32 v46, v23;
	v58, _, _ =	vpop (xrf1);
	(xrf1) =	vsort.ascd.msk.f32 $0xffff, v25, v25  }
0xa2: {  	v51 =	vmin.f32 v39, v47;
	v23 =	vmax.f32 v46, v23;
	v52, _, _ =	vpop (xrf1);
	(xrf1) =	vsort.ascd.msk.f32 $0xffff, v57, v57  }
0xa3: {  	v53 =	vmax.f32 v54, v53;
	v54 =	vmin.f32 v56, v51;
	v55, _, _ =	vpop (xrf1);
	(xrf1) =	vsort.ascd.msk.f32 $0xffff, v23, v23  }
0xa4: {  	v23 =	vmax.f32 v39, v47;
	v59, _, _ =	vpop (xrf1);
	(xrf1) =	vsort.ascd.msk.f32 $0xffff, v54, v54  }
0xa5: {  	v25 =	vmax.f32 v56, v51;
	v39 =	vmin.f32 v53, v23;
	v23 =	vmax.f32 v53, v23;
	v60, _, _ =	vpop (xrf1)  }
0xa6: {  	(xrf1) =	vsort.ascd.msk.f32 $0xffff, v25, v25;
	v61, _, _ =	vpop (xrf1)  }
0xa7: {  	(xrf1) =	vsort.ascd.msk.f32 $0xffff, v39, v39;
	v62, _, _ =	vpop (xrf1)  }
0xa8: {  	(xrf1) =	vsort.ascd.msk.f32 $0xffff, v23, v23;
	v23, _, _ =	vpop (xrf1)  }
0xa9: {  	v63, _, _ =	vpop (xrf1)  }
0xaa: {  	v46 =	vmax.f32 v26, v24;
	v24 =	vmin.f32 v26, v24;
	v43, _, _ =	vpop (xrf1)  }
0xab: {  	v37 =	vmax.f32 v28, v27;
	v27 =	vmin.f32 v28, v27;
	v28 =	vmax.f32 v35, v58;
	v44, _, _ =	vpop (xrf1)  }
0xac: {  	v35 =	vmin.f32 v35, v58;
	v47 =	vmax.f32 v33, v50;
	v33 =	vmin.f32 v33, v50;
	v45, _, _ =	vpop (xrf1)  }
0xad: {  	v49 =	vmax.f32 v29, v52;
	v29 =	vmin.f32 v29, v52;
	v31 =	vmax.f32 v34, v55;
	v26, _, _ =	vpop (xrf1)  }
0xae: {  	v34 =	vmin.f32 v34, v55;
	v52 =	vmax.f32 v46, v49;
	v46 =	vmin.f32 v46, v49;
	v56, _, _ =	vpop (xrf1)  }
0xaf: {  	v42 =	vmax.f32 v30, v59;
	v30 =	vmin.f32 v30, v59;
	v49 =	vmax.f32 v47, v31;
	v57, _, _ =	vpop (xrf1)  }
0xb0: {  	v31 =	vmin.f32 v47, v31;
	v51 =	vmax.f32 v32, v60;
	v32 =	vmin.f32 v32, v60;
	v58, _, _ =	vpop (xrf1)  }
0xb1: {  	v41 =	vmax.f32 v61, v56;
	v25 =	vmin.f32 v61, v56;
	v48 =	vmax.f32 v62, v57;
	v59, _, _ =	vpop (xrf1)  }
0xb2: {  	v38 =	vmin.f32 v62, v57;
	v53 =	vmax.f32 v23, v58;
	v23 =	vmin.f32 v23, v58;
	v60, _, _ =	vpop (xrf1)  }
0xb3: {  	v50 =	vmax.f32 v63, v59;
	v36 =	vmin.f32 v63, v59;
	v63 =	vmax.f32 v43, v60  }
0xb4: {  	v61, _, _ =	vpop (xrf1);
	v43 =	vmin.f32 v43, v60;
	v60 =	vmax.f32 v37, v42;
	v37 =	vmin.f32 v37, v42  }
0xb5: {  	v58 =	vmax.f32 v44, v61;
	v40 =	vmin.f32 v44, v61;
	v61 =	vmax.f32 v28, v51  }
0xb6: {  	v28 =	vmin.f32 v28, v51;
	v51 =	vmax.f32 v24, v29;
	v24 =	vmin.f32 v24, v29  }
0xb7: {  	v29 =	vmax.f32 v33, v34;
	v33 =	vmin.f32 v33, v34;
	v34 =	vmax.f32 v27, v30  }
0xb8: {  	v27 =	vmin.f32 v27, v30;
	v30 =	vmax.f32 v35, v32;
	v32 =	vmin.f32 v35, v32  }
0xb9: {  	v62, _, _ =	vpop (xrf1);
	v35 =	vmax.f32 v25, v43;
	v25 =	vmin.f32 v25, v43;
	v39 =	vmin.f32 v41, v63  }
0xba: {  	v47 =	vmin.f32 v52, v60;
	v59 =	vmax.f32 v45, v62;
	v45 =	vmin.f32 v45, v62  }
0xbb: {  	v43 =	vmax.f32 v38, v40;
	v38 =	vmin.f32 v38, v40;
	v62 =	vmax.f32 v52, v60  }
0xbc: {  	v57, _, _ =	vpop (xrf1);
	v42 =	vmin.f32 v49, v61;
	v52 =	vmax.f32 v33, v32;
	v56 =	vmin.f32 v33, v32  }
0xbd: {  	v54 =	vmax.f32 v26, v57;
	v26 =	vmin.f32 v26, v57;
	v40 =	vmax.f32 v23, v45  }
0xbe: {  	v23 =	vmin.f32 v23, v45;
	v55 =	vmax.f32 v53, v59;
	v45 =	vmax.f32 v36, v26  }
0xbf: {  	v26 =	vmin.f32 v36, v26;
	v36 =	vmax.f32 v41, v63;
	v63 =	vmax.f32 v49, v61  }
0xc0: {  	v44 =	vmin.f32 v53, v59;
	v57 =	vmax.f32 v31, v28;
	v60 =	vmax.f32 v62, v63  }
0xc1: {  	v28 =	vmin.f32 v31, v28;
	v61 =	vmin.f32 v62, v63;
	(xrf1) =	vsort.dscd.msk.f32 $0xffff, v60, v60  }
0xc2: {  	v41 =	vmax.f32 v48, v58;
	v63 =	vmax.f32 v47, v42;
	(xrf1) =	vsort.dscd.msk.f32 $0xffff, v61, v61  }
0xc3: {  	v62 =	vmax.f32 v46, v37;
	v42 =	vmin.f32 v47, v42;
	(xrf1) =	vsort.dscd.msk.f32 $0xffff, v63, v63  }
0xc4: {  	v48 =	vmin.f32 v48, v58;
	v58 =	vmax.f32 v62, v57;
	(xrf1) =	vsort.dscd.msk.f32 $0xffff, v42, v42  }
0xc5: {  	v37 =	vmin.f32 v46, v37;
	v59 =	vmin.f32 v62, v57;
	(xrf1) =	vsort.dscd.msk.f32 $0xffff, v58, v58  }
0xc6: {  	v60 =	vmax.f32 v51, v34;
	v61 =	vmax.f32 v37, v28;
	(xrf1) =	vsort.dscd.msk.f32 $0xffff, v59, v59  }
0xc7: {  	v62 =	vmax.f32 v29, v30;
	v28 =	vmin.f32 v37, v28;
	(xrf1) =	vsort.dscd.msk.f32 $0xffff, v61, v61  }
0xc8: {  	v46 =	vmin.f32 v29, v30;
	v63 =	vmax.f32 v60, v62;
	(xrf1) =	vsort.dscd.msk.f32 $0xffff, v28, v28  }
0xc9: {  	v34 =	vmin.f32 v51, v34;
	v47 =	vmin.f32 v60, v62;
	(xrf1) =	vsort.dscd.msk.f32 $0xffff, v63, v63  }
0xca: {  	v53 =	vmax.f32 v50, v54;
	v51 =	vmax.f32 v34, v46;
	(xrf1) =	vsort.dscd.msk.f32 $0xffff, v47, v47  }
0xcb: {  	v49 =	vmax.f32 v24, v27;
	v28 =	vmin.f32 v34, v46;
	(xrf1) =	vsort.dscd.msk.f32 $0xffff, v51, v51  }
0xcc: {  	v50 =	vmin.f32 v50, v54;
	v54 =	vmax.f32 v49, v52;
	(xrf1) =	vsort.dscd.msk.f32 $0xffff, v28, v28  }
0xcd: {  	v24 =	vmin.f32 v24, v27;
	v29 =	vmin.f32 v49, v52;
	(xrf1) =	vsort.dscd.msk.f32 $0xffff, v54, v54  }
0xce: {  	v57 =	vmin.f32 v25, v23;
	v58 =	vmax.f32 v24, v56;
	(xrf1) =	vsort.dscd.msk.f32 $0xffff, v29, v29  }
0xcf: {  	v24 =	vmin.f32 v24, v56;
	v59 =	vmin.f32 v38, v26;
	v28, _, _ =	vpop (xrf1);
	(xrf1) =	vsort.dscd.msk.f32 $0xffff, v58, v58  }
0xd0: {  	v23 =	vmax.f32 v25, v23;
	v60 =	vmin.f32 v57, v59;
	v30, _, _ =	vpop (xrf1);
	(xrf1) =	vsort.dscd.msk.f32 $0xffff, v24, v24  }
0xd1: {  	v61 =	vmax.f32 v38, v26;
	v62 =	vmax.f32 v57, v59;
	v27, _, _ =	vpop (xrf1);
	(xrf1) =	vsort.ascd.msk.f32 $0xffff, v60, v60  }
0xd2: {  	v38 =	vmin.f32 v43, v45;
	v37 =	vmin.f32 v23, v61;
	v31, _, _ =	vpop (xrf1);
	(xrf1) =	vsort.ascd.msk.f32 $0xffff, v62, v62  }
0xd3: {  	v23 =	vmax.f32 v23, v61;
	v63 =	vmin.f32 v35, v40;
	v24, _, _ =	vpop (xrf1);
	(xrf1) =	vsort.ascd.msk.f32 $0xffff, v37, v37  }
0xd4: {  	v40 =	vmax.f32 v35, v40;
	v42 =	vmin.f32 v63, v38;
	v33, _, _ =	vpop (xrf1);
	(xrf1) =	vsort.ascd.msk.f32 $0xffff, v23, v23  }
0xd5: {  	v25 =	vmax.f32 v63, v38;
	v23 =	vmax.f32 v43, v45;
	v26, _, _ =	vpop (xrf1);
	(xrf1) =	vsort.ascd.msk.f32 $0xffff, v42, v42  }
0xd6: {  	v46 =	vmin.f32 v48, v50;
	v45 =	vmin.f32 v40, v23;
	v35, _, _ =	vpop (xrf1);
	(xrf1) =	vsort.ascd.msk.f32 $0xffff, v25, v25  }
0xd7: {  	v43 =	vmin.f32 v39, v44;
	v23 =	vmax.f32 v40, v23;
	v29, _, _ =	vpop (xrf1);
	(xrf1) =	vsort.ascd.msk.f32 $0xffff, v45, v45  }
0xd8: {  	v47 =	vmax.f32 v39, v44;
	v49 =	vmin.f32 v43, v46;
	v38, _, _ =	vpop (xrf1);
	(xrf1) =	vsort.ascd.msk.f32 $0xffff, v23, v23  }
0xd9: {  	v25 =	vmax.f32 v43, v46;
	v23 =	vmax.f32 v48, v50;
	v32, _, _ =	vpop (xrf1);
	(xrf1) =	vsort.ascd.msk.f32 $0xffff, v49, v49  }
0xda: {  	v52 =	vmin.f32 v41, v53;
	v39 =	vmin.f32 v47, v23;
	v40, _, _ =	vpop (xrf1);
	(xrf1) =	vsort.ascd.msk.f32 $0xffff, v25, v25  }
0xdb: {  	v51 =	vmin.f32 v36, v55;
	v23 =	vmax.f32 v47, v23;
	v34, _, _ =	vpop (xrf1);
	(xrf1) =	vsort.ascd.msk.f32 $0xffff, v39, v39  }
0xdc: {  	v36 =	vmax.f32 v36, v55;
	v54 =	vmin.f32 v51, v52;
	v42, _, _ =	vpop (xrf1);
	(xrf1) =	vsort.ascd.msk.f32 $0xffff, v23, v23  }
0xdd: {  	v25 =	vmax.f32 v51, v52;
	v23 =	vmax.f32 v41, v53;
	v37, _, _ =	vpop (xrf1);
	(xrf1) =	vsort.ascd.msk.f32 $0xffff, v54, v54  }
0xde: {  	v55 =	vmin.f32 v36, v23;
	v23 =	vmax.f32 v36, v23;
	v41, _, _ =	vpop (xrf1);
	(xrf1) =	vsort.ascd.msk.f32 $0xffff, v25, v25  }
0xdf: {  	v56, _, _ =	vpop (xrf1);
	(xrf1) =	vsort.ascd.msk.f32 $0xffff, v55, v55  }
0xe0: {  	v57, _, _ =	vpop (xrf1)  }
0xe1: {  	(xrf1) =	vsort.ascd.msk.f32 $0xffff, v23, v23;
	v23, _, _ =	vpop (xrf1)  }
0xe2: {  	v58, _, _ =	vpop (xrf1)  }
0xe3: {  	v59, _, _ =	vpop (xrf1)  }
0xe4: {  	v60, _, _ =	vpop (xrf1)  }
0xe5: {  	v61, _, _ =	vpop (xrf1)  }
0xe6: {  	v25 =	vmax.f32 v28, v56;
	v62, _, _ =	vpop (xrf1)  }
0xe7: {  	v30 =	vmax.f32 v30, v57;
	v23 =	vmax.f32 v27, v23;
	v56 =	vmax.f32 v31, v58;
	v63, _, _ =	vpop (xrf1)  }
0xe8: {  	v24 =	vmax.f32 v24, v59;
	v33 =	vmax.f32 v33, v60;
	v26 =	vmax.f32 v26, v61;
	v52, _, _ =	vpop (xrf1)  }
0xe9: {  	v35 =	vmax.f32 v35, v62;
	v29 =	vmax.f32 v29, v63;
	v53, _, _ =	vpop (xrf1);
	v38 =	vmax.f32 v38, v52  }
0xea: {  	v62 =	vmax.f32 v25, v29;
	v25 =	vmin.f32 v25, v29;
	v54, _, _ =	vpop (xrf1);
	v32 =	vmax.f32 v32, v53  }
0xeb: {  	v63 =	vmax.f32 v30, v38;
	v30 =	vmin.f32 v30, v38;
	v55, _, _ =	vpop (xrf1);
	v40 =	vmax.f32 v40, v54  }
0xec: {  	v57, _, _ =	vpop (xrf1);
	v28 =	vmax.f32 v34, v55;
	v43 =	vmax.f32 v56, v40;
	v27 =	vmin.f32 v56, v40  }
0xed: {  	v58, _, _ =	vpop (xrf1);
	v31 =	vmax.f32 v42, v57;
	v42 =	vmax.f32 v23, v32;
	v23 =	vmin.f32 v23, v32  }
0xee: {  	v44 =	vmax.f32 v24, v28;
	v24 =	vmin.f32 v24, v28;
	v60 =	vmax.f32 v37, v58  }
0xef: {  	v45 =	vmax.f32 v33, v31;
	v31 =	vmin.f32 v33, v31;
	v48 =	vmax.f32 v62, v44  }
0xf0: {  	v59, _, _ =	vpop (xrf1);
	v37 =	vmin.f32 v62, v44;
	v52 =	vmax.f32 v25, v24;
	v24 =	vmin.f32 v25, v24  }
0xf1: {  	v61 =	vmax.f32 v41, v59;
	v46 =	vmax.f32 v26, v60;
	v26 =	vmin.f32 v26, v60  }
0xf2: {  	v49 =	vmax.f32 v63, v45;
	v28 =	vmin.f32 v63, v45;
	v53 =	vmax.f32 v30, v31  }
0xf3: {  	v30 =	vmin.f32 v30, v31;
	v47 =	vmax.f32 v35, v61;
	v35 =	vmin.f32 v35, v61  }
0xf4: {  	v50 =	vmax.f32 v42, v46;
	v33 =	vmin.f32 v42, v46;
	v54 =	vmax.f32 v23, v26  }
0xf5: {  	v23 =	vmin.f32 v23, v26;
	v51 =	vmax.f32 v43, v47;
	v32 =	vmin.f32 v43, v47  }
0xf6: {  	v55 =	vmax.f32 v27, v35;
	v56 =	vmax.f32 v48, v50;
	v57 =	vmax.f32 v49, v51  }
0xf7: {  	v27 =	vmin.f32 v27, v35;
	v29 =	vmin.f32 v48, v50;
	v58 =	vmax.f32 v56, v57  }
0xf8: {  	v59 =	vmin.f32 v49, v51;
	v60 =	vmin.f32 v56, v57;
	(xrf1) =	vsort.dscd.msk.f32 $0xffff, v58, v58  }
0xf9: {  	v61 =	vmax.f32 v37, v33;
	v39 =	vmax.f32 v29, v59;
	(xrf1) =	vsort.dscd.msk.f32 $0xffff, v60, v60  }
0xfa: {  	v62 =	vmax.f32 v28, v32;
	v29 =	vmin.f32 v29, v59;
	(xrf1) =	vsort.dscd.msk.f32 $0xffff, v39, v39  }
0xfb: {  	v33 =	vmin.f32 v37, v33;
	v63 =	vmax.f32 v61, v62;
	(xrf1) =	vsort.dscd.msk.f32 $0xffff, v29, v29  }
0xfc: {  	v28 =	vmin.f32 v28, v32;
	v37 =	vmin.f32 v61, v62;
	(xrf1) =	vsort.dscd.msk.f32 $0xffff, v63, v63  }
0xfd: {  	v38 =	vmax.f32 v52, v54;
	v39 =	vmax.f32 v33, v28;
	(xrf1) =	vsort.dscd.msk.f32 $0xffff, v37, v37  }
0xfe: {  	v40 =	vmax.f32 v53, v55;
	v28 =	vmin.f32 v33, v28;
	(xrf1) =	vsort.dscd.msk.f32 $0xffff, v39, v39  }
0xff: {  	v31 =	vmin.f32 v52, v54;
	v41 =	vmax.f32 v38, v40;
	(xrf1) =	vsort.dscd.msk.f32 $0xffff, v28, v28  }
0x100: {  	v25 =	vmin.f32 v53, v55;
	v42 =	vmin.f32 v38, v40;
	(xrf1) =	vsort.dscd.msk.f32 $0xffff, v41, v41  }
0x101: {  	v43 =	vmax.f32 v24, v23;
	v44 =	vmax.f32 v31, v25;
	(xrf1) =	vsort.dscd.msk.f32 $0xffff, v42, v42  }
0x102: {  	v45 =	vmax.f32 v30, v27;
	v25 =	vmin.f32 v31, v25;
	(xrf1) =	vsort.dscd.msk.f32 $0xffff, v44, v44  }
0x103: {  	v23 =	vmin.f32 v24, v23;
	v46 =	vmax.f32 v43, v45;
	(xrf1) =	vsort.dscd.msk.f32 $0xffff, v25, v25  }
0x104: {  	v47 =	vmin.f32 v30, v27;
	v26 =	vmin.f32 v43, v45;
	(xrf1) =	vsort.dscd.msk.f32 $0xffff, v46, v46  }
0x105: {  	v48 =	vmax.f32 v23, v47;
	v23 =	vmin.f32 v23, v47;
	(xrf1) =	vsort.dscd.msk.f32 $0xffff, v26, v26  }
0x106: {  	v49, _, _ =	vpop (xrf1);
	(xrf1) =	vsort.dscd.msk.f32 $0xffff, v48, v48  }
0x107: {  	v50, _, _ =	vpop (xrf1);
	(xrf1) =	vsort.dscd.msk.f32 $0xffff, v23, v23  }
0x108: {  	v23, _, _ =	vpop (xrf1)  }
0x109: {  	v51, _, _ =	vpop (xrf1)  }
0x10a: {  	v52, _, _ =	vpop (xrf1)  }
0x10b: {  	v53, _, _ =	vpop (xrf1)  }
0x10c: {  	v54, _, _ =	vpop (xrf1)  }
0x10d: {  	v55, _, _ =	vpop (xrf1)  }
0x10e: {  	v56, _, _ =	vpop (xrf1)  }
0x10f: {  	v57, _, _ =	vpop (xrf1)  }
0x110: {  	v58, _, _ =	vpop (xrf1)  }
0x111: {  	v59, _, _ =	vpop (xrf1)  }
0x112: {  	v60, _, _ =	vpop (xrf1)  }
0x113: {  	v61, _, _ =	vpop (xrf1)  }
0x114: {  	p1 =	slt.u32 s17, $0x2;
	v62, _, _ =	vpop (xrf1)  }
0x115: {  	s19 =	simm.s32 @!p1 $0x2;
	v63, _, _ =	vpop (xrf1)  }
0x116: {  	_ =	swait.ge @!p1 [sflag:s19], $0x100  }
0x117: {  	[sflag:s19] =	ssyncset.done @!p1 $0x0  }
0x118: {  	s18 =	sshll.u32 s18, $0x8;
	[sflag:s19] =	ssyncadd.s32 @!p1 $0xFFFFFF00  }
0x119: {  	[tilespmem:s18+$0x12480] =	vst v49  }
0x11a: {  	[tilespmem:s18+$0x12490] =	vst v50  }
0x11b: {  	[tilespmem:s18+$0x124A0] =	vst v23  }
0x11c: {  	[tilespmem:s18+$0x124B0] =	vst v51  }
0x11d: {  	[tilespmem:s18+$0x124C0] =	vst v52  }
0x11e: {  	[tilespmem:s18+$0x124D0] =	vst v53  }
0x11f: {  	[tilespmem:s18+$0x124E0] =	vst v54  }
0x120: {  	[tilespmem:s18+$0x124F0] =	vst v55  }
0x121: {  	[tilespmem:s18+$0x12500] =	vst v56  }
0x122: {  	[tilespmem:s18+$0x12510] =	vst v57  }
0x123: {  	[tilespmem:s18+$0x12520] =	vst v58  }
0x124: {  	p1 =	sne.s32 s16, $0x20;
	[tilespmem:s18+$0x12530] =	vst v59  }
.Ltmp3:
0x125: {  	s30 =	sadd.s32 s5, s17;
	s31 =	sshll.u32 s17, $0x4;
	[tilespmem:s18+$0x12540] =	vst v60;
	(pc) =	sbr.rel @!p1 .LBB2_17-.Ltmp3, $4  }
0x126: {  	s17 =	sand.u32 $0x70, s31;
	s19 =	sshll.u32 s30, $0x5;
	[tilespmem:s18+$0x12550] =	vst v61  }
0x127: {  	s17 =	sadd.s32 s3, s17;
	[tilespmem:s18+$0x12560] =	vst v62;
	s19 =	sand.u32 $0x7F00, s19  }
0x128: {  	p0 =	por !p0, !p0;
	[tilespmem:s18+$0x12570] =	vst v63;
	s18 =	sor.u32 $0x12480, s18;
	s17 =	sadd.s32 s19, s17  }
0x129: {  	[hbm4b:s17+s8] =	stream.strided.scatter [tilespmem:s18], [sflag:$0x2], $0x100, s9, s8, $0x38;
	[tilespmem:$0x12680] =	vst v63  }
.LBB2_2:
0x12a: {  	p1 =	seq.s32 s16, $0x1F  }
0x12b: {  	s17 =	smov.u32 s16;
	_ =	swait.ge [sflag:s10], $0x8000;
	s16 =	sor.u32 @!p1 s5, s16  }
0x12c: {  	[sflag:s10] =	ssyncset.done $0x0;
	s18 =	sadd.s32 @!p1 $0x1, s16  }
0x12d: {  	s21 =	simm.s32 @!p1 $0x400;
	[sflag:s10] =	ssyncadd.s32 $0xFFFF8000;
	s19 =	sshll.u32 @!p1 s18, $0x4  }
0x12e: {  	s16 =	sadd.s32 $0x1, s17;
	s18 =	sshll.u32 @!p1 s18, $0xC;
	s19 =	sand.u32 @!p1 $0x70, s19  }
0x12f: {  	s20 =	sshll.u32 @!p1 s16, $0xF;
	s18 =	sand.u32 @!p1 $0xFFF8000, s18;
	s19 =	sadd.s32 @!p1 s1, s19  }
0x130: {  	s20 =	sand.u32 @!p1 $0x8000, s20;
	s18 =	sadd.s32 @!p1 s18, s19;
	s19 =	simm.s32 @!p1 $0x80  }
0x131: {  	[tilespmem:s20], [sflag:$0x1] =	stream.strided.gather @!p1 [hbm4b:s18+s19], $0x8000, s21, s19, $0x38;
	[tilespmem:$0x12680] =	vst v63  }
0x132: {  	s18 =	simm.s32 $0x10040  }
0x133: {  	[tilespmem:s18+$0xFFFFFFC0] =	vst v0  }
0x134: {  	[tilespmem:s18+$0x30] =	vst v0  }
0x135: {  	[tilespmem:s18+$0x20] =	vst v0  }
0x136: {  	s19 =	simm.s32 $0x1;
	[tilespmem:s18+$0x10] =	vst v0  }
0x137: {  	s19 =	simm.s32 @!p0 $0x0;
	[tilespmem:s18+$0x0] =	vst v0  }
0x138: {  	[tilespmem:s18+$0xFFFFFFF0] =	vst v0;
	s19 =	sshll.u32 s19, $0xF  }
0x139: {  	v23 =	vmov v22;
	s20 =	simm.s32 $0x0;
	[tilespmem:s18+$0xFFFFFFE0] =	vst v0;
	s19 =	sor.u32 $0x40, s19  }
.LBB2_3:
0x13a: {  	s20 =	sadd.s32 $0x8, s20;
	[tilespmem:s18+$0xFFFFFFD0] =	vst v0;
	s18 =	sadd.s32 $0x80, s18  }
0x13b: {  	[tilespmem:s18+$0xFFFFFFC0] =	vst v0;
	p1 =	slt.u32 s20, $0x1F8  }
0x13c: {  	[tilespmem:s18+$0x30] =	vst v0  }
.Ltmp4:
0x13d: {  	[tilespmem:s18+$0x20] =	vst v0;
	(pc) =	sbr.rel @p1 .LBB2_3-.Ltmp4, $4  }
0x13e: {  	[tilespmem:s18+$0x10] =	vst v0  }
0x13f: {  	[tilespmem:s18+$0x0] =	vst v0  }
0x140: {  	[tilespmem:s18+$0xFFFFFFF0] =	vst v0  }
0x141: {  	[tilespmem:s18+$0xFFFFFFE0] =	vst v0  }
0x142: {  	[tilespmem:s18+$0xFFFFFFD0] =	vst v0;
	s18 =	simm.s32 $0x122C0  }
0x143: {  	[tilespmem:s18+$0xFFFFFFC0] =	vst v2  }
0x144: {  	[tilespmem:s18+$0x30] =	vst v2  }
0x145: {  	[tilespmem:s18+$0x20] =	vst v2  }
0x146: {  	[tilespmem:s18+$0x10] =	vst v2  }
0x147: {  	[tilespmem:s18+$0x0] =	vst v2  }
0x148: {  	[tilespmem:s18+$0xFFFFFFF0] =	vst v2  }
0x149: {  	s20 =	simm.s32 $0x0;
	[tilespmem:s18+$0xFFFFFFE0] =	vst v2  }
.LBB2_5:
0x14a: {  	s20 =	sadd.s32 $0x8, s20;
	[tilespmem:s18+$0xFFFFFFD0] =	vst v2;
	s18 =	sadd.s32 $0x80, s18  }
0x14b: {  	[tilespmem:s18+$0xFFFFFFC0] =	vst v2;
	p1 =	slt.u32 s20, $0x18  }
0x14c: {  	[tilespmem:s18+$0x30] =	vst v2  }
.Ltmp5:
0x14d: {  	[tilespmem:s18+$0x20] =	vst v2;
	(pc) =	sbr.rel @p1 .LBB2_5-.Ltmp5, $4  }
0x14e: {  	[tilespmem:s18+$0x10] =	vst v2  }
0x14f: {  	[tilespmem:s18+$0x0] =	vst v2  }
0x150: {  	[tilespmem:s18+$0xFFFFFFF0] =	vst v2  }
0x151: {  	[tilespmem:s18+$0xFFFFFFE0] =	vst v2  }
0x152: {  	[tilespmem:s18+$0xFFFFFFD0] =	vst v2  }
0x153: {  	v29 =	vld [tilespmem:s19+$0x30]  }
0x154: {  	v22 =	vshll.u32 v23, $0x13;
	v30 =	vld [tilespmem:s19+$0xFFFFFFF0]  }
0x155: {  	vm0 =	vgt.s32 v22, $0xFFFFFFFF;
	v26 =	vld [tilespmem:s19+$0x10]  }
0x156: {  	v25 =	vld [tilespmem:s19+$0xFFFFFFD0];
	v24 =	vsel vm0, $0xFFFFFFFF, v3  }
0x157: {  	v27 =	vxor.u32 v22, v24;
	v22 =	vld [tilespmem:s19+$0xFFFFFFE0]  }
0x158: {  	v24 =	vld [tilespmem:s19+$0x20];
	_ =	sdelay $0x1  }
0x159: {  	v34 =	vimm.s32 $0xFFFFFFFF;
	vm0 =	vge.f32 v29, v27  }
0x15a: {  	v31 =	vshra.s32 v29, $0x1F;
	vm7 =	vge.f32 v30, v27;
	vm6 =	vge.f32 v26, v27  }
0x15b: {  	v36 =	vshra.s32 v30, $0x1F;
	vm3 =	vge.f32 v22, v27;
	v28 =	vshra.s32 v22, $0x1F  }
0x15c: {  	vm2 =	vge.f32 v25, v27;
	vm4 =	vge.f32 v24, v27;
	(xrf0) =	vadd.scan.msk.s32 vm3, v4;
	v32 =	vor.u32 $0x80000000, v28;
	v28 =	vld [tilespmem:s19+$0x0]  }
0x15d: {  	v37 =	vshra.s32 v26, $0x1F;
	v41 =	vshra.s32 v25, $0x1F;
	v35 =	vor.u32 $0x80000000, v31;
	v31 =	vld [tilespmem:s19+$0xFFFFFFC0];
	(xrf0) =	vadd.scan.msk.s32 vm4, v4  }
0x15e: {  	v36 =	vor.u32 $0x80000000, v36;
	v43 =	vmpcnt.ones.xlane vm7;
	v38 =	vmpcnt.ones.xlane vm2;
	(xrf0) =	vadd.scan.msk.s32 vm0, v4  }
0x15f: {  	v46 =	vor.u32 $0x80000000, v37;
	v49 =	vor.u32 $0x80000000, v41;
	v61 =	vmpcnt.ones.xlane vm6;
	(xrf0) =	vadd.scan.msk.s32 vm7, v4  }
0x160: {  	v33 =	vshra.s32 v24, $0x1F;
	v35 =	vxor.u32 v29, v35;
	v36 =	vxor.u32 v30, v36;
	(xrf0) =	vadd.scan.msk.s32 vm6, v4  }
0x161: {  	v46 =	vxor.u32 v26, v46;
	v40 =	vmpcnt.ones.xlane vm3;
	(xrf0) =	vadd.scan.msk.s32 vm2, v4;
	vm5 =	vge.f32 v28, v27  }
0x162: {  	v35 =	vshrl.u32 v35, $0x13;
	v33 =	vor.u32 $0x80000000, v33;
	vm1 =	vge.f32 v31, v27;
	v39, _, _ =	vpop (xrf0);
	(xrf0) =	vadd.scan.msk.s32 vm5, v4  }
0x163: {  	v50 =	vmpcnt.ones.xlane vm4;
	v33 =	vxor.u32 v24, v33;
	v42 =	vmpcnt.ones.xlane vm1;
	v44, _, _ =	vpop (xrf0)  }
0x164: {  	v53 =	vshrl.u32 v36, $0x13;
	v32 =	vxor.u32 v22, v32;
	v52 =	vshrl.u32 v33, $0x13;
	(xrf0) =	vadd.scan.msk.s32 vm1, v4;
	v47, _, _ =	vpop (xrf0)  }
0x165: {  	v33 =	vmpcnt.ones.xlane vm0;
	v57 =	vshra.s32 v31, $0x1F;
	v42 =	vadd.s32 v34, v42;
	v48, _, _ =	vpop (xrf0)  }
0x166: {  	v37 =	vor.u32 $0x80000000, v57;
	v45 =	vmpcnt.ones.xlane vm5;
	v59 =	vadd.s32 v42, v38;
	v51, _, _ =	vpop (xrf0)  }
0x167: {  	v38 =	vxor.u32 v25, v49;
	v39 =	vadd.s32 v59, v39;
	v36 =	vadd.s32 v59, v40;
	v58, _, _ =	vpop (xrf0)  }
0x168: {  	v41 =	vadd.s32 v42, v58;
	v60, _, _ =	vpop (xrf0);
	v42 =	vadd.s32 v36, v48;
	v36 =	vadd.s32 v36, v43  }
0x169: {  	vm9 =	vlt.s32 v41, $0x1FF;
	v40 =	vadd.s32 v36, v60;
	v36 =	vadd.s32 v36, v45  }
0x16a: {  	vm10 =	vlt.s32 v42, $0x1FF;
	v62, _, _ =	vpop (xrf0);
	vm8 =	vlt.s32 v40, $0x1FF;
	v43 =	vadd.s32 v36, v61  }
0x16b: {  	[tilespmem:v35+s11+$0x0] =	vst.idx.add.s32.msk $0xffff, v4;
	v34 =	vadd.s32 v34, v62;
	v35 =	vnsel vm8, $0x1FF, v40;
	v40 =	vadd.s32 v43, v50  }
0x16c: {  	v45 =	vadd.s32 v36, v51;
	v36 =	vadd.s32 v43, v44;
	v63 =	vadd.s32 v40, v47  }
0x16d: {  	s18 =	sand.u32 $0x1, s17;
	s23 =	simm.s32 $0x0;
	[tilespmem:v53+s11+$0x0] =	vst.idx.add.s32.msk $0xffff, v4;
	vm8 =	vlt.s32 v34, $0x1FF;
	v43 =	vshrl.u32 v46, $0x13;
	vm11 =	vlt.s32 v63, $0x1FF  }
0x16e: {  	s24 =	sadd.s32 $0x80, s19;
	s21 =	simm.s32 $0x12200;
	s20 =	simm.s32 $0x1F00;
	[tilespmem:v52+s11+$0x0] =	vst.idx.add.s32.msk $0xffff, v4;
	v34 =	vnsel vm8, $0x1FF, v34;
	vm8 =	vlt.s32 v36, $0x1FF;
	v44 =	vnsel vm11, $0x1FF, v63  }
.LBB2_7:
0x16f: {  	v41 =	vnsel vm9, $0x1FF, v41;
	v42 =	vnsel vm10, $0x1FF, v42;
	vm12 =	vlt.s32 v45, $0x1FF  }
0x170: {  	v46 =	vld [tilespmem:s24+$0xFFFFFFE0];
	s23 =	sadd.s32 $0x8, s23;
	s22 =	simm.s32 $0x200;
	vm11 =	vmmov vm3;
	vm9 =	vmmov vm4;
	vm10 =	vmmov vm7  }
0x171: {  	v37 =	vxor.u32 v31, v37;
	vm3 =	vlt.s32 v39, $0x1FF;
	v47 =	vld [tilespmem:s24+$0x20];
	p1 =	slt.u32 s23, $0x7F8;
	v45 =	vnsel vm12, $0x1FF, v45  }
0x172: {  	v32 =	vshrl.u32 v32, $0x13;
	v49 =	vshra.s32 v28, $0x1F;
	v39 =	vnsel vm3, $0x1FF, v39;
	v48 =	vld [tilespmem:s24+$0x30]  }
0x173: {  	v38 =	vshrl.u32 v38, $0x13;
	v37 =	vshrl.u32 v37, $0x13;
	v49 =	vor.u32 $0x80000000, v49;
	v50 =	vld [tilespmem:s24+$0xFFFFFFF0]  }
0x174: {  	v40 =	vadd.s32 v40, v33;
	v49 =	vxor.u32 v28, v49;
	[tilespmem:v43+s11+$0x0] =	vst.idx.add.s32.msk $0xffff, v4  }
0x175: {  	v49 =	vshrl.u32 v49, $0x13;
	v33 =	vld [tilespmem:s24+$0xFFFFFFD0];
	v43 =	vshra.s32 v46, $0x1F;
	vm3 =	vge.f32 v46, v27;
	[tilespmem:v44+s12+$0x0] =	vst.idx.msk vm0, v29  }
0x176: {  	v43 =	vor.u32 $0x80000000, v43;
	v44 =	vshra.s32 v47, $0x1F;
	(xrf0) =	vadd.scan.msk.s32 vm3, v4;
	[tilespmem:v45+s12+$0x0] =	vst.idx.msk vm6, v26;
	v26 =	vld [tilespmem:s24+$0x10]  }
0x177: {  	vm4 =	vge.f32 v47, v27;
	v52 =	vshra.s32 v48, $0x1F;
	vm0 =	vge.f32 v48, v27;
	[tilespmem:v32+s11+$0x0] =	vst.idx.add.s32.msk $0xffff, v4  }
0x178: {  	v45 =	vmpcnt.ones.xlane vm3;
	v29 =	vmovc v48;
	v32 =	vshra.s32 v50, $0x1F;
	v51 =	vor.u32 $0x80000000, v52;
	[tilespmem:v38+s11+$0x0] =	vst.idx.add.s32.msk $0xffff, v4  }
0x179: {  	v38 =	vor.u32 $0x80000000, v32;
	v48 =	vld [tilespmem:s24+$0x0];
	v32 =	vxor.u32 v29, v51;
	(xrf0) =	vadd.scan.msk.s32 vm4, v4;
	[tilespmem:v41+s12+$0x0] =	vst.idx.msk vm2, v25  }
0x17a: {  	vm7 =	vge.f32 v50, v27;
	v41 =	vshrl.u32 v32, $0x13;
	(xrf0) =	vadd.scan.msk.s32 vm0, v4;
	[tilespmem:v49+s11+$0x0] =	vst.idx.add.s32.msk $0xffff, v4;
	v25 =	vmovc v33  }
0x17b: {  	v51 =	vmpcnt.ones.xlane vm7;
	v49 =	vld [tilespmem:s24+$0xFFFFFFC0];
	vm6 =	vge.f32 v26, v27;
	(xrf0) =	vadd.scan.msk.s32 vm7, v4;
	[tilespmem:v35+s12+$0x0] =	vst.idx.msk vm5, v28  }
0x17c: {  	v32 =	vxor.u32 v46, v43;
	v33 =	vnsel vm8, $0x1FF, v36;
	vm2 =	vge.f32 v25, v27;
	v35, _, _ =	vpop (xrf0);
	(xrf0) =	vadd.scan.msk.s32 vm6, v4  }
0x17d: {  	v52 =	vshra.s32 v26, $0x1F;
	v36 =	vmpcnt.ones.xlane vm2;
	(xrf0) =	vadd.scan.msk.s32 vm2, v4;
	[tilespmem:v39+s12+$0x0] =	vst.idx.msk vm11, v22;
	v22 =	vmovc v46  }
0x17e: {  	v43 =	vor.u32 $0x80000000, v52;
	v39 =	vshra.s32 v25, $0x1F;
	vm5 =	vge.f32 v48, v27;
	[tilespmem:v37+s11+$0x0] =	vst.idx.add.s32.msk $0xffff, v4;
	v28 =	vmovc v48  }
0x17f: {  	v37 =	vor.u32 $0x80000000, v44;
	v46 =	vmpcnt.ones.xlane vm5;
	(xrf0) =	vadd.scan.msk.s32 vm5, v4;
	v44, _, _ =	vpop (xrf0);
	[tilespmem:v42+s12+$0x0] =	vst.idx.msk vm10, v30  }
0x180: {  	v39 =	vor.u32 $0x80000000, v39;
	v30 =	vshra.s32 v49, $0x1F;
	v48, _, _ =	vpop (xrf0);
	[tilespmem:v34+s12+$0x0] =	vst.idx.msk vm1, v31;
	vm1 =	vge.f32 v49, v27  }
0x181: {  	v52 =	vmpcnt.ones.xlane vm4;
	v34 =	vxor.u32 v47, v37;
	v31 =	vmpcnt.ones.xlane vm1;
	(xrf0) =	vadd.scan.msk.s32 vm1, v4;
	v42, _, _ =	vpop (xrf0)  }
0x182: {  	v38 =	vxor.u32 v50, v38;
	v37 =	vor.u32 $0x80000000, v30;
	v34 =	vshrl.u32 v34, $0x13;
	v53, _, _ =	vpop (xrf0);
	[tilespmem:v33+s12+$0x0] =	vst.idx.msk vm9, v24  }
0x183: {  	v54 =	vshrl.u32 v38, $0x13;
	v33 =	vmpcnt.ones.xlane vm0;
	v31 =	vadd.s32 v40, v31;
	[tilespmem:v41+s11+$0x0] =	vst.idx.add.s32.msk $0xffff, v4;
	v30, _, _ =	vpop (xrf0)  }
0x184: {  	v38 =	vxor.u32 v25, v39;
	v24 =	vmovc v47;
	v41 =	vadd.s32 v31, v30;
	v55 =	vadd.s32 v31, v36  }
0x185: {  	vm9 =	vlt.s32 v41, $0x1FF;
	v39 =	vadd.s32 v55, v35;
	v47 =	vadd.s32 v55, v45;
	v35, _, _ =	vpop (xrf0)  }
0x186: {  	v30 =	vmovc v50;
	v45 =	vmpcnt.ones.xlane vm6;
	v42 =	vadd.s32 v47, v42;
	v36 =	vadd.s32 v47, v51;
	v31 =	vmovc v49  }
0x187: {  	vm10 =	vlt.s32 v42, $0x1FF;
	v35 =	vadd.s32 v36, v35;
	v36 =	vadd.s32 v36, v46;
	[tilespmem:v34+s11+$0x0] =	vst.idx.add.s32.msk $0xffff, v4;
	v34, _, _ =	vpop (xrf0)  }
.Ltmp6:
0x188: {  	v34 =	vadd.s32 v40, v34;
	[tilespmem:v54+s11+$0x0] =	vst.idx.add.s32.msk $0xffff, v4;
	vm8 =	vlt.s32 v35, $0x1FF;
	v46 =	vadd.s32 v36, v45;
	(pc) =	sbr.rel @p1 .LBB2_7-.Ltmp6, $4  }
0x189: {  	v45 =	vadd.s32 v36, v53;
	v35 =	vnsel vm8, $0x1FF, v35;
	v40 =	vadd.s32 v46, v52  }
0x18a: {  	v43 =	vxor.u32 v26, v43;
	v36 =	vadd.s32 v46, v44;
	v44 =	vadd.s32 v40, v48  }
0x18b: {  	v43 =	vshrl.u32 v43, $0x13;
	vm8 =	vlt.s32 v34, $0x1FF;
	vm11 =	vlt.s32 v44, $0x1FF  }
0x18c: {  	s24 =	sadd.s32 $0x80, s24;
	v34 =	vnsel vm8, $0x1FF, v34;
	vm8 =	vlt.s32 v36, $0x1FF;
	v44 =	vnsel vm11, $0x1FF, v44  }
0x18d: {  	_ = 	snop  }
0x18e: {  	v32 =	vshrl.u32 v32, $0x13  }
0x18f: {  	v38 =	vshrl.u32 v38, $0x13  }
0x190: {  	vm11 =	vlt.s32 v45, $0x1FF;
	v62 =	vnsel vm10, $0x1FF, v42  }
0x191: {  	v60 =	vshra.s32 v28, $0x1F;
	[tilespmem:v43+s11+$0x0] =	vst.idx.add.s32.msk $0xffff, v4;
	v27 =	vnsel vm11, $0x1FF, v45  }
0x192: {  	[tilespmem:v44+s12+$0x0] =	vst.idx.msk vm0, v29;
	v63 =	vnsel vm8, $0x1FF, v36;
	v45 =	vor.u32 $0x80000000, v60  }
0x193: {  	v41 =	vnsel vm9, $0x1FF, v41;
	v45 =	vxor.u32 v28, v45;
	[tilespmem:v32+s11+$0x0] =	vst.idx.add.s32.msk $0xffff, v4  }
0x194: {  	v61 =	vshrl.u32 v45, $0x13;
	[tilespmem:v38+s11+$0x0] =	vst.idx.add.s32.msk $0xffff, v4  }
0x195: {  	vm12 =	vmmov vm3;
	vm13 =	vlt.s32 v39, $0x1FF;
	[tilespmem:v62+s12+$0x0] =	vst.idx.msk vm7, v30  }
0x196: {  	[tilespmem:v27+s12+$0x0] =	vst.idx.msk vm6, v26;
	v26 =	vxor.u32 v31, v37;
	v27 =	vnsel vm13, $0x1FF, v39  }
0x197: {  	[tilespmem:v63+s12+$0x0] =	vst.idx.msk vm4, v24;
	v26 =	vshrl.u32 v26, $0x13  }
0x198: {  	[tilespmem:v41+s12+$0x0] =	vst.idx.msk vm2, v25  }
0x199: {  	[tilespmem:v61+s11+$0x0] =	vst.idx.add.s32.msk $0xffff, v4  }
0x19a: {  	[tilespmem:v35+s12+$0x0] =	vst.idx.msk vm5, v28  }
0x19b: {  	[tilespmem:v27+s12+$0x0] =	vst.idx.msk vm12, v22  }
0x19c: {  	[tilespmem:v26+s11+$0x0] =	vst.idx.add.s32.msk $0xffff, v4  }
0x19d: {  	vm14 =	vmmov vm7;
	vm15 =	vmmov vm4;
	s23 =	simm.s32 $0x0;
	v25 =	vadd.s32 v40, v33;
	[tilespmem:v34+s12+$0x0] =	vst.idx.msk vm1, v31  }
.LBB2_9:
0x19e: {  	v22 =	vor.u32 s20, v1;
	v24 =	vor.u32 s20, v6  }
0x19f: {  	v22 =	vand.u32 v5, v22  }
0x1a0: {  	v26 =	vor.u32 s20, v7  }
0x1a1: {  	v27 =	vor.u32 s20, v8  }
0x1a2: {  	v28 =	vor.u32 s20, v9  }
0x1a3: {  	v29 =	vor.u32 s20, v10;
	v24 =	vld.idx.msk [tilespmem:v24+s11+$0x0], $0xffff  }
0x1a4: {  	v30 =	vor.u32 s20, v11;
	v22 =	vld.idx.msk [tilespmem:v22+s11+$0x0], $0xffff  }
0x1a5: {  	v31 =	vor.u32 s20, v12;
	v26 =	vld.idx.msk [tilespmem:v26+s11+$0x0], $0xffff  }
0x1a6: {  	v32 =	vor.u32 s20, v13;
	v27 =	vld.idx.msk [tilespmem:v27+s11+$0x0], $0xffff  }
0x1a7: {  	v33 =	vor.u32 s20, v14;
	v28 =	vld.idx.msk [tilespmem:v28+s11+$0x0], $0xffff  }
0x1a8: {  	v34 =	vor.u32 s20, v15;
	v29 =	vld.idx.msk [tilespmem:v29+s11+$0x0], $0xffff  }
0x1a9: {  	v55 =	vor.u32 s20, v16;
	v22 =	vadd.s32 v22, v24;
	v24 =	vld.idx.msk [tilespmem:v30+s11+$0x0], $0xffff  }
0x1aa: {  	v56 =	vor.u32 s20, v17;
	v22 =	vadd.s32 v26, v22;
	v26 =	vld.idx.msk [tilespmem:v31+s11+$0x0], $0xffff  }
0x1ab: {  	v57 =	vor.u32 s20, v18;
	v22 =	vadd.s32 v27, v22;
	v27 =	vld.idx.msk [tilespmem:v32+s11+$0x0], $0xffff  }
0x1ac: {  	v59 =	vor.u32 s20, v19;
	v58 =	vld.idx.msk [tilespmem:v33+s11+$0x0], $0xffff;
	v22 =	vadd.s32 v28, v22  }
0x1ad: {  	v61 =	vor.u32 s20, v20;
	v60 =	vld.idx.msk [tilespmem:v34+s11+$0x0], $0xffff;
	v22 =	vadd.s32 v29, v22  }
0x1ae: {  	v22 =	vadd.s32 v24, v22;
	v24 =	vld.idx.msk [tilespmem:v55+s11+$0x0], $0xffff  }
0x1af: {  	v22 =	vadd.s32 v26, v22;
	v26 =	vld.idx.msk [tilespmem:v56+s11+$0x0], $0xffff  }
0x1b0: {  	v22 =	vadd.s32 v27, v22;
	v27 =	vld.idx.msk [tilespmem:v57+s11+$0x0], $0xffff  }
0x1b1: {  	v62 =	vld.idx.msk [tilespmem:v59+s11+$0x0], $0xffff;
	v22 =	vadd.s32 v58, v22  }
0x1b2: {  	v63 =	vld.idx.msk [tilespmem:v61+s11+$0x0], $0xffff;
	v22 =	vadd.s32 v60, v22  }
0x1b3: {  	v22 =	vadd.s32 v24, v22  }
0x1b4: {  	v22 =	vadd.s32 v26, v22  }
0x1b5: {  	v22 =	vadd.s32 v27, v22  }
0x1b6: {  	v22 =	vadd.s32 v62, v22  }
0x1b7: {  	v22 =	vadd.s32 v63, v22  }
0x1b8: {  	v22 =	vperm.xlane v22, v21;
	_ =	sdelay $0x1  }
0x1b9: {  	(xrf0) =	vadd.scan.msk.s32 $0xffff, v22;
	_ =	sdelay $0x5  }
0x1ba: {  	v22, _, _ =	vpop (xrf0)  }
0x1bb: {  	v22 =	vadd.s32 s23, v22  }
0x1bc: {  	v24 =	vxor.u32 $0x80000000, v22  }
0x1bd: {  	(xrf0) =	vmax.scan.msk.u32 $0xffff, v24;
	_ =	sdelay $0x5  }
0x1be: {  	v24, _, _ =	vpop (xrf0)  }
0x1bf: {  	(v2sf) =	vpush v24, $0xF;
	_ =	sdelay $0xe  }
0x1c0: {  	s31 =	spop (v2sf)  }
0x1c1: {  	p1 =	seq.s32 s22, $0x10;
	s23 =	sxor.u32 $0x80000000, s31  }
0x1c2: {  	p2 =	slt.s32 @!p1 s23, $0x100  }
0x1c3: {  	p1 =	por p1, !p2  }
.Ltmp7:
0x1c4: {  	_ = 	snop;
	(pc) =	sbr.rel @!p1 .LBB2_9-.Ltmp7, $4  }
0x1c5: {  	_ = 	snop  }
0x1c6: {  	v22 =	vperm.xlane v22, v21  }
0x1c7: {  	s24 =	smov.u32 s21  }
0x1c8: {  	s21 =	sadd.s32 $0xFFFFFFF0, s21;
	s22 =	sadd.s32 $0xFFFFFFF0, s22;
	s20 =	sadd.s32 $0xFFFFFF00, s20;
	[tilespmem:s24+$0xFFFFFFF0] =	vst v22  }
0x1c9: {  	v22 =	vld [tilespmem:s24+$0xFFFFFFF0];
	_ =	sdelay $0x4  }
0x1ca: {  	vm0 =	vgt.s32 v22, $0xFF  }
0x1cb: {  	v22 =	vmpcnt.ones.xlane vm0;
	_ =	sdelay $0x1  }
0x1cc: {  	v22 =	vadd.s32 s22, v22  }
0x1cd: {  	v24 =	vadd.s32 $0x7FFFFFFF, v22  }
0x1ce: {  	(xrf0) =	vmax.scan.msk.u32 $0xffff, v24;
	_ =	sdelay $0x5  }
0x1cf: {  	v24, _, _ =	vpop (xrf0)  }
0x1d0: {  	(v2sf) =	vpush v24, $0xF;
	_ =	sdelay $0xe  }
0x1d1: {  	s20 =	spop (v2sf)  }
0x1d2: {  	s21 =	sshll.u32 s20, $0x4  }
0x1d3: {  	v62 =	vld [tilespmem:s21+$0x10000];
	_ =	sdelay $0x4  }
0x1d4: {  	v24 =	vperm.xlane v62, v21;
	_ =	sdelay $0x1  }
0x1d5: {  	(xrf0) =	vadd.scan.msk.s32 $0xffff, v24;
	_ =	sdelay $0x1  }
0x1d6: {  	v22 =	vld.idx.msk [tilespmem:v22+s13+$0x0], $0xffff;
	_ =	sdelay $0x3  }
0x1d7: {  	v24, _, _ =	vpop (xrf0)  }
0x1d8: {  	v22 =	vadd.s32 v22, v24  }
0x1d9: {  	vm15 =	vlt.s32 v22, $0x100  }
0x1da: {  	v22 =	vmpcnt.ones.xlane vm15  }
0x1db: {  	s20 =	sshllo.u32 s20, $0x4  }
0x1dc: {  	v23 =	vxor.u32 $0x80000000, v23;
	v22 =	vsub.s32 s20, v22  }
0x1dd: {  	(xrf0) =	vmax.scan.msk.u32 $0xffff, v23;
	v23 =	vxor.u32 $0x80000000, v22  }
0x1de: {  	(xrf0) =	vmax.scan.msk.u32 $0xffff, v23;
	v23 =	vxor.u32 $0x80000000, v25  }
0x1df: {  	(xrf0) =	vmax.scan.msk.u32 $0xffff, v23;
	_ =	sdelay $0x3  }
0x1e0: {  	v23, _, _ =	vpop (xrf0)  }
0x1e1: {  	(v2sf) =	vpush v23, $0xF;
	v63, _, _ =	vpop (xrf0)  }
0x1e2: {  	(v2sf) =	vpush v63, $0xF;
	v23, _, _ =	vpop (xrf0)  }
0x1e3: {  	(v2sf) =	vpush v23, $0xF;
	_ =	sdelay $0xc  }
0x1e4: {  	s20 =	spop (v2sf)  }
0x1e5: {  	s21 =	spop (v2sf)  }
0x1e6: {  	s31 =	spop (v2sf)  }
0x1e7: {  	p1 =	sgt.u32 s31, $0x800001FF  }
0x1e8: {  	p2 =	sgt.u32 @!p1 s20, s21  }
0x1e9: {  	p2 =	por p1, p2  }
.Ltmp8:
0x1ea: {  	_ = 	snop;
	(pc) =	sbr.rel @!p2 .LBB2_16-.Ltmp8, $1  }
0x1eb: {  	_ =	sdelay $0x3  }
0x1ec: {  	s20 =	simm.s32 $0x122C0;
	s21 =	simm.s32 $0xFFFFFFF8  }
0x1ed: {  	s20 =	simm.s32 @p1 $0x122C0;
	s21 =	simm.s32 @p1 $0xFFFFFFF8  }
0x1ee: {  	[tilespmem:s20+$0xFFFFFFC0] =	vst v2;
	s21 =	sadd.s32 $0x8, s21  }
0x1ef: {  	[tilespmem:s20+$0x30] =	vst v2;
	p1 =	slt.u32 s21, $0x18  }
.Ltmp9:
0x1f0: {  	[tilespmem:s20+$0x20] =	vst v2;
	(pc) =	sbr.rel @!p1 .LBB2_13-.Ltmp9, $4  }
0x1f1: {  	[tilespmem:s20+$0x10] =	vst v2  }
0x1f2: {  	[tilespmem:s20+$0x0] =	vst v2  }
0x1f3: {  	[tilespmem:s20+$0xFFFFFFF0] =	vst v2  }
0x1f4: {  	[tilespmem:s20+$0xFFFFFFE0] =	vst v2  }
.LBB2_12:
0x1f5: {  	s21 =	sadd.s32 $0x8, s21;
	[tilespmem:s20+$0xFFFFFFD0] =	vst v2;
	s20 =	sadd.s32 $0x80, s20  }
0x1f6: {  	[tilespmem:s20+$0xFFFFFFC0] =	vst v2;
	p1 =	slt.u32 s21, $0x18  }
0x1f7: {  	[tilespmem:s20+$0x30] =	vst v2  }
.Ltmp10:
0x1f8: {  	[tilespmem:s20+$0x20] =	vst v2;
	(pc) =	sbr.rel @p1 .LBB2_12-.Ltmp10, $4  }
0x1f9: {  	[tilespmem:s20+$0x10] =	vst v2  }
0x1fa: {  	[tilespmem:s20+$0x0] =	vst v2  }
0x1fb: {  	[tilespmem:s20+$0xFFFFFFF0] =	vst v2  }
0x1fc: {  	[tilespmem:s20+$0xFFFFFFE0] =	vst v2  }
.LBB2_13:
0x1fd: {  	[tilespmem:s20+$0xFFFFFFD0] =	vst v2  }
0x1fe: {  	v31 =	vld [tilespmem:s19+$0xFFFFFFC0]  }
0x1ff: {  	v32 =	vld [tilespmem:s19+$0xFFFFFFD0]  }
0x200: {  	v23 =	vshll.u32 v22, $0x13;
	v35 =	vld [tilespmem:s19+$0xFFFFFFE0]  }
0x201: {  	vm0 =	vgt.s32 v23, $0xFFFFFFFF;
	v36 =	vld [tilespmem:s19+$0xFFFFFFF0]  }
0x202: {  	v39 =	vld [tilespmem:s19+$0x0];
	v24 =	vsel vm0, $0xFFFFFFFF, v3  }
0x203: {  	v25 =	vld [tilespmem:s19+$0x20];
	v24 =	vxor.u32 v23, v24  }
0x204: {  	v26 =	vld [tilespmem:s19+$0x30];
	vm4 =	vge.f32 v31, v24  }
0x205: {  	v23 =	vld [tilespmem:s19+$0x10];
	vm0 =	vge.f32 v32, v24;
	(xrf0) =	vadd.scan.msk.s32 vm4, v4  }
0x206: {  	v27 =	vimm.s32 $0xFFFFFFFF;
	vm1 =	vge.f32 v35, v24;
	v28 =	vmpcnt.ones.xlane vm4;
	(xrf0) =	vadd.scan.msk.s32 vm0, v4  }
0x207: {  	vm2 =	vge.f32 v36, v24;
	vm3 =	vge.f32 v39, v24;
	v29 =	vmpcnt.ones.xlane vm0  }
0x208: {  	vm6 =	vge.f32 v25, v24;
	v30 =	vmpcnt.ones.xlane vm1;
	v28 =	vadd.s32 v27, v28;
	(xrf0) =	vadd.scan.msk.s32 vm1, v4  }
0x209: {  	vm7 =	vge.f32 v26, v24;
	v33 =	vmpcnt.ones.xlane vm2;
	v29 =	vadd.s32 v28, v29;
	(xrf0) =	vadd.scan.msk.s32 vm2, v4  }
0x20a: {  	v34 =	vmpcnt.ones.xlane vm3;
	vm5 =	vge.f32 v23, v24;
	v30 =	vadd.s32 v29, v30;
	(xrf0) =	vadd.scan.msk.s32 vm3, v4  }
0x20b: {  	v40 =	vmpcnt.ones.xlane vm6;
	v55 =	vmpcnt.ones.xlane vm5;
	v37 =	vadd.s32 v30, v33;
	(xrf0) =	vadd.scan.msk.s32 vm5, v4;
	v38, _, _ =	vpop (xrf0)  }
0x20c: {  	v41 =	vmpcnt.ones.xlane vm7;
	v34 =	vadd.s32 v37, v34;
	(xrf0) =	vadd.scan.msk.s32 vm6, v4;
	vm6 =	vmmov vm6;
	v57, _, _ =	vpop (xrf0)  }
0x20d: {  	v27 =	vadd.s32 v27, v38;
	v56 =	vadd.s32 v34, v55;
	(xrf0) =	vadd.scan.msk.s32 vm7, v4;
	v28 =	vadd.s32 v28, v57  }
0x20e: {  	vm8 =	vlt.s32 v27, $0x1FF;
	v58, _, _ =	vpop (xrf0);
	v40 =	vadd.s32 v56, v40;
	vm9 =	vlt.s32 v28, $0x1FF  }
0x20f: {  	v29 =	vadd.s32 v29, v58;
	v42, _, _ =	vpop (xrf0);
	v33 =	vadd.s32 v40, v41;
	v59 =	vnsel vm8, $0x1FF, v27  }
0x210: {  	s19 =	sadd.s32 $0x80, s19;
	v30 =	vadd.s32 v30, v42;
	v27, _, _ =	vpop (xrf0);
	vm8 =	vlt.s32 v29, $0x1FF;
	v60 =	vnsel vm9, $0x1FF, v28  }
0x211: {  	vm9 =	vlt.s32 v30, $0x1FF;
	v28, _, _ =	vpop (xrf0);
	v37 =	vadd.s32 v37, v27;
	v27 =	vld [tilespmem:s19+$0xFFFFFFC0];
	v43 =	vnsel vm8, $0x1FF, v29  }
0x212: {  	v34 =	vadd.s32 v34, v28;
	v29, _, _ =	vpop (xrf0);
	vm8 =	vlt.s32 v37, $0x1FF;
	v28 =	vld [tilespmem:s19+$0xFFFFFFD0];
	v44 =	vnsel vm9, $0x1FF, v30  }
0x213: {  	vm9 =	vlt.s32 v34, $0x1FF;
	v30, _, _ =	vpop (xrf0);
	v38 =	vadd.s32 v56, v29;
	v29 =	vld [tilespmem:s19+$0xFFFFFFE0];
	v45 =	vnsel vm8, $0x1FF, v37  }
0x214: {  	v40 =	vadd.s32 v40, v30;
	vm8 =	vlt.s32 v38, $0x1FF;
	v30 =	vld [tilespmem:s19+$0xFFFFFFF0];
	[tilespmem:v59+s12+$0x0] =	vst.idx.msk vm4, v31;
	v34 =	vnsel vm9, $0x1FF, v34  }
0x215: {  	v31 =	vld [tilespmem:s19+$0x0];
	vm4 =	vlt.s32 v40, $0x1FF;
	v37 =	vnsel vm8, $0x1FF, v38;
	[tilespmem:v60+s12+$0x0] =	vst.idx.msk vm0, v32;
	vm8 =	vmmov vm7  }
0x216: {  	v32 =	vld [tilespmem:s19+$0x10];
	vm7 =	vmmov vm5;
	v38 =	vnsel vm4, $0x1FF, v40;
	vm0 =	vge.f32 v27, v24;
	[tilespmem:v43+s12+$0x0] =	vst.idx.msk vm1, v35  }
0x217: {  	v35 =	vld [tilespmem:s19+$0x20];
	v61 =	vmpcnt.ones.xlane vm0;
	vm1 =	vge.f32 v28, v24;
	(xrf0) =	vadd.scan.msk.s32 vm0, v4;
	[tilespmem:v44+s12+$0x0] =	vst.idx.msk vm2, v36  }
0x218: {  	v36 =	vld [tilespmem:s19+$0x30];
	v62 =	vmpcnt.ones.xlane vm1;
	vm2 =	vge.f32 v29, v24;
	(xrf0) =	vadd.scan.msk.s32 vm1, v4;
	[tilespmem:v45+s12+$0x0] =	vst.idx.msk vm3, v39  }
0x219: {  	v39 =	vadd.s32 v33, v61;
	v63 =	vmpcnt.ones.xlane vm2;
	vm3 =	vge.f32 v30, v24;
	(xrf0) =	vadd.scan.msk.s32 vm2, v4  }
0x21a: {  	vm4 =	vge.f32 v31, v24;
	v40 =	vadd.s32 v39, v62;
	v42 =	vmpcnt.ones.xlane vm3;
	(xrf0) =	vadd.scan.msk.s32 vm3, v4  }
0x21b: {  	s20 =	simm.s32 $0x8;
	v43 =	vmpcnt.ones.xlane vm4;
	vm5 =	vge.f32 v32, v24;
	v41 =	vadd.s32 v40, v63;
	(xrf0) =	vadd.scan.msk.s32 vm4, v4  }
.LBB2_14:
0x21c: {  	s20 =	sadd.s32 $0x8, s20;
	v42 =	vadd.s32 v41, v42;
	v44 =	vmpcnt.ones.xlane vm5;
	vm9 =	vge.f32 v35, v24;
	(xrf0) =	vadd.scan.msk.s32 vm5, v4  }
0x21d: {  	p1 =	slt.u32 s20, $0x7F8;
	v43 =	vadd.s32 v42, v43;
	v45 =	vmpcnt.ones.xlane vm9;
	vm10 =	vge.f32 v36, v24;
	v46, _, _ =	vpop (xrf0);
	(xrf0) =	vadd.scan.msk.s32 vm9, v4  }
0x21e: {  	v46 =	vadd.s32 v33, v46;
	v44 =	vadd.s32 v43, v44;
	v33 =	vmpcnt.ones.xlane vm10;
	v47, _, _ =	vpop (xrf0);
	(xrf0) =	vadd.scan.msk.s32 vm10, v4  }
0x21f: {  	vm11 =	vlt.s32 v46, $0x1FF;
	v39 =	vadd.s32 v39, v47;
	v45 =	vadd.s32 v44, v45;
	v47, _, _ =	vpop (xrf0);
	[tilespmem:v38+s12+$0x0] =	vst.idx.msk vm8, v26  }
0x220: {  	vm8 =	vlt.s32 v39, $0x1FF;
	v26 =	vadd.s32 v40, v47;
	v33 =	vadd.s32 v45, v33;
	v38, _, _ =	vpop (xrf0);
	[tilespmem:v37+s12+$0x0] =	vst.idx.msk vm6, v25  }
0x221: {  	v37 =	vnsel vm11, $0x1FF, v46;
	vm6 =	vlt.s32 v26, $0x1FF;
	v25 =	vadd.s32 v41, v38;
	v38, _, _ =	vpop (xrf0);
	[tilespmem:v34+s12+$0x0] =	vst.idx.msk vm7, v23  }
0x222: {  	s19 =	sadd.s32 $0x80, s19;
	v39 =	vnsel vm8, $0x1FF, v39;
	vm7 =	vlt.s32 v25, $0x1FF;
	v23 =	vadd.s32 v42, v38;
	v34, _, _ =	vpop (xrf0)  }
0x223: {  	v41 =	vnsel vm6, $0x1FF, v26;
	v40 =	vld [tilespmem:s19+$0xFFFFFFC0];
	vm6 =	vlt.s32 v23, $0x1FF;
	v26 =	vadd.s32 v43, v34;
	v34, _, _ =	vpop (xrf0)  }
0x224: {  	v43 =	vnsel vm7, $0x1FF, v25;
	v42 =	vld [tilespmem:s19+$0xFFFFFFD0];
	vm7 =	vlt.s32 v26, $0x1FF;
	v38 =	vadd.s32 v44, v34;
	v25, _, _ =	vpop (xrf0)  }
0x225: {  	v46 =	vnsel vm6, $0x1FF, v23;
	v44 =	vld [tilespmem:s19+$0xFFFFFFE0];
	vm6 =	vlt.s32 v38, $0x1FF;
	v45 =	vadd.s32 v45, v25;
	v23 =	vmovc v32;
	v25 =	vmovc v35  }
0x226: {  	v34 =	vnsel vm7, $0x1FF, v26;
	v47 =	vld [tilespmem:s19+$0xFFFFFFF0];
	[tilespmem:v37+s12+$0x0] =	vst.idx.msk vm0, v27;
	v37 =	vnsel vm6, $0x1FF, v38;
	vm0 =	vlt.s32 v45, $0x1FF;
	v26 =	vmovc v36  }
0x227: {  	vm8 =	vmmov vm10;
	vm6 =	vmmov vm9;
	v48 =	vld [tilespmem:s19+$0x0];
	[tilespmem:v39+s12+$0x0] =	vst.idx.msk vm1, v28;
	v38 =	vnsel vm0, $0x1FF, v45  }
0x228: {  	vm7 =	vmmov vm5;
	vm0 =	vge.f32 v40, v24;
	v32 =	vld [tilespmem:s19+$0x10];
	[tilespmem:v41+s12+$0x0] =	vst.idx.msk vm2, v29;
	v27 =	vmov v40  }
.Ltmp11:
0x229: {  	v39 =	vmpcnt.ones.xlane vm0;
	vm1 =	vge.f32 v42, v24;
	v35 =	vld [tilespmem:s19+$0x20];
	(xrf0) =	vadd.scan.msk.s32 vm0, v4;
	[tilespmem:v43+s12+$0x0] =	vst.idx.msk vm3, v30;
	v28 =	vmovc v42;
	(pc) =	sbr.rel @p1 .LBB2_14-.Ltmp11, $4  }
0x22a: {  	v40 =	vmpcnt.ones.xlane vm1;
	vm2 =	vge.f32 v44, v24;
	v36 =	vld [tilespmem:s19+$0x30];
	(xrf0) =	vadd.scan.msk.s32 vm1, v4;
	[tilespmem:v46+s12+$0x0] =	vst.idx.msk vm4, v31;
	v29 =	vmovc v44  }
0x22b: {  	v39 =	vadd.s32 v33, v39;
	v41 =	vmpcnt.ones.xlane vm2;
	vm3 =	vge.f32 v47, v24;
	(xrf0) =	vadd.scan.msk.s32 vm2, v4;
	v30 =	vmovc v47  }
0x22c: {  	v40 =	vadd.s32 v39, v40;
	v42 =	vmpcnt.ones.xlane vm3;
	vm4 =	vge.f32 v48, v24;
	(xrf0) =	vadd.scan.msk.s32 vm3, v4;
	v31 =	vmovc v48  }
0x22d: {  	v41 =	vadd.s32 v40, v41;
	v43 =	vmpcnt.ones.xlane vm4;
	vm5 =	vge.f32 v32, v24;
	(xrf0) =	vadd.scan.msk.s32 vm4, v4  }
0x22e: {  	vm9 =	vge.f32 v35, v24;
	(xrf0) =	vadd.scan.msk.s32 vm5, v4;
	v42 =	vadd.s32 v41, v42;
	v44 =	vmpcnt.ones.xlane vm5  }
0x22f: {  	vm10 =	vge.f32 v36, v24;
	v49, _, _ =	vpop (xrf0);
	(xrf0) =	vadd.scan.msk.s32 vm9, v4;
	v43 =	vadd.s32 v42, v43;
	v46 =	vmpcnt.ones.xlane vm9  }
0x230: {  	v45, _, _ =	vpop (xrf0);
	(xrf0) =	vadd.scan.msk.s32 vm10, v4;
	v24 =	vadd.s32 v33, v49;
	v44 =	vadd.s32 v43, v44  }
0x231: {  	v50, _, _ =	vpop (xrf0);
	vm11 =	vlt.s32 v24, $0x1FF;
	v39 =	vadd.s32 v39, v45;
	v46 =	vadd.s32 v44, v46  }
0x232: {  	v51, _, _ =	vpop (xrf0);
	vm12 =	vlt.s32 v39, $0x1FF;
	v33 =	vadd.s32 v40, v50;
	v24 =	vnsel vm11, $0x1FF, v24  }
0x233: {  	v52, _, _ =	vpop (xrf0);
	vm11 =	vlt.s32 v33, $0x1FF;
	v53 =	vadd.s32 v41, v51;
	v39 =	vnsel vm12, $0x1FF, v39  }
0x234: {  	[tilespmem:v38+s12+$0x0] =	vst.idx.msk vm8, v26;
	v54, _, _ =	vpop (xrf0);
	vm12 =	vlt.s32 v53, $0x1FF;
	v40 =	vadd.s32 v42, v52;
	v56 =	vnsel vm11, $0x1FF, v33  }
0x235: {  	[tilespmem:v37+s12+$0x0] =	vst.idx.msk vm6, v25;
	v55, _, _ =	vpop (xrf0);
	vm14 =	vlt.s32 v40, $0x1FF;
	v57 =	vadd.s32 v43, v54;
	v59 =	vnsel vm12, $0x1FF, v53  }
0x236: {  	[tilespmem:v34+s12+$0x0] =	vst.idx.msk vm7, v23;
	v58, _, _ =	vpop (xrf0);
	v60 =	vadd.s32 v44, v55;
	v23 =	vnsel vm14, $0x1FF, v40;
	vm14 =	vlt.s32 v57, $0x1FF  }
0x237: {  	v38 =	vadd.s32 v46, v58;
	vm12 =	vlt.s32 v60, $0x1FF;
	[tilespmem:v24+s12+$0x0] =	vst.idx.msk vm0, v27;
	v63 =	vnsel vm14, $0x1FF, v57  }
0x238: {  	vm15 =	vlt.s32 v38, $0x1FF;
	v62 =	vnsel vm12, $0x1FF, v60;
	[tilespmem:v39+s12+$0x0] =	vst.idx.msk vm1, v28  }
0x239: {  	v61 =	vnsel vm15, $0x1FF, v38;
	[tilespmem:v56+s12+$0x0] =	vst.idx.msk vm2, v29  }
.Ltmp12:
0x23a: {  	[tilespmem:v59+s12+$0x0] =	vst.idx.msk vm3, v30;
	(pc) =	sbr.rel .LBB2_16-.Ltmp12, $4  }
0x23b: {  	[tilespmem:v23+s12+$0x0] =	vst.idx.msk vm4, v31  }
0x23c: {  	[tilespmem:v63+s12+$0x0] =	vst.idx.msk vm5, v32  }
0x23d: {  	[tilespmem:v62+s12+$0x0] =	vst.idx.msk vm9, v35  }
0x23e: {  	vm13 =	vmmov vm9;
	vm11 =	vmmov vm10;
	vm15 =	vmmov vm5;
	[tilespmem:v61+s12+$0x0] =	vst.idx.msk vm10, v36  }
.LBB2_18:
0x23f: {  	_ =	sfence.sel $0x180000  }
0x240: {  	[bflag:$0x0] =	sbarrier.arrive $0xFFFF  }
0x241: {  	p0 =	sne.s32 s0, $0x0;
	_ =	strace $0x90000047  }
0x242: {  	s0 =	sadd.s32 @!p0 $0x100000, s2;
	[bflag:$0x2] =	sbarrier.arrive $0xFFFF  }
0x243: {  	[sflag:s0] =	ssyncadd.tile.s32 @!p0 $0x1;
	_ =	shalt  }
.Lfunc_end2:
_tile_overlayer_lowered:
.L_overlay_start_2:
0x244: {  	(tag) =	ssettag $0x2  }
0x245: {  	s0 =	rddreg [dreg:$0x0];
	s2 =	stileid.u32  }
0x246: {  	s1 =	rddreg [dreg:$0x1];
	p0 =	sne.s32 s2, $0x0  }
0x247: {  	s3 =	rddreg [dreg:$0x2];
	[bflag:$0x3] =	sbarrier.arrive $0xFFFF;
	s2 =	simm.s32 @!p0 $0x1C03  }
0x248: {  	[timem:s3], [sflag:s2] =	dma.local @!p0 [hbm:s0], s1  }
0x249: {  	s0 =	simm.s32 @!p0 $0x3  }
0x24a: {  	_ =	swait.ge @!p0 [sflag:s0], s1  }
0x24b: {  	s1 =	ssub.s32 @!p0 $0x0, s1;
	[sflag:s0] =	ssyncset.done @!p0 $0x0  }
0x24c: {  	[sflag:s0] =	ssyncadd.s32 @!p0 s1  }
0x24d: {  	[bflag:$0x3] =	sbarrier.arrive $0xFFFF  }
0x24e: {  	_ =	shalt  }

</sc_bundles>
